<compile_context>
chip_gen: v7x
topology: tpu7x:2x2x1
jax: 0.10.2.dev20260603
libtpu: 0.0.44.dev20260713+nightly
codegen_flags: <defaults>
</compile_context>

<pallas_src>
import functools

import jax
import jax.numpy as jnp
from jax import lax
from jax.experimental import pallas as pl
from jax.experimental.pallas import tpu as pltpu
from jax.experimental.pallas import tpu_sc as plsc

_C = 19
_HB = 256
_ROWS = 4096
_N = _ROWS * 512
_K = 100000
_THRESH = 0.7
_NC, _NS = 2, 16
_NW = _NC * _NS
_RPW = _ROWS // _NW
_SUBR = 32


def _stage1_body(score_ref, target_ref, pred_ref, loss_ref, s07_ref, c07_ref):
    t = target_ref[0]
    s = jnp.zeros((_HB, 512), jnp.float32)
    pexp = jnp.zeros((_HB, 512), jnp.float32)
    st = jnp.zeros((_HB, 512), jnp.float32)
    for c in range(_C):
        xc = score_ref[0, c]
        e = jnp.exp(xc)
        s = s + e
        sel = t == c
        pexp = jnp.where(sel, e, pexp)
        st = jnp.where(sel, xc, st)
    predv = pexp / s
    lossv = jnp.log(s) - st
    pred_ref[...] = lax.bitcast_convert_type(predv, jnp.int32)
    loss_ref[...] = lossv
    keep07 = predv < _THRESH
    s07_ref[...] = jnp.sum(jnp.where(keep07, lossv, 0.0), axis=0).reshape(1, 1, 512)
    c07_ref[...] = jnp.sum(keep07.astype(jnp.float32), axis=0).reshape(1, 1, 512)


def _stage1(score, target):
    nj = 512 // _HB
    return pl.pallas_call(
        _stage1_body,
        grid=(8, nj),
        in_specs=[
            pl.BlockSpec((1, _C, _HB, 512), lambda b, j: (b, 0, j, 0)),
            pl.BlockSpec((1, _HB, 512), lambda b, j: (b, j, 0)),
        ],
        out_specs=[
            pl.BlockSpec((_HB, 512), lambda b, j: (b * nj + j, 0)),
            pl.BlockSpec((_HB, 512), lambda b, j: (b * nj + j, 0)),
            pl.BlockSpec((1, 1, 512), lambda b, j: (b * nj + j, 0, 0)),
            pl.BlockSpec((1, 1, 512), lambda b, j: (b * nj + j, 0, 0)),
        ],
        out_shape=[
            jax.ShapeDtypeStruct((_ROWS, 512), jnp.int32),
            jax.ShapeDtypeStruct((_ROWS, 512), jnp.float32),
            jax.ShapeDtypeStruct((8 * nj, 1, 512), jnp.float32),
            jax.ShapeDtypeStruct((8 * nj, 1, 512), jnp.float32),
        ],
    )(score, target)


def _sc_mesh():
    return plsc.VectorSubcoreMesh(core_axis_name="c", subcore_axis_name="s")


def _make_hist_level(level, nb):

    @functools.partial(
        pl.kernel,
        mesh=_sc_mesh(),
        compiler_params=pltpu.CompilerParams(needs_layout_passes=False),
        out_type=jax.ShapeDtypeStruct((_NW, nb), jnp.int32),
        scratch_types=[
            pltpu.VMEM((16,), jnp.int32),
            pltpu.VMEM((_RPW, 512), jnp.int32),
            pltpu.VMEM((16, nb + 3), jnp.int32),
            pltpu.VMEM((nb,), jnp.int32),
        ],
    )
    def hist_kernel(pred_hbm, pref_hbm, out_hbm, pref_v, chunk_v, hist_v, merged_v):
        wid = lax.axis_index("s") * _NC + lax.axis_index("c")
        pltpu.sync_copy(pred_hbm.at[pl.ds(wid * _RPW, _RPW)], chunk_v)
        pltpu.sync_copy(pref_hbm, pref_v)
        zero16 = jnp.zeros((16,), jnp.int32)

        def zero_body(j, carry):
            for l in range(16):
                hist_v[l, pl.ds(j * 16, 16)] = zero16
            return carry

        lax.fori_loop(0, nb // 16, zero_body, 0)

        lane = lax.iota(jnp.int32, 16)
        ones = jnp.ones((16,), jnp.int32)
        pref = pref_v[...]

        @plsc.parallel_loop(0, _RPW * 32, 1, unroll=8)
        def vec_body(i):
            bits = chunk_v[i >> 5, pl.ds((i & 31) * 16, 16)]
            if level == 0:
                bucket = lax.shift_right_logical(bits, 21)
                plsc.addupdate_scatter(hist_v, [lane, bucket], ones)
            else:
                hi = lax.shift_right_logical(bits, 21)
                bucket = jnp.bitwise_and(lax.shift_right_logical(bits, 10), 0x7FF)
                plsc.addupdate_scatter(hist_v, [lane, bucket], ones, mask=hi == pref)

        def merge_body(j, carry):
            acc = hist_v[0, pl.ds(j * 16, 16)]
            for l in range(1, 16):
                acc = acc + hist_v[l, pl.ds(j * 16, 16)]
            merged_v[pl.ds(j * 16, 16)] = acc
            return carry

        lax.fori_loop(0, nb // 16, merge_body, 0)
        pltpu.sync_copy(merged_v, out_hbm.at[wid])

    return hist_kernel


def _make_tail():

    @functools.partial(
        pl.kernel,
        mesh=_sc_mesh(),
        compiler_params=pltpu.CompilerParams(needs_layout_passes=False),
        out_type=[
            jax.ShapeDtypeStruct((_NW, 1024), jnp.int32),
            jax.ShapeDtypeStruct((_NW, 1024), jnp.float32),
            jax.ShapeDtypeStruct((_NW, 16), jnp.float32),
            jax.ShapeDtypeStruct((_NW, 16), jnp.float32),
        ],
        scratch_types=[
            pltpu.VMEM((16,), jnp.int32),
            pltpu.VMEM((_SUBR, 512), jnp.int32),
            pltpu.VMEM((_SUBR, 512), jnp.float32),
            pltpu.VMEM((16, 1024 + 3), jnp.int32),
            pltpu.VMEM((16, 1024 + 3), jnp.float32),
            pltpu.VMEM((1024,), jnp.int32),
            pltpu.VMEM((1024,), jnp.float32),
            pltpu.VMEM((16,), jnp.float32),
            pltpu.VMEM((16,), jnp.float32),
        ],
    )
    def tail_kernel(pred_hbm, loss_hbm, pref_hbm, hist_hbm, lbin_hbm, bsum_hbm,
                    bcnt_hbm, pref_v, predc, lossc, hist_v, lbin_v, mh_v, ml_v,
                    sv, cv):
        wid = lax.axis_index("s") * _NC + lax.axis_index("c")
        base = wid * _RPW
        pltpu.sync_copy(pref_hbm, pref_v)
        zi = jnp.zeros((16,), jnp.int32)
        zf = jnp.zeros((16,), jnp.float32)

        def zero_body(j, carry):
            for l in range(16):
                hist_v[l, pl.ds(j * 16, 16)] = zi
                lbin_v[l, pl.ds(j * 16, 16)] = zf
            return carry

        lax.fori_loop(0, 1024 // 16, zero_body, 0)

        lane = lax.iota(jnp.int32, 16)
        ones = jnp.ones((16,), jnp.int32)
        pref = pref_v[...]
        base_bits = lax.shift_left(pref, 10)

        bs, bc = zf, zf
        for scix in range(_RPW // _SUBR):
            pltpu.sync_copy(pred_hbm.at[pl.ds(base + scix * _SUBR, _SUBR)], predc)
            pltpu.sync_copy(loss_hbm.at[pl.ds(base + scix * _SUBR, _SUBR)], lossc)

            @plsc.parallel_loop(0, _SUBR * 32, 1, unroll=4, carry=(bs, bc))
            def vec_body(i, carry):
                bsum0, bcnt0 = carry
                bits = predc[i >> 5, pl.ds((i & 31) * 16, 16)]
                lv = lossc[i >> 5, pl.ds((i & 31) * 16, 16)]
                eq = lax.shift_right_logical(bits, 10) == pref
                bucket = jnp.bitwise_and(bits, 0x3FF)
                plsc.addupdate_scatter(hist_v, [lane, bucket], ones, mask=eq)
                plsc.addupdate_scatter(lbin_v, [lane, bucket], lv, mask=eq)
                below = bits < base_bits
                bsum0 = bsum0 + jnp.where(below, lv, 0.0)
                bcnt0 = bcnt0 + jnp.where(below, 1.0, 0.0)
                return (bsum0, bcnt0)

            bs, bc = vec_body

        def merge_body(j, carry):
            acch = hist_v[0, pl.ds(j * 16, 16)]
            accl = lbin_v[0, pl.ds(j * 16, 16)]
            for l in range(1, 16):
                acch = acch + hist_v[l, pl.ds(j * 16, 16)]
                accl = accl + lbin_v[l, pl.ds(j * 16, 16)]
            mh_v[pl.ds(j * 16, 16)] = acch
            ml_v[pl.ds(j * 16, 16)] = accl
            return carry

        lax.fori_loop(0, 1024 // 16, merge_body, 0)
        sv[...] = bs
        cv[...] = bc
        pltpu.sync_copy(mh_v, hist_hbm.at[wid])
        pltpu.sync_copy(ml_v, lbin_hbm.at[wid])
        pltpu.sync_copy(sv, bsum_hbm.at[wid])
        pltpu.sync_copy(cv, bcnt_hbm.at[wid])

    return tail_kernel


@functools.lru_cache(maxsize=None)
def _sc_kernels():
    return (_make_hist_level(0, 2048), _make_hist_level(1, 2048), _make_tail())


def _pick(hists, rank):
    h = jnp.sum(hists, axis=0)
    cum = jnp.cumsum(h)
    b = jnp.sum((cum <= rank).astype(jnp.int32))
    below = jnp.where(b > 0, jnp.take(cum, jnp.maximum(b - 1, 0)), 0)
    return b, rank - below


def kernel(score, target):
    hist_l1, hist_l2, tail_k = _sc_kernels()
    pred, loss, s07, c07 = _stage1(score, target)
    rank = jnp.int32(_K)
    zpref = jnp.zeros((16,), jnp.int32)
    b1, rank = _pick(hist_l1(pred, zpref), rank)
    p1 = jnp.broadcast_to(b1, (16,)).astype(jnp.int32)
    b2, rank = _pick(hist_l2(pred, p1), rank)
    p2 = jnp.broadcast_to(b1 * 2048 + b2, (16,)).astype(jnp.int32)
    h3, lb3, bsum, bcnt = tail_k(pred, loss, p2)
    ht = jnp.sum(h3, axis=0)
    cum = jnp.cumsum(ht)
    b3 = jnp.sum((cum <= rank).astype(jnp.int32))
    nbelow3 = jnp.where(b3 > 0, jnp.take(cum, jnp.maximum(b3 - 1, 0)), 0)
    lcum = jnp.cumsum(jnp.sum(lb3, axis=0))
    lbelow3 = jnp.where(b3 > 0, jnp.take(lcum, jnp.maximum(b3 - 1, 0)), 0.0)
    bits = (b1 << 21) | (b2 << 10) | b3
    minv = lax.bitcast_convert_type(bits, jnp.float32)
    sel_sum = jnp.sum(bsum) + lbelow3
    sel_cnt = jnp.sum(bcnt) + nbelow3.astype(jnp.float32)
    common = jnp.sum(s07) / jnp.sum(c07)
    rare = sel_sum / sel_cnt
    return jnp.where(minv <= jnp.float32(_THRESH), common, rare)

# --- scband reference (transcript-rebuilt; emitter-appended) ---
"""Pipeline reference for scband-ohem-cross-entropy-1082331758846 (READ-ONLY COPY).

The authoritative reference and input builder live on the scoring server;
editing this copy changes nothing except your own understanding.
"""

import jax, jax.numpy as jnp
import numpy as np

IGNORE_LABEL = -1
THRESH = 0.7
MIN_KEPT = 100000


def setup_inputs(seed: int = 0) -> dict:
    key = jax.random.key(seed)
    k1, k2 = jax.random.split(key)
    score = jax.random.normal(k1, (8, 19, 512, 512), dtype=jnp.float32)
    target = jax.random.randint(k2, (8, 512, 512), 0, 19, dtype=jnp.int32)
    return {"score": score, "target": target}


def reference(score, target):
    # config.MODEL.NUM_OUTPUTS == 1, BALANCE_WEIGHTS == [1] -> pure OHEM branch.
    # score and target have matching spatial dims, so no interpolation.
    B, C, H, W = score.shape
    logp = jax.nn.log_softmax(score, axis=1)
    pred = jnp.exp(logp)  # softmax probabilities
    tmp_target = jnp.where(target == IGNORE_LABEL, 0, target)
    idx = tmp_target[:, None, :, :]
    # per-pixel cross entropy (reduction='none'); ignored pixels masked out below
    gathered_logp = jnp.take_along_axis(logp, idx, axis=1)[:, 0]
    pixel_losses = (-gathered_logp).reshape(-1)
    pred_g = jnp.take_along_axis(pred, idx, axis=1)[:, 0].reshape(-1)
    mask = target.reshape(-1) != IGNORE_LABEL
    n_valid = mask.sum()
    idx_kept = jnp.minimum(MIN_KEPT, n_valid - 1)
    # push ignored pixels to the end of the sort (equivalent to pred[mask].sort())
    pred_inf = jnp.where(mask, pred_g, jnp.inf)
    sorted_pred = jnp.sort(pred_inf)
    min_value = sorted_pred[idx_kept]
    threshold = jnp.maximum(min_value, THRESH)
    keep = mask & (pred_g < threshold)
    # mean over kept pixels == sum(kept losses) / count(kept)
    loss = jnp.where(keep, pixel_losses, 0.0).sum() / keep.sum().astype(jnp.float32)
    return loss

if __name__ == "__main__":
    import jax
    _d = setup_inputs()
    print(jax.jit(kernel)(*tuple(_d.values())))

</pallas_src>

<mosaic_0001>
#map = affine_map<(d0, d1) -> (0, 0)>
#map1 = affine_map<(d0, d1) -> (0)>
module attributes {stable_mosaic.version = 14 : i64} {
  func.func @hist_kernel(%arg0: i32, %arg1: i32, %arg2: memref<4096x512xi32, #tpu.memory_space<hbm>>, %arg3: memref<16xi32, #tpu.memory_space<hbm>>, %arg4: memref<32x2048xi32, #tpu.memory_space<hbm>>, %arg5: memref<16xi32, #tpu.memory_space<vmem>>, %arg6: memref<128x512xi32, #tpu.memory_space<vmem>>, %arg7: memref<16x2051xi32, #tpu.memory_space<vmem>>, %arg8: memref<2048xi32, #tpu.memory_space<vmem>>) attributes {dimension_semantics = [#tpu.dimension_semantics<core_parallel>, #tpu.dimension_semantics<subcore_parallel>], iteration_bounds = array<i64: 2, 16>, scalar_prefetch = 0 : i64, scratch_operands = 4 : i64, tpu.core_type = #tpu.core_type<sc_vector_subcore>, window_params = [{transform_indices = #map}, {transform_indices = #map1}, {transform_indices = #map}]} {
    %mul3A = arith.constant 2 : i32
    %mul3A_0 = arith.muli %arg1, %mul3A : i32
    %add3A = arith.addi %mul3A_0, %arg0 : i32
    %mul3A_1 = arith.constant 128 : i32
    %mul3A_2 = arith.muli %add3A, %mul3A_1 : i32
    "tpu.region"() ({
      %run_scoped3A = tpu.sem_alloc : memref<!tpu.dma_semaphore, #tpu.memory_space<semaphore_mem>>
      %dma_start3A = arith.constant 0 : i32
      %dma_start3A_20 = tpu.memref_slice %arg2[%mul3A_2, %dma_start3A] : memref<4096x512xi32, #tpu.memory_space<hbm>> -> memref<128x512xi32, #tpu.memory_space<hbm>>
      %dma_start3A_21 = arith.constant 0 : i32
      %dma_start3A_22 = tpu.memref_slice %arg2[%mul3A_2, %dma_start3A_21] : memref<4096x512xi32, #tpu.memory_space<hbm>> -> memref<128x512xi32, #tpu.memory_space<hbm>>
      tpu.enqueue_dma source(%dma_start3A_22 : memref<128x512xi32, #tpu.memory_space<hbm>>) target(%arg6 : memref<128x512xi32, #tpu.memory_space<vmem>>) target_semaphore(%run_scoped3A : memref<!tpu.dma_semaphore, #tpu.memory_space<semaphore_mem>>)
      %dma_wait3A = arith.constant 0 : i32
      %dma_wait3A_23 = tpu.memref_slice %arg2[%mul3A_2, %dma_wait3A] : memref<4096x512xi32, #tpu.memory_space<hbm>> -> memref<128x512xi32, #tpu.memory_space<hbm>>
      %dma_wait3A_24 = arith.constant 0 : i32
      %dma_wait3A_25 = tpu.memref_slice %arg2[%mul3A_2, %dma_wait3A_24] : memref<4096x512xi32, #tpu.memory_space<hbm>> -> memref<128x512xi32, #tpu.memory_space<hbm>>
      tpu.wait_dma2 semaphore(%run_scoped3A : memref<!tpu.dma_semaphore, #tpu.memory_space<semaphore_mem>>) src(%dma_wait3A_25 : memref<128x512xi32, #tpu.memory_space<hbm>>) dst(%arg6 : memref<128x512xi32, #tpu.memory_space<vmem>>)
      tpu.yield
    }) : () -> ()
    "tpu.region"() ({
      %run_scoped3A = tpu.sem_alloc : memref<!tpu.dma_semaphore, #tpu.memory_space<semaphore_mem>>
      tpu.enqueue_dma source(%arg3 : memref<16xi32, #tpu.memory_space<hbm>>) target(%arg5 : memref<16xi32, #tpu.memory_space<vmem>>) target_semaphore(%run_scoped3A : memref<!tpu.dma_semaphore, #tpu.memory_space<semaphore_mem>>)
      tpu.wait_dma2 semaphore(%run_scoped3A : memref<!tpu.dma_semaphore, #tpu.memory_space<semaphore_mem>>) src(%arg3 : memref<16xi32, #tpu.memory_space<hbm>>) dst(%arg5 : memref<16xi32, #tpu.memory_space<vmem>>)
      tpu.yield
    }) : () -> ()
    %broadcast_in_dim3A = arith.constant 0 : i32
    %broadcast_in_dim3A_3 = vector.broadcast %broadcast_in_dim3A : i32 to vector<16xi32>
    %scan3A = arith.constant 0 : i32
    %scan3A_4 = arith.constant 0 : i32
    %scan3A_5 = arith.constant 128 : i32
    %scan3A_6 = arith.addi %scan3A_4, %scan3A_5 : i32
    %scan3A_7 = arith.constant 1 : i32
    scf.for %scan3A_20 = %scan3A_4 to %scan3A_6 step %scan3A_7  : i32 {
      %mul3A_21 = arith.constant 16 : i32
      %mul3A_22 = arith.muli %scan3A_20, %mul3A_21 : i32
      %swap3A = arith.constant 0 : i32
      %swap3A_23 = arith.index_cast %swap3A : i32 to index
      %swap3A_24 = arith.index_cast %mul3A_22 : i32 to index
      %swap3A_25 = tpu.vector_load %arg7[%swap3A_23, %swap3A_24] {strides = array<i32>} : memref<16x2051xi32, #tpu.memory_space<vmem>>, vector<16xi32>,
      tpu.vector_store %arg7[%swap3A_23, %swap3A_24], %broadcast_in_dim3A_3 {strides = array<i32>} : memref<16x2051xi32, #tpu.memory_space<vmem>>, vector<16xi32>,
      %mul3A_26 = arith.constant 16 : i32
      %mul3A_27 = arith.muli %scan3A_20, %mul3A_26 : i32
      %swap3A_28 = arith.constant 1 : i32
      %swap3A_29 = arith.index_cast %swap3A_28 : i32 to index
      %swap3A_30 = arith.index_cast %mul3A_27 : i32 to index
      %swap3A_31 = tpu.vector_load %arg7[%swap3A_29, %swap3A_30] {strides = array<i32>} : memref<16x2051xi32, #tpu.memory_space<vmem>>, vector<16xi32>,
      tpu.vector_store %arg7[%swap3A_29, %swap3A_30], %broadcast_in_dim3A_3 {strides = array<i32>} : memref<16x2051xi32, #tpu.memory_space<vmem>>, vector<16xi32>,
      %mul3A_32 = arith.constant 16 : i32
      %mul3A_33 = arith.muli %scan3A_20, %mul3A_32 : i32
      %swap3A_34 = arith.constant 2 : i32
      %swap3A_35 = arith.index_cast %swap3A_34 : i32 to index
      %swap3A_36 = arith.index_cast %mul3A_33 : i32 to index
      %swap3A_37 = tpu.vector_load %arg7[%swap3A_35, %swap3A_36] {strides = array<i32>} : memref<16x2051xi32, #tpu.memory_space<vmem>>, vector<16xi32>,
      tpu.vector_store %arg7[%swap3A_35, %swap3A_36], %broadcast_in_dim3A_3 {strides = array<i32>} : memref<16x2051xi32, #tpu.memory_space<vmem>>, vector<16xi32>,
      %mul3A_38 = arith.constant 16 : i32
      %mul3A_39 = arith.muli %scan3A_20, %mul3A_38 : i32
      %swap3A_40 = arith.constant 3 : i32
      %swap3A_41 = arith.index_cast %swap3A_40 : i32 to index
      %swap3A_42 = arith.index_cast %mul3A_39 : i32 to index
      %swap3A_43 = tpu.vector_load %arg7[%swap3A_41, %swap3A_42] {strides = array<i32>} : memref<16x2051xi32, #tpu.memory_space<vmem>>, vector<16xi32>,
      tpu.vector_store %arg7[%swap3A_41, %swap3A_42], %broadcast_in_dim3A_3 {strides = array<i32>} : memref<16x2051xi32, #tpu.memory_space<vmem>>, vector<16xi32>,
      %mul3A_44 = arith.constant 16 : i32
      %mul3A_45 = arith.muli %scan3A_20, %mul3A_44 : i32
      %swap3A_46 = arith.constant 4 : i32
      %swap3A_47 = arith.index_cast %swap3A_46 : i32 to index
      %swap3A_48 = arith.index_cast %mul3A_45 : i32 to index
      %swap3A_49 = tpu.vector_load %arg7[%swap3A_47, %swap3A_48] {strides = array<i32>} : memref<16x2051xi32, #tpu.memory_space<vmem>>, vector<16xi32>,
      tpu.vector_store %arg7[%swap3A_47, %swap3A_48], %broadcast_in_dim3A_3 {strides = array<i32>} : memref<16x2051xi32, #tpu.memory_space<vmem>>, vector<16xi32>,
      %mul3A_50 = arith.constant 16 : i32
      %mul3A_51 = arith.muli %scan3A_20, %mul3A_50 : i32
      %swap3A_52 = arith.constant 5 : i32
      %swap3A_53 = arith.index_cast %swap3A_52 : i32 to index
      %swap3A_54 = arith.index_cast %mul3A_51 : i32 to index
      %swap3A_55 = tpu.vector_load %arg7[%swap3A_53, %swap3A_54] {strides = array<i32>} : memref<16x2051xi32, #tpu.memory_space<vmem>>, vector<16xi32>,
      tpu.vector_store %arg7[%swap3A_53, %swap3A_54], %broadcast_in_dim3A_3 {strides = array<i32>} : memref<16x2051xi32, #tpu.memory_space<vmem>>, vector<16xi32>,
      %mul3A_56 = arith.constant 16 : i32
      %mul3A_57 = arith.muli %scan3A_20, %mul3A_56 : i32
      %swap3A_58 = arith.constant 6 : i32
      %swap3A_59 = arith.index_cast %swap3A_58 : i32 to index
      %swap3A_60 = arith.index_cast %mul3A_57 : i32 to index
      %swap3A_61 = tpu.vector_load %arg7[%swap3A_59, %swap3A_60] {strides = array<i32>} : memref<16x2051xi32, #tpu.memory_space<vmem>>, vector<16xi32>,
      tpu.vector_store %arg7[%swap3A_59, %swap3A_60], %broadcast_in_dim3A_3 {strides = array<i32>} : memref<16x2051xi32, #tpu.memory_space<vmem>>, vector<16xi32>,
      %mul3A_62 = arith.constant 16 : i32
      %mul3A_63 = arith.muli %scan3A_20, %mul3A_62 : i32
      %swap3A_64 = arith.constant 7 : i32
      %swap3A_65 = arith.index_cast %swap3A_64 : i32 to index
      %swap3A_66 = arith.index_cast %mul3A_63 : i32 to index
      %swap3A_67 = tpu.vector_load %arg7[%swap3A_65, %swap3A_66] {strides = array<i32>} : memref<16x2051xi32, #tpu.memory_space<vmem>>, vector<16xi32>,
      tpu.vector_store %arg7[%swap3A_65, %swap3A_66], %broadcast_in_dim3A_3 {strides = array<i32>} : memref<16x2051xi32, #tpu.memory_space<vmem>>, vector<16xi32>,
      %mul3A_68 = arith.constant 16 : i32
      %mul3A_69 = arith.muli %scan3A_20, %mul3A_68 : i32
      %swap3A_70 = arith.constant 8 : i32
      %swap3A_71 = arith.index_cast %swap3A_70 : i32 to index
      %swap3A_72 = arith.index_cast %mul3A_69 : i32 to index
      %swap3A_73 = tpu.vector_load %arg7[%swap3A_71, %swap3A_72] {strides = array<i32>} : memref<16x2051xi32, #tpu.memory_space<vmem>>, vector<16xi32>,
      tpu.vector_store %arg7[%swap3A_71, %swap3A_72], %broadcast_in_dim3A_3 {strides = array<i32>} : memref<16x2051xi32, #tpu.memory_space<vmem>>, vector<16xi32>,
      %mul3A_74 = arith.constant 16 : i32
      %mul3A_75 = arith.muli %scan3A_20, %mul3A_74 : i32
      %swap3A_76 = arith.constant 9 : i32
      %swap3A_77 = arith.index_cast %swap3A_76 : i32 to index
      %swap3A_78 = arith.index_cast %mul3A_75 : i32 to index
      %swap3A_79 = tpu.vector_load %arg7[%swap3A_77, %swap3A_78] {strides = array<i32>} : memref<16x2051xi32, #tpu.memory_space<vmem>>, vector<16xi32>,
      tpu.vector_store %arg7[%swap3A_77, %swap3A_78], %broadcast_in_dim3A_3 {strides = array<i32>} : memref<16x2051xi32, #tpu.memory_space<vmem>>, vector<16xi32>,
      %mul3A_80 = arith.constant 16 : i32
      %mul3A_81 = arith.muli %scan3A_20, %mul3A_80 : i32
      %swap3A_82 = arith.constant 10 : i32
      %swap3A_83 = arith.index_cast %swap3A_82 : i32 to index
      %swap3A_84 = arith.index_cast %mul3A_81 : i32 to index
      %swap3A_85 = tpu.vector_load %arg7[%swap3A_83, %swap3A_84] {strides = array<i32>} : memref<16x2051xi32, #tpu.memory_space<vmem>>, vector<16xi32>,
      tpu.vector_store %arg7[%swap3A_83, %swap3A_84], %broadcast_in_dim3A_3 {strides = array<i32>} : memref<16x2051xi32, #tpu.memory_space<vmem>>, vector<16xi32>,
      %mul3A_86 = arith.constant 16 : i32
      %mul3A_87 = arith.muli %scan3A_20, %mul3A_86 : i32
      %swap3A_88 = arith.constant 11 : i32
      %swap3A_89 = arith.index_cast %swap3A_88 : i32 to index
      %swap3A_90 = arith.index_cast %mul3A_87 : i32 to index
      %swap3A_91 = tpu.vector_load %arg7[%swap3A_89, %swap3A_90] {strides = array<i32>} : memref<16x2051xi32, #tpu.memory_space<vmem>>, vector<16xi32>,
      tpu.vector_store %arg7[%swap3A_89, %swap3A_90], %broadcast_in_dim3A_3 {strides = array<i32>} : memref<16x2051xi32, #tpu.memory_space<vmem>>, vector<16xi32>,
      %mul3A_92 = arith.constant 16 : i32
      %mul3A_93 = arith.muli %scan3A_20, %mul3A_92 : i32
      %swap3A_94 = arith.constant 12 : i32
      %swap3A_95 = arith.index_cast %swap3A_94 : i32 to index
      %swap3A_96 = arith.index_cast %mul3A_93 : i32 to index
      %swap3A_97 = tpu.vector_load %arg7[%swap3A_95, %swap3A_96] {strides = array<i32>} : memref<16x2051xi32, #tpu.memory_space<vmem>>, vector<16xi32>,
      tpu.vector_store %arg7[%swap3A_95, %swap3A_96], %broadcast_in_dim3A_3 {strides = array<i32>} : memref<16x2051xi32, #tpu.memory_space<vmem>>, vector<16xi32>,
      %mul3A_98 = arith.constant 16 : i32
      %mul3A_99 = arith.muli %scan3A_20, %mul3A_98 : i32
      %swap3A_100 = arith.constant 13 : i32
      %swap3A_101 = arith.index_cast %swap3A_100 : i32 to index
      %swap3A_102 = arith.index_cast %mul3A_99 : i32 to index
      %swap3A_103 = tpu.vector_load %arg7[%swap3A_101, %swap3A_102] {strides = array<i32>} : memref<16x2051xi32, #tpu.memory_space<vmem>>, vector<16xi32>,
      tpu.vector_store %arg7[%swap3A_101, %swap3A_102], %broadcast_in_dim3A_3 {strides = array<i32>} : memref<16x2051xi32, #tpu.memory_space<vmem>>, vector<16xi32>,
      %mul3A_104 = arith.constant 16 : i32
      %mul3A_105 = arith.muli %scan3A_20, %mul3A_104 : i32
      %swap3A_106 = arith.constant 14 : i32
      %swap3A_107 = arith.index_cast %swap3A_106 : i32 to index
      %swap3A_108 = arith.index_cast %mul3A_105 : i32 to index
      %swap3A_109 = tpu.vector_load %arg7[%swap3A_107, %swap3A_108] {strides = array<i32>} : memref<16x2051xi32, #tpu.memory_space<vmem>>, vector<16xi32>,
      tpu.vector_store %arg7[%swap3A_107, %swap3A_108], %broadcast_in_dim3A_3 {strides = array<i32>} : memref<16x2051xi32, #tpu.memory_space<vmem>>, vector<16xi32>,
      %mul3A_110 = arith.constant 16 : i32
      %mul3A_111 = arith.muli %scan3A_20, %mul3A_110 : i32
      %swap3A_112 = arith.constant 15 : i32
      %swap3A_113 = arith.index_cast %swap3A_112 : i32 to index
      %swap3A_114 = arith.index_cast %mul3A_111 : i32 to index
      %swap3A_115 = tpu.vector_load %arg7[%swap3A_113, %swap3A_114] {strides = array<i32>} : memref<16x2051xi32, #tpu.memory_space<vmem>>, vector<16xi32>,
      tpu.vector_store %arg7[%swap3A_113, %swap3A_114], %broadcast_in_dim3A_3 {strides = array<i32>} : memref<16x2051xi32, #tpu.memory_space<vmem>>, vector<16xi32>,
    }
    %scan3A_8 = arith.constant 128 : i32
    %iota3A = tpu.iota {dimensions = array<i32: 0>} : vector<16xi32>
    %broadcast_in_dim3A_9 = arith.constant 1 : i32
    %broadcast_in_dim3A_10 = vector.broadcast %broadcast_in_dim3A_9 : i32 to vector<16xi32>
    %get3A = arith.constant 0 : index
    %get3A_11 = tpu.vector_load %arg5[%get3A] {strides = array<i32>} : memref<16xi32, #tpu.memory_space<vmem>>, vector<16xi32>,
    %parallel_loop3A = arith.constant 0 : i32
    %parallel_loop3A_12 = arith.constant 4096 : i32
    %parallel_loop3A_13 = arith.constant 1 : i32
    scf.for %parallel_loop3A_20 = %parallel_loop3A to %parallel_loop3A_12 step %parallel_loop3A_13  : i32 {
      %parallel_loop3A_21 = arith.constant 5 : i32
      %parallel_loop3A_22 = arith.shrsi %parallel_loop3A_20, %parallel_loop3A_21 : i32
      %parallel_loop3A_23 = arith.constant 31 : i32
      %parallel_loop3A_24 = arith.andi %parallel_loop3A_20, %parallel_loop3A_23 : i32
      %parallel_loop3A_25 = arith.constant 16 : i32
      %parallel_loop3A_26 = arith.muli %parallel_loop3A_24, %parallel_loop3A_25 : i32
      %parallel_loop3A_27 = arith.index_cast %parallel_loop3A_22 : i32 to index
      %parallel_loop3A_28 = arith.index_cast %parallel_loop3A_26 : i32 to index
      %parallel_loop3A_29 = tpu.vector_load %arg6[%parallel_loop3A_27, %parallel_loop3A_28] {strides = array<i32>} : memref<128x512xi32, #tpu.memory_space<vmem>>, vector<16xi32>,
      %parallel_loop3A_30 = arith.constant 21 : i32
      %parallel_loop3A_31 = vector.broadcast %parallel_loop3A_30 : i32 to vector<16xi32>
      %parallel_loop3A_32 = arith.shrui %parallel_loop3A_29, %parallel_loop3A_31 : vector<16xi32>
      %parallel_loop3A_33 = arith.constant 10 : i32
      %parallel_loop3A_34 = vector.broadcast %parallel_loop3A_33 : i32 to vector<16xi32>
      %parallel_loop3A_35 = arith.shrui %parallel_loop3A_29, %parallel_loop3A_34 : vector<16xi32>
      %parallel_loop3A_36 = arith.constant 2047 : i32
      %parallel_loop3A_37 = vector.broadcast %parallel_loop3A_36 : i32 to vector<16xi32>
      %parallel_loop3A_38 = arith.andi %parallel_loop3A_35, %parallel_loop3A_37 : vector<16xi32>
      %parallel_loop3A_39 = arith.cmpi eq, %parallel_loop3A_32, %get3A_11 : vector<16xi32>
      tpu.vector_store_idx %arg7[%iota3A, %parallel_loop3A_38], %broadcast_in_dim3A_10 masked %parallel_loop3A_39 {add = true} : memref<16x2051xi32, #tpu.memory_space<vmem>>[vector<16xi32>, vector<16xi32>], vector<16xi32>, vector<16xi1>
    } {sc.loop_unroll_factor = 8 : i64, sc.parallel_access}
    %scan3A_14 = arith.constant 0 : i32
    %scan3A_15 = arith.constant 0 : i32
    %scan3A_16 = arith.constant 128 : i32
    %scan3A_17 = arith.addi %scan3A_15, %scan3A_16 : i32
    %scan3A_18 = arith.constant 1 : i32
    scf.for %scan3A_20 = %scan3A_15 to %scan3A_17 step %scan3A_18  : i32 {
      %mul3A_21 = arith.constant 16 : i32
      %mul3A_22 = arith.muli %scan3A_20, %mul3A_21 : i32
      %get3A_23 = arith.constant 0 : i32
      %get3A_24 = arith.index_cast %get3A_23 : i32 to index
      %get3A_25 = arith.index_cast %mul3A_22 : i32 to index
      %get3A_26 = tpu.vector_load %arg7[%get3A_24, %get3A_25] {strides = array<i32>} : memref<16x2051xi32, #tpu.memory_space<vmem>>, vector<16xi32>,
      %mul3A_27 = arith.constant 16 : i32
      %mul3A_28 = arith.muli %scan3A_20, %mul3A_27 : i32
      %get3A_29 = arith.constant 1 : i32
      %get3A_30 = arith.index_cast %get3A_29 : i32 to index
      %get3A_31 = arith.index_cast %mul3A_28 : i32 to index
      %get3A_32 = tpu.vector_load %arg7[%get3A_30, %get3A_31] {strides = array<i32>} : memref<16x2051xi32, #tpu.memory_space<vmem>>, vector<16xi32>,
      %add3A_33 = arith.addi %get3A_26, %get3A_32 : vector<16xi32>
      %mul3A_34 = arith.constant 16 : i32
      %mul3A_35 = arith.muli %scan3A_20, %mul3A_34 : i32
      %get3A_36 = arith.constant 2 : i32
      %get3A_37 = arith.index_cast %get3A_36 : i32 to index
      %get3A_38 = arith.index_cast %mul3A_35 : i32 to index
      %get3A_39 = tpu.vector_load %arg7[%get3A_37, %get3A_38] {strides = array<i32>} : memref<16x2051xi32, #tpu.memory_space<vmem>>, vector<16xi32>,
      %add3A_40 = arith.addi %add3A_33, %get3A_39 : vector<16xi32>
      %mul3A_41 = arith.constant 16 : i32
      %mul3A_42 = arith.muli %scan3A_20, %mul3A_41 : i32
      %get3A_43 = arith.constant 3 : i32
      %get3A_44 = arith.index_cast %get3A_43 : i32 to index
      %get3A_45 = arith.index_cast %mul3A_42 : i32 to index
      %get3A_46 = tpu.vector_load %arg7[%get3A_44, %get3A_45] {strides = array<i32>} : memref<16x2051xi32, #tpu.memory_space<vmem>>, vector<16xi32>,
      %add3A_47 = arith.addi %add3A_40, %get3A_46 : vector<16xi32>
      %mul3A_48 = arith.constant 16 : i32
      %mul3A_49 = arith.muli %scan3A_20, %mul3A_48 : i32
      %get3A_50 = arith.constant 4 : i32
      %get3A_51 = arith.index_cast %get3A_50 : i32 to index
      %get3A_52 = arith.index_cast %mul3A_49 : i32 to index
      %get3A_53 = tpu.vector_load %arg7[%get3A_51, %get3A_52] {strides = array<i32>} : memref<16x2051xi32, #tpu.memory_space<vmem>>, vector<16xi32>,
      %add3A_54 = arith.addi %add3A_47, %get3A_53 : vector<16xi32>
      %mul3A_55 = arith.constant 16 : i32
      %mul3A_56 = arith.muli %scan3A_20, %mul3A_55 : i32
      %get3A_57 = arith.constant 5 : i32
      %get3A_58 = arith.index_cast %get3A_57 : i32 to index
      %get3A_59 = arith.index_cast %mul3A_56 : i32 to index
      %get3A_60 = tpu.vector_load %arg7[%get3A_58, %get3A_59] {strides = array<i32>} : memref<16x2051xi32, #tpu.memory_space<vmem>>, vector<16xi32>,
      %add3A_61 = arith.addi %add3A_54, %get3A_60 : vector<16xi32>
      %mul3A_62 = arith.constant 16 : i32
      %mul3A_63 = arith.muli %scan3A_20, %mul3A_62 : i32
      %get3A_64 = arith.constant 6 : i32
      %get3A_65 = arith.index_cast %get3A_64 : i32 to index
      %get3A_66 = arith.index_cast %mul3A_63 : i32 to index
      %get3A_67 = tpu.vector_load %arg7[%get3A_65, %get3A_66] {strides = array<i32>} : memref<16x2051xi32, #tpu.memory_space<vmem>>, vector<16xi32>,
      %add3A_68 = arith.addi %add3A_61, %get3A_67 : vector<16xi32>
      %mul3A_69 = arith.constant 16 : i32
      %mul3A_70 = arith.muli %scan3A_20, %mul3A_69 : i32
      %get3A_71 = arith.constant 7 : i32
      %get3A_72 = arith.index_cast %get3A_71 : i32 to index
      %get3A_73 = arith.index_cast %mul3A_70 : i32 to index
      %get3A_74 = tpu.vector_load %arg7[%get3A_72, %get3A_73] {strides = array<i32>} : memref<16x2051xi32, #tpu.memory_space<vmem>>, vector<16xi32>,
      %add3A_75 = arith.addi %add3A_68, %get3A_74 : vector<16xi32>
      %mul3A_76 = arith.constant 16 : i32
      %mul3A_77 = arith.muli %scan3A_20, %mul3A_76 : i32
      %get3A_78 = arith.constant 8 : i32
      %get3A_79 = arith.index_cast %get3A_78 : i32 to index
      %get3A_80 = arith.index_cast %mul3A_77 : i32 to index
      %get3A_81 = tpu.vector_load %arg7[%get3A_79, %get3A_80] {strides = array<i32>} : memref<16x2051xi32, #tpu.memory_space<vmem>>, vector<16xi32>,
      %add3A_82 = arith.addi %add3A_75, %get3A_81 : vector<16xi32>
      %mul3A_83 = arith.constant 16 : i32
      %mul3A_84 = arith.muli %scan3A_20, %mul3A_83 : i32
      %get3A_85 = arith.constant 9 : i32
      %get3A_86 = arith.index_cast %get3A_85 : i32 to index
      %get3A_87 = arith.index_cast %mul3A_84 : i32 to index
      %get3A_88 = tpu.vector_load %arg7[%get3A_86, %get3A_87] {strides = array<i32>} : memref<16x2051xi32, #tpu.memory_space<vmem>>, vector<16xi32>,
      %add3A_89 = arith.addi %add3A_82, %get3A_88 : vector<16xi32>
      %mul3A_90 = arith.constant 16 : i32
      %mul3A_91 = arith.muli %scan3A_20, %mul3A_90 : i32
      %get3A_92 = arith.constant 10 : i32
      %get3A_93 = arith.index_cast %get3A_92 : i32 to index
      %get3A_94 = arith.index_cast %mul3A_91 : i32 to index
      %get3A_95 = tpu.vector_load %arg7[%get3A_93, %get3A_94] {strides = array<i32>} : memref<16x2051xi32, #tpu.memory_space<vmem>>, vector<16xi32>,
      %add3A_96 = arith.addi %add3A_89, %get3A_95 : vector<16xi32>
      %mul3A_97 = arith.constant 16 : i32
      %mul3A_98 = arith.muli %scan3A_20, %mul3A_97 : i32
      %get3A_99 = arith.constant 11 : i32
      %get3A_100 = arith.index_cast %get3A_99 : i32 to index
      %get3A_101 = arith.index_cast %mul3A_98 : i32 to index
      %get3A_102 = tpu.vector_load %arg7[%get3A_100, %get3A_101] {strides = array<i32>} : memref<16x2051xi32, #tpu.memory_space<vmem>>, vector<16xi32>,
      %add3A_103 = arith.addi %add3A_96, %get3A_102 : vector<16xi32>
      %mul3A_104 = arith.constant 16 : i32
      %mul3A_105 = arith.muli %scan3A_20, %mul3A_104 : i32
      %get3A_106 = arith.constant 12 : i32
      %get3A_107 = arith.index_cast %get3A_106 : i32 to index
      %get3A_108 = arith.index_cast %mul3A_105 : i32 to index
      %get3A_109 = tpu.vector_load %arg7[%get3A_107, %get3A_108] {strides = array<i32>} : memref<16x2051xi32, #tpu.memory_space<vmem>>, vector<16xi32>,
      %add3A_110 = arith.addi %add3A_103, %get3A_109 : vector<16xi32>
      %mul3A_111 = arith.constant 16 : i32
      %mul3A_112 = arith.muli %scan3A_20, %mul3A_111 : i32
      %get3A_113 = arith.constant 13 : i32
      %get3A_114 = arith.index_cast %get3A_113 : i32 to index
      %get3A_115 = arith.index_cast %mul3A_112 : i32 to index
      %get3A_116 = tpu.vector_load %arg7[%get3A_114, %get3A_115] {strides = array<i32>} : memref<16x2051xi32, #tpu.memory_space<vmem>>, vector<16xi32>,
      %add3A_117 = arith.addi %add3A_110, %get3A_116 : vector<16xi32>
      %mul3A_118 = arith.constant 16 : i32
      %mul3A_119 = arith.muli %scan3A_20, %mul3A_118 : i32
      %get3A_120 = arith.constant 14 : i32
      %get3A_121 = arith.index_cast %get3A_120 : i32 to index
      %get3A_122 = arith.index_cast %mul3A_119 : i32 to index
      %get3A_123 = tpu.vector_load %arg7[%get3A_121, %get3A_122] {strides = array<i32>} : memref<16x2051xi32, #tpu.memory_space<vmem>>, vector<16xi32>,
      %add3A_124 = arith.addi %add3A_117, %get3A_123 : vector<16xi32>
      %mul3A_125 = arith.constant 16 : i32
      %mul3A_126 = arith.muli %scan3A_20, %mul3A_125 : i32
      %get3A_127 = arith.constant 15 : i32
      %get3A_128 = arith.index_cast %get3A_127 : i32 to index
      %get3A_129 = arith.index_cast %mul3A_126 : i32 to index
      %get3A_130 = tpu.vector_load %arg7[%get3A_128, %get3A_129] {strides = array<i32>} : memref<16x2051xi32, #tpu.memory_space<vmem>>, vector<16xi32>,
      %add3A_131 = arith.addi %add3A_124, %get3A_130 : vector<16xi32>
      %mul3A_132 = arith.constant 16 : i32
      %mul3A_133 = arith.muli %scan3A_20, %mul3A_132 : i32
      %swap3A = arith.index_cast %mul3A_133 : i32 to index
      %swap3A_134 = tpu.vector_load %arg8[%swap3A] {strides = array<i32>} : memref<2048xi32, #tpu.memory_space<vmem>>, vector<16xi32>,
      tpu.vector_store %arg8[%swap3A], %add3A_131 {strides = array<i32>} : memref<2048xi32, #tpu.memory_space<vmem>>, vector<16xi32>,
    }
    %scan3A_19 = arith.constant 128 : i32
    "tpu.region"() ({
      %run_scoped3A = tpu.sem_alloc : memref<!tpu.dma_semaphore, #tpu.memory_space<semaphore_mem>>
      %dma_start3A = arith.constant 0 : i32
      %dma_start3A_20 = tpu.memref_slice %arg4[%add3A, %dma_start3A] : memref<32x2048xi32, #tpu.memory_space<hbm>> -> memref<1x2048xi32, #tpu.memory_space<hbm>>
      %dma_start3A_21 = tpu.memref_squeeze %dma_start3A_20 : memref<1x2048xi32, #tpu.memory_space<hbm>> -> memref<2048xi32, #tpu.memory_space<hbm>>
      %dma_start3A_22 = arith.constant 0 : i32
      %dma_start3A_23 = tpu.memref_slice %arg4[%add3A, %dma_start3A_22] : memref<32x2048xi32, #tpu.memory_space<hbm>> -> memref<1x2048xi32, #tpu.memory_space<hbm>>
      %dma_start3A_24 = tpu.memref_squeeze %dma_start3A_23 : memref<1x2048xi32, #tpu.memory_space<hbm>> -> memref<2048xi32, #tpu.memory_space<hbm>>
      tpu.enqueue_dma source(%arg8 : memref<2048xi32, #tpu.memory_space<vmem>>) target(%dma_start3A_24 : memref<2048xi32, #tpu.memory_space<hbm>>) target_semaphore(%run_scoped3A : memref<!tpu.dma_semaphore, #tpu.memory_space<semaphore_mem>>)
      %dma_wait3A = arith.constant 0 : i32
      %dma_wait3A_25 = tpu.memref_slice %arg4[%add3A, %dma_wait3A] : memref<32x2048xi32, #tpu.memory_space<hbm>> -> memref<1x2048xi32, #tpu.memory_space<hbm>>
      %dma_wait3A_26 = tpu.memref_squeeze %dma_wait3A_25 : memref<1x2048xi32, #tpu.memory_space<hbm>> -> memref<2048xi32, #tpu.memory_space<hbm>>
      %dma_wait3A_27 = arith.constant 0 : i32
      %dma_wait3A_28 = tpu.memref_slice %arg4[%add3A, %dma_wait3A_27] : memref<32x2048xi32, #tpu.memory_space<hbm>> -> memref<1x2048xi32, #tpu.memory_space<hbm>>
      %dma_wait3A_29 = tpu.memref_squeeze %dma_wait3A_28 : memref<1x2048xi32, #tpu.memory_space<hbm>> -> memref<2048xi32, #tpu.memory_space<hbm>>
      tpu.wait_dma2 semaphore(%run_scoped3A : memref<!tpu.dma_semaphore, #tpu.memory_space<semaphore_mem>>) src(%arg8 : memref<2048xi32, #tpu.memory_space<vmem>>) dst(%dma_wait3A_29 : memref<2048xi32, #tpu.memory_space<hbm>>)
      tpu.yield
    }) : () -> ()
    return
  }
}

#map = affine_map<(d0, d1) -> (0, 0)>
#map1 = affine_map<(d0, d1) -> (0)>
module attributes {stable_mosaic.version = 14 : i64} {
  func.func @hist_kernel(%arg0: i32, %arg1: i32, %arg2: memref<4096x512xi32, #tpu.memory_space<hbm>>, %arg3: memref<16xi32, #tpu.memory_space<hbm>>, %arg4: memref<32x2048xi32, #tpu.memory_space<hbm>>, %arg5: memref<16xi32, #tpu.memory_space<vmem>>, %arg6: memref<128x512xi32, #tpu.memory_space<vmem>>, %arg7: memref<16x2051xi32, #tpu.memory_space<vmem>>, %arg8: memref<2048xi32, #tpu.memory_space<vmem>>) attributes {dimension_semantics = [#tpu.dimension_semantics<core_parallel>, #tpu.dimension_semantics<subcore_parallel>], iteration_bounds = array<i64: 2, 16>, scalar_prefetch = 0 : i64, scratch_operands = 4 : i64, tpu.core_type = #tpu.core_type<sc_vector_subcore>, window_params = [{transform_indices = #map}, {transform_indices = #map1}, {transform_indices = #map}]} {
    %mul3A = arith.constant 2 : i32
    %mul3A_0 = arith.muli %arg1, %mul3A : i32
    %add3A = arith.addi %mul3A_0, %arg0 : i32
    %mul3A_1 = arith.constant 128 : i32
    %mul3A_2 = arith.muli %add3A, %mul3A_1 : i32
    "tpu.region"() ({
      %run_scoped3A = tpu.sem_alloc : memref<!tpu.dma_semaphore, #tpu.memory_space<semaphore_mem>>
      %dma_start3A = arith.constant 0 : i32
      %dma_start3A_20 = tpu.memref_slice %arg2[%mul3A_2, %dma_start3A] : memref<4096x512xi32, #tpu.memory_space<hbm>> -> memref<128x512xi32, #tpu.memory_space<hbm>>
      %dma_start3A_21 = arith.constant 0 : i32
      %dma_start3A_22 = tpu.memref_slice %arg2[%mul3A_2, %dma_start3A_21] : memref<4096x512xi32, #tpu.memory_space<hbm>> -> memref<128x512xi32, #tpu.memory_space<hbm>>
      tpu.enqueue_dma source(%dma_start3A_22 : memref<128x512xi32, #tpu.memory_space<hbm>>) target(%arg6 : memref<128x512xi32, #tpu.memory_space<vmem>>) target_semaphore(%run_scoped3A : memref<!tpu.dma_semaphore, #tpu.memory_space<semaphore_mem>>)
      %dma_wait3A = arith.constant 0 : i32
      %dma_wait3A_23 = tpu.memref_slice %arg2[%mul3A_2, %dma_wait3A] : memref<4096x512xi32, #tpu.memory_space<hbm>> -> memref<128x512xi32, #tpu.memory_space<hbm>>
      %dma_wait3A_24 = arith.constant 0 : i32
      %dma_wait3A_25 = tpu.memref_slice %arg2[%mul3A_2, %dma_wait3A_24] : memref<4096x512xi32, #tpu.memory_space<hbm>> -> memref<128x512xi32, #tpu.memory_space<hbm>>
      tpu.wait_dma2 semaphore(%run_scoped3A : memref<!tpu.dma_semaphore, #tpu.memory_space<semaphore_mem>>) src(%dma_wait3A_25 : memref<128x512xi32, #tpu.memory_space<hbm>>) dst(%arg6 : memref<128x512xi32, #tpu.memory_space<vmem>>)
      tpu.yield
    }) : () -> ()
    "tpu.region"() ({
      %run_scoped3A = tpu.sem_alloc : memref<!tpu.dma_semaphore, #tpu.memory_space<semaphore_mem>>
      tpu.enqueue_dma source(%arg3 : memref<16xi32, #tpu.memory_space<hbm>>) target(%arg5 : memref<16xi32, #tpu.memory_space<vmem>>) target_semaphore(%run_scoped3A : memref<!tpu.dma_semaphore, #tpu.memory_space<semaphore_mem>>)
      tpu.wait_dma2 semaphore(%run_scoped3A : memref<!tpu.dma_semaphore, #tpu.memory_space<semaphore_mem>>) src(%arg3 : memref<16xi32, #tpu.memory_space<hbm>>) dst(%arg5 : memref<16xi32, #tpu.memory_space<vmem>>)
      tpu.yield
    }) : () -> ()
    %broadcast_in_dim3A = arith.constant 0 : i32
    %broadcast_in_dim3A_3 = vector.broadcast %broadcast_in_dim3A : i32 to vector<16xi32>
    %scan3A = arith.constant 0 : i32
    %scan3A_4 = arith.constant 0 : i32
    %scan3A_5 = arith.constant 128 : i32
    %scan3A_6 = arith.addi %scan3A_4, %scan3A_5 : i32
    %scan3A_7 = arith.constant 1 : i32
    scf.for %scan3A_20 = %scan3A_4 to %scan3A_6 step %scan3A_7  : i32 {
      %mul3A_21 = arith.constant 16 : i32
      %mul3A_22 = arith.muli %scan3A_20, %mul3A_21 : i32
      %swap3A = arith.constant 0 : i32
      %swap3A_23 = arith.index_cast %swap3A : i32 to index
      %swap3A_24 = arith.index_cast %mul3A_22 : i32 to index
      %swap3A_25 = tpu.vector_load %arg7[%swap3A_23, %swap3A_24] {strides = array<i32>} : memref<16x2051xi32, #tpu.memory_space<vmem>>, vector<16xi32>,
      tpu.vector_store %arg7[%swap3A_23, %swap3A_24], %broadcast_in_dim3A_3 {strides = array<i32>} : memref<16x2051xi32, #tpu.memory_space<vmem>>, vector<16xi32>,
      %mul3A_26 = arith.constant 16 : i32
      %mul3A_27 = arith.muli %scan3A_20, %mul3A_26 : i32
      %swap3A_28 = arith.constant 1 : i32
      %swap3A_29 = arith.index_cast %swap3A_28 : i32 to index
      %swap3A_30 = arith.index_cast %mul3A_27 : i32 to index
      %swap3A_31 = tpu.vector_load %arg7[%swap3A_29, %swap3A_30] {strides = array<i32>} : memref<16x2051xi32, #tpu.memory_space<vmem>>, vector<16xi32>,
      tpu.vector_store %arg7[%swap3A_29, %swap3A_30], %broadcast_in_dim3A_3 {strides = array<i32>} : memref<16x2051xi32, #tpu.memory_space<vmem>>, vector<16xi32>,
      %mul3A_32 = arith.constant 16 : i32
      %mul3A_33 = arith.muli %scan3A_20, %mul3A_32 : i32
      %swap3A_34 = arith.constant 2 : i32
      %swap3A_35 = arith.index_cast %swap3A_34 : i32 to index
      %swap3A_36 = arith.index_cast %mul3A_33 : i32 to index
      %swap3A_37 = tpu.vector_load %arg7[%swap3A_35, %swap3A_36] {strides = array<i32>} : memref<16x2051xi32, #tpu.memory_space<vmem>>, vector<16xi32>,
      tpu.vector_store %arg7[%swap3A_35, %swap3A_36], %broadcast_in_dim3A_3 {strides = array<i32>} : memref<16x2051xi32, #tpu.memory_space<vmem>>, vector<16xi32>,
      %mul3A_38 = arith.constant 16 : i32
      %mul3A_39 = arith.muli %scan3A_20, %mul3A_38 : i32
      %swap3A_40 = arith.constant 3 : i32
      %swap3A_41 = arith.index_cast %swap3A_40 : i32 to index
      %swap3A_42 = arith.index_cast %mul3A_39 : i32 to index
      %swap3A_43 = tpu.vector_load %arg7[%swap3A_41, %swap3A_42] {strides = array<i32>} : memref<16x2051xi32, #tpu.memory_space<vmem>>, vector<16xi32>,
      tpu.vector_store %arg7[%swap3A_41, %swap3A_42], %broadcast_in_dim3A_3 {strides = array<i32>} : memref<16x2051xi32, #tpu.memory_space<vmem>>, vector<16xi32>,
      %mul3A_44 = arith.constant 16 : i32
      %mul3A_45 = arith.muli %scan3A_20, %mul3A_44 : i32
      %swap3A_46 = arith.constant 4 : i32
      %swap3A_47 = arith.index_cast %swap3A_46 : i32 to index
      %swap3A_48 = arith.index_cast %mul3A_45 : i32 to index
      %swap3A_49 = tpu.vector_load %arg7[%swap3A_47, %swap3A_48] {strides = array<i32>} : memref<16x2051xi32, #tpu.memory_space<vmem>>, vector<16xi32>,
      tpu.vector_store %arg7[%swap3A_47, %swap3A_48], %broadcast_in_dim3A_3 {strides = array<i32>} : memref<16x2051xi32, #tpu.memory_space<vmem>>, vector<16xi32>,
      %mul3A_50 = arith.constant 16 : i32
      %mul3A_51 = arith.muli %scan3A_20, %mul3A_50 : i32
      %swap3A_52 = arith.constant 5 : i32
      %swap3A_53 = arith.index_cast %swap3A_52 : i32 to index
      %swap3A_54 = arith.index_cast %mul3A_51 : i32 to index
      %swap3A_55 = tpu.vector_load %arg7[%swap3A_53, %swap3A_54] {strides = array<i32>} : memref<16x2051xi32, #tpu.memory_space<vmem>>, vector<16xi32>,
      tpu.vector_store %arg7[%swap3A_53, %swap3A_54], %broadcast_in_dim3A_3 {strides = array<i32>} : memref<16x2051xi32, #tpu.memory_space<vmem>>, vector<16xi32>,
      %mul3A_56 = arith.constant 16 : i32
      %mul3A_57 = arith.muli %scan3A_20, %mul3A_56 : i32
      %swap3A_58 = arith.constant 6 : i32
      %swap3A_59 = arith.index_cast %swap3A_58 : i32 to index
      %swap3A_60 = arith.index_cast %mul3A_57 : i32 to index
      %swap3A_61 = tpu.vector_load %arg7[%swap3A_59, %swap3A_60] {strides = array<i32>} : memref<16x2051xi32, #tpu.memory_space<vmem>>, vector<16xi32>,
      tpu.vector_store %arg7[%swap3A_59, %swap3A_60], %broadcast_in_dim3A_3 {strides = array<i32>} : memref<16x2051xi32, #tpu.memory_space<vmem>>, vector<16xi32>,
      %mul3A_62 = arith.constant 16 : i32
      %mul3A_63 = arith.muli %scan3A_20, %mul3A_62 : i32
      %swap3A_64 = arith.constant 7 : i32
      %swap3A_65 = arith.index_cast %swap3A_64 : i32 to index
      %swap3A_66 = arith.index_cast %mul3A_63 : i32 to index
      %swap3A_67 = tpu.vector_load %arg7[%swap3A_65, %swap3A_66] {strides = array<i32>} : memref<16x2051xi32, #tpu.memory_space<vmem>>, vector<16xi32>,
      tpu.vector_store %arg7[%swap3A_65, %swap3A_66], %broadcast_in_dim3A_3 {strides = array<i32>} : memref<16x2051xi32, #tpu.memory_space<vmem>>, vector<16xi32>,
      %mul3A_68 = arith.constant 16 : i32
      %mul3A_69 = arith.muli %scan3A_20, %mul3A_68 : i32
      %swap3A_70 = arith.constant 8 : i32
      %swap3A_71 = arith.index_cast %swap3A_70 : i32 to index
      %swap3A_72 = arith.index_cast %mul3A_69 : i32 to index
      %swap3A_73 = tpu.vector_load %arg7[%swap3A_71, %swap3A_72] {strides = array<i32>} : memref<16x2051xi32, #tpu.memory_space<vmem>>, vector<16xi32>,
      tpu.vector_store %arg7[%swap3A_71, %swap3A_72], %broadcast_in_dim3A_3 {strides = array<i32>} : memref<16x2051xi32, #tpu.memory_space<vmem>>, vector<16xi32>,
      %mul3A_74 = arith.constant 16 : i32
      %mul3A_75 = arith.muli %scan3A_20, %mul3A_74 : i32
      %swap3A_76 = arith.constant 9 : i32
      %swap3A_77 = arith.index_cast %swap3A_76 : i32 to index
      %swap3A_78 = arith.index_cast %mul3A_75 : i32 to index
      %swap3A_79 = tpu.vector_load %arg7[%swap3A_77, %swap3A_78] {strides = array<i32>} : memref<16x2051xi32, #tpu.memory_space<vmem>>, vector<16xi32>,
      tpu.vector_store %arg7[%swap3A_77, %swap3A_78], %broadcast_in_dim3A_3 {strides = array<i32>} : memref<16x2051xi32, #tpu.memory_space<vmem>>, vector<16xi32>,
      %mul3A_80 = arith.constant 16 : i32
      %mul3A_81 = arith.muli %scan3A_20, %mul3A_80 : i32
      %swap3A_82 = arith.constant 10 : i32
      %swap3A_83 = arith.index_cast %swap3A_82 : i32 to index
      %swap3A_84 = arith.index_cast %mul3A_81 : i32 to index
      %swap3A_85 = tpu.vector_load %arg7[%swap3A_83, %swap3A_84] {strides = array<i32>} : memref<16x2051xi32, #tpu.memory_space<vmem>>, vector<16xi32>,
      tpu.vector_store %arg7[%swap3A_83, %swap3A_84], %broadcast_in_dim3A_3 {strides = array<i32>} : memref<16x2051xi32, #tpu.memory_space<vmem>>, vector<16xi32>,
      %mul3A_86 = arith.constant 16 : i32
      %mul3A_87 = arith.muli %scan3A_20, %mul3A_86 : i32
      %swap3A_88 = arith.constant 11 : i32
      %swap3A_89 = arith.index_cast %swap3A_88 : i32 to index
      %swap3A_90 = arith.index_cast %mul3A_87 : i32 to index
      %swap3A_91 = tpu.vector_load %arg7[%swap3A_89, %swap3A_90] {strides = array<i32>} : memref<16x2051xi32, #tpu.memory_space<vmem>>, vector<16xi32>,
      tpu.vector_store %arg7[%swap3A_89, %swap3A_90], %broadcast_in_dim3A_3 {strides = array<i32>} : memref<16x2051xi32, #tpu.memory_space<vmem>>, vector<16xi32>,
      %mul3A_92 = arith.constant 16 : i32
      %mul3A_93 = arith.muli %scan3A_20, %mul3A_92 : i32
      %swap3A_94 = arith.constant 12 : i32
      %swap3A_95 = arith.index_cast %swap3A_94 : i32 to index
      %swap3A_96 = arith.index_cast %mul3A_93 : i32 to index
      %swap3A_97 = tpu.vector_load %arg7[%swap3A_95, %swap3A_96] {strides = array<i32>} : memref<16x2051xi32, #tpu.memory_space<vmem>>, vector<16xi32>,
      tpu.vector_store %arg7[%swap3A_95, %swap3A_96], %broadcast_in_dim3A_3 {strides = array<i32>} : memref<16x2051xi32, #tpu.memory_space<vmem>>, vector<16xi32>,
      %mul3A_98 = arith.constant 16 : i32
      %mul3A_99 = arith.muli %scan3A_20, %mul3A_98 : i32
      %swap3A_100 = arith.constant 13 : i32
      %swap3A_101 = arith.index_cast %swap3A_100 : i32 to index
      %swap3A_102 = arith.index_cast %mul3A_99 : i32 to index
      %swap3A_103 = tpu.vector_load %arg7[%swap3A_101, %swap3A_102] {strides = array<i32>} : memref<16x2051xi32, #tpu.memory_space<vmem>>, vector<16xi32>,
      tpu.vector_store %arg7[%swap3A_101, %swap3A_102], %broadcast_in_dim3A_3 {strides = array<i32>} : memref<16x2051xi32, #tpu.memory_space<vmem>>, vector<16xi32>,
      %mul3A_104 = arith.constant 16 : i32
      %mul3A_105 = arith.muli %scan3A_20, %mul3A_104 : i32
      %swap3A_106 = arith.constant 14 : i32
      %swap3A_107 = arith.index_cast %swap3A_106 : i32 to index
      %swap3A_108 = arith.index_cast %mul3A_105 : i32 to index
      %swap3A_109 = tpu.vector_load %arg7[%swap3A_107, %swap3A_108] {strides = array<i32>} : memref<16x2051xi32, #tpu.memory_space<vmem>>, vector<16xi32>,
      tpu.vector_store %arg7[%swap3A_107, %swap3A_108], %broadcast_in_dim3A_3 {strides = array<i32>} : memref<16x2051xi32, #tpu.memory_space<vmem>>, vector<16xi32>,
      %mul3A_110 = arith.constant 16 : i32
      %mul3A_111 = arith.muli %scan3A_20, %mul3A_110 : i32
      %swap3A_112 = arith.constant 15 : i32
      %swap3A_113 = arith.index_cast %swap3A_112 : i32 to index
      %swap3A_114 = arith.index_cast %mul3A_111 : i32 to index
      %swap3A_115 = tpu.vector_load %arg7[%swap3A_113, %swap3A_114] {strides = array<i32>} : memref<16x2051xi32, #tpu.memory_space<vmem>>, vector<16xi32>,
      tpu.vector_store %arg7[%swap3A_113, %swap3A_114], %broadcast_in_dim3A_3 {strides = array<i32>} : memref<16x2051xi32, #tpu.memory_space<vmem>>, vector<16xi32>,
    }
    %scan3A_8 = arith.constant 128 : i32
    %iota3A = tpu.iota {dimensions = array<i32: 0>} : vector<16xi32>
    %broadcast_in_dim3A_9 = arith.constant 1 : i32
    %broadcast_in_dim3A_10 = vector.broadcast %broadcast_in_dim3A_9 : i32 to vector<16xi32>
    %get3A = arith.constant 0 : index
    %get3A_11 = tpu.vector_load %arg5[%get3A] {strides = array<i32>} : memref<16xi32, #tpu.memory_space<vmem>>, vector<16xi32>,
    %parallel_loop3A = arith.constant 0 : i32
    %parallel_loop3A_12 = arith.constant 4096 : i32
    %parallel_loop3A_13 = arith.constant 1 : i32
    scf.for %parallel_loop3A_20 = %parallel_loop3A to %parallel_loop3A_12 step %parallel_loop3A_13  : i32 {
      %parallel_loop3A_21 = arith.constant 5 : i32
      %parallel_loop3A_22 = arith.shrsi %parallel_loop3A_20, %parallel_loop3A_21 : i32
      %parallel_loop3A_23 = arith.constant 31 : i32
      %parallel_loop3A_24 = arith.andi %parallel_loop3A_20, %parallel_loop3A_23 : i32
      %parallel_loop3A_25 = arith.constant 16 : i32
      %parallel_loop3A_26 = arith.muli %parallel_loop3A_24, %parallel_loop3A_25 : i32
      %parallel_loop3A_27 = arith.index_cast %parallel_loop3A_22 : i32 to index
      %parallel_loop3A_28 = arith.index_cast %parallel_loop3A_26 : i32 to index
      %parallel_loop3A_29 = tpu.vector_load %arg6[%parallel_loop3A_27, %parallel_loop3A_28] {strides = array<i32>} : memref<128x512xi32, #tpu.memory_space<vmem>>, vector<16xi32>,
      %parallel_loop3A_30 = arith.constant 21 : i32
      %parallel_loop3A_31 = vector.broadcast %parallel_loop3A_30 : i32 to vector<16xi32>
      %parallel_loop3A_32 = arith.shrui %parallel_loop3A_29, %parallel_loop3A_31 : vector<16xi32>
      tpu.vector_store_idx %arg7[%iota3A, %parallel_loop3A_32], %broadcast_in_dim3A_10 {add = true} : memref<16x2051xi32, #tpu.memory_space<vmem>>[vector<16xi32>, vector<16xi32>], vector<16xi32>,
    } {sc.loop_unroll_factor = 8 : i64, sc.parallel_access}
    %scan3A_14 = arith.constant 0 : i32
    %scan3A_15 = arith.constant 0 : i32
    %scan3A_16 = arith.constant 128 : i32
    %scan3A_17 = arith.addi %scan3A_15, %scan3A_16 : i32
    %scan3A_18 = arith.constant 1 : i32
    scf.for %scan3A_20 = %scan3A_15 to %scan3A_17 step %scan3A_18  : i32 {
      %mul3A_21 = arith.constant 16 : i32
      %mul3A_22 = arith.muli %scan3A_20, %mul3A_21 : i32
      %get3A_23 = arith.constant 0 : i32
      %get3A_24 = arith.index_cast %get3A_23 : i32 to index
      %get3A_25 = arith.index_cast %mul3A_22 : i32 to index
      %get3A_26 = tpu.vector_load %arg7[%get3A_24, %get3A_25] {strides = array<i32>} : memref<16x2051xi32, #tpu.memory_space<vmem>>, vector<16xi32>,
      %mul3A_27 = arith.constant 16 : i32
      %mul3A_28 = arith.muli %scan3A_20, %mul3A_27 : i32
      %get3A_29 = arith.constant 1 : i32
      %get3A_30 = arith.index_cast %get3A_29 : i32 to index
      %get3A_31 = arith.index_cast %mul3A_28 : i32 to index
      %get3A_32 = tpu.vector_load %arg7[%get3A_30, %get3A_31] {strides = array<i32>} : memref<16x2051xi32, #tpu.memory_space<vmem>>, vector<16xi32>,
      %add3A_33 = arith.addi %get3A_26, %get3A_32 : vector<16xi32>
      %mul3A_34 = arith.constant 16 : i32
      %mul3A_35 = arith.muli %scan3A_20, %mul3A_34 : i32
      %get3A_36 = arith.constant 2 : i32
      %get3A_37 = arith.index_cast %get3A_36 : i32 to index
      %get3A_38 = arith.index_cast %mul3A_35 : i32 to index
      %get3A_39 = tpu.vector_load %arg7[%get3A_37, %get3A_38] {strides = array<i32>} : memref<16x2051xi32, #tpu.memory_space<vmem>>, vector<16xi32>,
      %add3A_40 = arith.addi %add3A_33, %get3A_39 : vector<16xi32>
      %mul3A_41 = arith.constant 16 : i32
      %mul3A_42 = arith.muli %scan3A_20, %mul3A_41 : i32
      %get3A_43 = arith.constant 3 : i32
      %get3A_44 = arith.index_cast %get3A_43 : i32 to index
      %get3A_45 = arith.index_cast %mul3A_42 : i32 to index
      %get3A_46 = tpu.vector_load %arg7[%get3A_44, %get3A_45] {strides = array<i32>} : memref<16x2051xi32, #tpu.memory_space<vmem>>, vector<16xi32>,
      %add3A_47 = arith.addi %add3A_40, %get3A_46 : vector<16xi32>
      %mul3A_48 = arith.constant 16 : i32
      %mul3A_49 = arith.muli %scan3A_20, %mul3A_48 : i32
      %get3A_50 = arith.constant 4 : i32
      %get3A_51 = arith.index_cast %get3A_50 : i32 to index
      %get3A_52 = arith.index_cast %mul3A_49 : i32 to index
      %get3A_53 = tpu.vector_load %arg7[%get3A_51, %get3A_52] {strides = array<i32>} : memref<16x2051xi32, #tpu.memory_space<vmem>>, vector<16xi32>,
      %add3A_54 = arith.addi %add3A_47, %get3A_53 : vector<16xi32>
      %mul3A_55 = arith.constant 16 : i32
      %mul3A_56 = arith.muli %scan3A_20, %mul3A_55 : i32
      %get3A_57 = arith.constant 5 : i32
      %get3A_58 = arith.index_cast %get3A_57 : i32 to index
      %get3A_59 = arith.index_cast %mul3A_56 : i32 to index
      %get3A_60 = tpu.vector_load %arg7[%get3A_58, %get3A_59] {strides = array<i32>} : memref<16x2051xi32, #tpu.memory_space<vmem>>, vector<16xi32>,
      %add3A_61 = arith.addi %add3A_54, %get3A_60 : vector<16xi32>
      %mul3A_62 = arith.constant 16 : i32
      %mul3A_63 = arith.muli %scan3A_20, %mul3A_62 : i32
      %get3A_64 = arith.constant 6 : i32
      %get3A_65 = arith.index_cast %get3A_64 : i32 to index
      %get3A_66 = arith.index_cast %mul3A_63 : i32 to index
      %get3A_67 = tpu.vector_load %arg7[%get3A_65, %get3A_66] {strides = array<i32>} : memref<16x2051xi32, #tpu.memory_space<vmem>>, vector<16xi32>,
      %add3A_68 = arith.addi %add3A_61, %get3A_67 : vector<16xi32>
      %mul3A_69 = arith.constant 16 : i32
      %mul3A_70 = arith.muli %scan3A_20, %mul3A_69 : i32
      %get3A_71 = arith.constant 7 : i32
      %get3A_72 = arith.index_cast %get3A_71 : i32 to index
      %get3A_73 = arith.index_cast %mul3A_70 : i32 to index
      %get3A_74 = tpu.vector_load %arg7[%get3A_72, %get3A_73] {strides = array<i32>} : memref<16x2051xi32, #tpu.memory_space<vmem>>, vector<16xi32>,
      %add3A_75 = arith.addi %add3A_68, %get3A_74 : vector<16xi32>
      %mul3A_76 = arith.constant 16 : i32
      %mul3A_77 = arith.muli %scan3A_20, %mul3A_76 : i32
      %get3A_78 = arith.constant 8 : i32
      %get3A_79 = arith.index_cast %get3A_78 : i32 to index
      %get3A_80 = arith.index_cast %mul3A_77 : i32 to index
      %get3A_81 = tpu.vector_load %arg7[%get3A_79, %get3A_80] {strides = array<i32>} : memref<16x2051xi32, #tpu.memory_space<vmem>>, vector<16xi32>,
      %add3A_82 = arith.addi %add3A_75, %get3A_81 : vector<16xi32>
      %mul3A_83 = arith.constant 16 : i32
      %mul3A_84 = arith.muli %scan3A_20, %mul3A_83 : i32
      %get3A_85 = arith.constant 9 : i32
      %get3A_86 = arith.index_cast %get3A_85 : i32 to index
      %get3A_87 = arith.index_cast %mul3A_84 : i32 to index
      %get3A_88 = tpu.vector_load %arg7[%get3A_86, %get3A_87] {strides = array<i32>} : memref<16x2051xi32, #tpu.memory_space<vmem>>, vector<16xi32>,
      %add3A_89 = arith.addi %add3A_82, %get3A_88 : vector<16xi32>
      %mul3A_90 = arith.constant 16 : i32
      %mul3A_91 = arith.muli %scan3A_20, %mul3A_90 : i32
      %get3A_92 = arith.constant 10 : i32
      %get3A_93 = arith.index_cast %get3A_92 : i32 to index
      %get3A_94 = arith.index_cast %mul3A_91 : i32 to index
      %get3A_95 = tpu.vector_load %arg7[%get3A_93, %get3A_94] {strides = array<i32>} : memref<16x2051xi32, #tpu.memory_space<vmem>>, vector<16xi32>,
      %add3A_96 = arith.addi %add3A_89, %get3A_95 : vector<16xi32>
      %mul3A_97 = arith.constant 16 : i32
      %mul3A_98 = arith.muli %scan3A_20, %mul3A_97 : i32
      %get3A_99 = arith.constant 11 : i32
      %get3A_100 = arith.index_cast %get3A_99 : i32 to index
      %get3A_101 = arith.index_cast %mul3A_98 : i32 to index
      %get3A_102 = tpu.vector_load %arg7[%get3A_100, %get3A_101] {strides = array<i32>} : memref<16x2051xi32, #tpu.memory_space<vmem>>, vector<16xi32>,
      %add3A_103 = arith.addi %add3A_96, %get3A_102 : vector<16xi32>
      %mul3A_104 = arith.constant 16 : i32
      %mul3A_105 = arith.muli %scan3A_20, %mul3A_104 : i32
      %get3A_106 = arith.constant 12 : i32
      %get3A_107 = arith.index_cast %get3A_106 : i32 to index
      %get3A_108 = arith.index_cast %mul3A_105 : i32 to index
      %get3A_109 = tpu.vector_load %arg7[%get3A_107, %get3A_108] {strides = array<i32>} : memref<16x2051xi32, #tpu.memory_space<vmem>>, vector<16xi32>,
      %add3A_110 = arith.addi %add3A_103, %get3A_109 : vector<16xi32>
      %mul3A_111 = arith.constant 16 : i32
      %mul3A_112 = arith.muli %scan3A_20, %mul3A_111 : i32
      %get3A_113 = arith.constant 13 : i32
      %get3A_114 = arith.index_cast %get3A_113 : i32 to index
      %get3A_115 = arith.index_cast %mul3A_112 : i32 to index
      %get3A_116 = tpu.vector_load %arg7[%get3A_114, %get3A_115] {strides = array<i32>} : memref<16x2051xi32, #tpu.memory_space<vmem>>, vector<16xi32>,
      %add3A_117 = arith.addi %add3A_110, %get3A_116 : vector<16xi32>
      %mul3A_118 = arith.constant 16 : i32
      %mul3A_119 = arith.muli %scan3A_20, %mul3A_118 : i32
      %get3A_120 = arith.constant 14 : i32
      %get3A_121 = arith.index_cast %get3A_120 : i32 to index
      %get3A_122 = arith.index_cast %mul3A_119 : i32 to index
      %get3A_123 = tpu.vector_load %arg7[%get3A_121, %get3A_122] {strides = array<i32>} : memref<16x2051xi32, #tpu.memory_space<vmem>>, vector<16xi32>,
      %add3A_124 = arith.addi %add3A_117, %get3A_123 : vector<16xi32>
      %mul3A_125 = arith.constant 16 : i32
      %mul3A_126 = arith.muli %scan3A_20, %mul3A_125 : i32
      %get3A_127 = arith.constant 15 : i32
      %get3A_128 = arith.index_cast %get3A_127 : i32 to index
      %get3A_129 = arith.index_cast %mul3A_126 : i32 to index
      %get3A_130 = tpu.vector_load %arg7[%get3A_128, %get3A_129] {strides = array<i32>} : memref<16x2051xi32, #tpu.memory_space<vmem>>, vector<16xi32>,
      %add3A_131 = arith.addi %add3A_124, %get3A_130 : vector<16xi32>
      %mul3A_132 = arith.constant 16 : i32
      %mul3A_133 = arith.muli %scan3A_20, %mul3A_132 : i32
      %swap3A = arith.index_cast %mul3A_133 : i32 to index
      %swap3A_134 = tpu.vector_load %arg8[%swap3A] {strides = array<i32>} : memref<2048xi32, #tpu.memory_space<vmem>>, vector<16xi32>,
      tpu.vector_store %arg8[%swap3A], %add3A_131 {strides = array<i32>} : memref<2048xi32, #tpu.memory_space<vmem>>, vector<16xi32>,
    }
    %scan3A_19 = arith.constant 128 : i32
    "tpu.region"() ({
      %run_scoped3A = tpu.sem_alloc : memref<!tpu.dma_semaphore, #tpu.memory_space<semaphore_mem>>
      %dma_start3A = arith.constant 0 : i32
      %dma_start3A_20 = tpu.memref_slice %arg4[%add3A, %dma_start3A] : memref<32x2048xi32, #tpu.memory_space<hbm>> -> memref<1x2048xi32, #tpu.memory_space<hbm>>
      %dma_start3A_21 = tpu.memref_squeeze %dma_start3A_20 : memref<1x2048xi32, #tpu.memory_space<hbm>> -> memref<2048xi32, #tpu.memory_space<hbm>>
      %dma_start3A_22 = arith.constant 0 : i32
      %dma_start3A_23 = tpu.memref_slice %arg4[%add3A, %dma_start3A_22] : memref<32x2048xi32, #tpu.memory_space<hbm>> -> memref<1x2048xi32, #tpu.memory_space<hbm>>
      %dma_start3A_24 = tpu.memref_squeeze %dma_start3A_23 : memref<1x2048xi32, #tpu.memory_space<hbm>> -> memref<2048xi32, #tpu.memory_space<hbm>>
      tpu.enqueue_dma source(%arg8 : memref<2048xi32, #tpu.memory_space<vmem>>) target(%dma_start3A_24 : memref<2048xi32, #tpu.memory_space<hbm>>) target_semaphore(%run_scoped3A : memref<!tpu.dma_semaphore, #tpu.memory_space<semaphore_mem>>)
      %dma_wait3A = arith.constant 0 : i32
      %dma_wait3A_25 = tpu.memref_slice %arg4[%add3A, %dma_wait3A] : memref<32x2048xi32, #tpu.memory_space<hbm>> -> memref<1x2048xi32, #tpu.memory_space<hbm>>
      %dma_wait3A_26 = tpu.memref_squeeze %dma_wait3A_25 : memref<1x2048xi32, #tpu.memory_space<hbm>> -> memref<2048xi32, #tpu.memory_space<hbm>>
      %dma_wait3A_27 = arith.constant 0 : i32
      %dma_wait3A_28 = tpu.memref_slice %arg4[%add3A, %dma_wait3A_27] : memref<32x2048xi32, #tpu.memory_space<hbm>> -> memref<1x2048xi32, #tpu.memory_space<hbm>>
      %dma_wait3A_29 = tpu.memref_squeeze %dma_wait3A_28 : memref<1x2048xi32, #tpu.memory_space<hbm>> -> memref<2048xi32, #tpu.memory_space<hbm>>
      tpu.wait_dma2 semaphore(%run_scoped3A : memref<!tpu.dma_semaphore, #tpu.memory_space<semaphore_mem>>) src(%arg8 : memref<2048xi32, #tpu.memory_space<vmem>>) dst(%dma_wait3A_29 : memref<2048xi32, #tpu.memory_space<hbm>>)
      tpu.yield
    }) : () -> ()
    return
  }
}

#map = affine_map<(d0, d1) -> (0, 0)>
#map1 = affine_map<(d0, d1) -> (0)>
module attributes {stable_mosaic.version = 14 : i64} {
  func.func @tail_kernel(%arg0: i32, %arg1: i32, %arg2: memref<4096x512xi32, #tpu.memory_space<hbm>>, %arg3: memref<4096x512xf32, #tpu.memory_space<hbm>>, %arg4: memref<16xi32, #tpu.memory_space<hbm>>, %arg5: memref<32x1024xi32, #tpu.memory_space<hbm>>, %arg6: memref<32x1024xf32, #tpu.memory_space<hbm>>, %arg7: memref<32x16xf32, #tpu.memory_space<hbm>>, %arg8: memref<32x16xf32, #tpu.memory_space<hbm>>, %arg9: memref<16xi32, #tpu.memory_space<vmem>>, %arg10: memref<32x512xi32, #tpu.memory_space<vmem>>, %arg11: memref<32x512xf32, #tpu.memory_space<vmem>>, %arg12: memref<16x1027xi32, #tpu.memory_space<vmem>>, %arg13: memref<16x1027xf32, #tpu.memory_space<vmem>>, %arg14: memref<1024xi32, #tpu.memory_space<vmem>>, %arg15: memref<1024xf32, #tpu.memory_space<vmem>>, %arg16: memref<16xf32, #tpu.memory_space<vmem>>, %arg17: memref<16xf32, #tpu.memory_space<vmem>>) attributes {dimension_semantics = [#tpu.dimension_semantics<core_parallel>, #tpu.dimension_semantics<subcore_parallel>], iteration_bounds = array<i64: 2, 16>, scalar_prefetch = 0 : i64, scratch_operands = 9 : i64, tpu.core_type = #tpu.core_type<sc_vector_subcore>, window_params = [{transform_indices = #map}, {transform_indices = #map}, {transform_indices = #map1}, {transform_indices = #map}, {transform_indices = #map}, {transform_indices = #map}, {transform_indices = #map}]} {
    %mul3A = arith.constant 2 : i32
    %mul3A_0 = arith.muli %arg1, %mul3A : i32
    %add3A = arith.addi %mul3A_0, %arg0 : i32
    %mul3A_1 = arith.constant 128 : i32
    %mul3A_2 = arith.muli %add3A, %mul3A_1 : i32
    "tpu.region"() ({
      %run_scoped3A = tpu.sem_alloc : memref<!tpu.dma_semaphore, #tpu.memory_space<semaphore_mem>>
      tpu.enqueue_dma source(%arg4 : memref<16xi32, #tpu.memory_space<hbm>>) target(%arg9 : memref<16xi32, #tpu.memory_space<vmem>>) target_semaphore(%run_scoped3A : memref<!tpu.dma_semaphore, #tpu.memory_space<semaphore_mem>>)
      tpu.wait_dma2 semaphore(%run_scoped3A : memref<!tpu.dma_semaphore, #tpu.memory_space<semaphore_mem>>) src(%arg4 : memref<16xi32, #tpu.memory_space<hbm>>) dst(%arg9 : memref<16xi32, #tpu.memory_space<vmem>>)
      tpu.yield
    }) : () -> ()
    %broadcast_in_dim3A = arith.constant 0 : i32
    %broadcast_in_dim3A_3 = vector.broadcast %broadcast_in_dim3A : i32 to vector<16xi32>
    %broadcast_in_dim3A_4 = arith.constant 0.000000e+00 : f32
    %broadcast_in_dim3A_5 = vector.broadcast %broadcast_in_dim3A_4 : f32 to vector<16xf32>
    %scan3A = arith.constant 0 : i32
    %scan3A_6 = arith.constant 0 : i32
    %scan3A_7 = arith.constant 64 : i32
    %scan3A_8 = arith.addi %scan3A_6, %scan3A_7 : i32
    %scan3A_9 = arith.constant 1 : i32
    scf.for %scan3A_56 = %scan3A_6 to %scan3A_8 step %scan3A_9  : i32 {
      %mul3A_57 = arith.constant 16 : i32
      %mul3A_58 = arith.muli %scan3A_56, %mul3A_57 : i32
      %swap3A_59 = arith.constant 0 : i32
      %swap3A_60 = arith.index_cast %swap3A_59 : i32 to index
      %swap3A_61 = arith.index_cast %mul3A_58 : i32 to index
      %swap3A_62 = tpu.vector_load %arg12[%swap3A_60, %swap3A_61] {strides = array<i32>} : memref<16x1027xi32, #tpu.memory_space<vmem>>, vector<16xi32>,
      tpu.vector_store %arg12[%swap3A_60, %swap3A_61], %broadcast_in_dim3A_3 {strides = array<i32>} : memref<16x1027xi32, #tpu.memory_space<vmem>>, vector<16xi32>,
      %mul3A_63 = arith.constant 16 : i32
      %mul3A_64 = arith.muli %scan3A_56, %mul3A_63 : i32
      %swap3A_65 = arith.constant 0 : i32
      %swap3A_66 = arith.index_cast %swap3A_65 : i32 to index
      %swap3A_67 = arith.index_cast %mul3A_64 : i32 to index
      %swap3A_68 = tpu.vector_load %arg13[%swap3A_66, %swap3A_67] {strides = array<i32>} : memref<16x1027xf32, #tpu.memory_space<vmem>>, vector<16xf32>,
      tpu.vector_store %arg13[%swap3A_66, %swap3A_67], %broadcast_in_dim3A_5 {strides = array<i32>} : memref<16x1027xf32, #tpu.memory_space<vmem>>, vector<16xf32>,
      %mul3A_69 = arith.constant 16 : i32
      %mul3A_70 = arith.muli %scan3A_56, %mul3A_69 : i32
      %swap3A_71 = arith.constant 1 : i32
      %swap3A_72 = arith.index_cast %swap3A_71 : i32 to index
      %swap3A_73 = arith.index_cast %mul3A_70 : i32 to index
      %swap3A_74 = tpu.vector_load %arg12[%swap3A_72, %swap3A_73] {strides = array<i32>} : memref<16x1027xi32, #tpu.memory_space<vmem>>, vector<16xi32>,
      tpu.vector_store %arg12[%swap3A_72, %swap3A_73], %broadcast_in_dim3A_3 {strides = array<i32>} : memref<16x1027xi32, #tpu.memory_space<vmem>>, vector<16xi32>,
      %mul3A_75 = arith.constant 16 : i32
      %mul3A_76 = arith.muli %scan3A_56, %mul3A_75 : i32
      %swap3A_77 = arith.constant 1 : i32
      %swap3A_78 = arith.index_cast %swap3A_77 : i32 to index
      %swap3A_79 = arith.index_cast %mul3A_76 : i32 to index
      %swap3A_80 = tpu.vector_load %arg13[%swap3A_78, %swap3A_79] {strides = array<i32>} : memref<16x1027xf32, #tpu.memory_space<vmem>>, vector<16xf32>,
      tpu.vector_store %arg13[%swap3A_78, %swap3A_79], %broadcast_in_dim3A_5 {strides = array<i32>} : memref<16x1027xf32, #tpu.memory_space<vmem>>, vector<16xf32>,
      %mul3A_81 = arith.constant 16 : i32
      %mul3A_82 = arith.muli %scan3A_56, %mul3A_81 : i32
      %swap3A_83 = arith.constant 2 : i32
      %swap3A_84 = arith.index_cast %swap3A_83 : i32 to index
      %swap3A_85 = arith.index_cast %mul3A_82 : i32 to index
      %swap3A_86 = tpu.vector_load %arg12[%swap3A_84, %swap3A_85] {strides = array<i32>} : memref<16x1027xi32, #tpu.memory_space<vmem>>, vector<16xi32>,
      tpu.vector_store %arg12[%swap3A_84, %swap3A_85], %broadcast_in_dim3A_3 {strides = array<i32>} : memref<16x1027xi32, #tpu.memory_space<vmem>>, vector<16xi32>,
      %mul3A_87 = arith.constant 16 : i32
      %mul3A_88 = arith.muli %scan3A_56, %mul3A_87 : i32
      %swap3A_89 = arith.constant 2 : i32
      %swap3A_90 = arith.index_cast %swap3A_89 : i32 to index
      %swap3A_91 = arith.index_cast %mul3A_88 : i32 to index
      %swap3A_92 = tpu.vector_load %arg13[%swap3A_90, %swap3A_91] {strides = array<i32>} : memref<16x1027xf32, #tpu.memory_space<vmem>>, vector<16xf32>,
      tpu.vector_store %arg13[%swap3A_90, %swap3A_91], %broadcast_in_dim3A_5 {strides = array<i32>} : memref<16x1027xf32, #tpu.memory_space<vmem>>, vector<16xf32>,
      %mul3A_93 = arith.constant 16 : i32
      %mul3A_94 = arith.muli %scan3A_56, %mul3A_93 : i32
      %swap3A_95 = arith.constant 3 : i32
      %swap3A_96 = arith.index_cast %swap3A_95 : i32 to index
      %swap3A_97 = arith.index_cast %mul3A_94 : i32 to index
      %swap3A_98 = tpu.vector_load %arg12[%swap3A_96, %swap3A_97] {strides = array<i32>} : memref<16x1027xi32, #tpu.memory_space<vmem>>, vector<16xi32>,
      tpu.vector_store %arg12[%swap3A_96, %swap3A_97], %broadcast_in_dim3A_3 {strides = array<i32>} : memref<16x1027xi32, #tpu.memory_space<vmem>>, vector<16xi32>,
      %mul3A_99 = arith.constant 16 : i32
      %mul3A_100 = arith.muli %scan3A_56, %mul3A_99 : i32
      %swap3A_101 = arith.constant 3 : i32
      %swap3A_102 = arith.index_cast %swap3A_101 : i32 to index
      %swap3A_103 = arith.index_cast %mul3A_100 : i32 to index
      %swap3A_104 = tpu.vector_load %arg13[%swap3A_102, %swap3A_103] {strides = array<i32>} : memref<16x1027xf32, #tpu.memory_space<vmem>>, vector<16xf32>,
      tpu.vector_store %arg13[%swap3A_102, %swap3A_103], %broadcast_in_dim3A_5 {strides = array<i32>} : memref<16x1027xf32, #tpu.memory_space<vmem>>, vector<16xf32>,
      %mul3A_105 = arith.constant 16 : i32
      %mul3A_106 = arith.muli %scan3A_56, %mul3A_105 : i32
      %swap3A_107 = arith.constant 4 : i32
      %swap3A_108 = arith.index_cast %swap3A_107 : i32 to index
      %swap3A_109 = arith.index_cast %mul3A_106 : i32 to index
      %swap3A_110 = tpu.vector_load %arg12[%swap3A_108, %swap3A_109] {strides = array<i32>} : memref<16x1027xi32, #tpu.memory_space<vmem>>, vector<16xi32>,
      tpu.vector_store %arg12[%swap3A_108, %swap3A_109], %broadcast_in_dim3A_3 {strides = array<i32>} : memref<16x1027xi32, #tpu.memory_space<vmem>>, vector<16xi32>,
      %mul3A_111 = arith.constant 16 : i32
      %mul3A_112 = arith.muli %scan3A_56, %mul3A_111 : i32
      %swap3A_113 = arith.constant 4 : i32
      %swap3A_114 = arith.index_cast %swap3A_113 : i32 to index
      %swap3A_115 = arith.index_cast %mul3A_112 : i32 to index
      %swap3A_116 = tpu.vector_load %arg13[%swap3A_114, %swap3A_115] {strides = array<i32>} : memref<16x1027xf32, #tpu.memory_space<vmem>>, vector<16xf32>,
      tpu.vector_store %arg13[%swap3A_114, %swap3A_115], %broadcast_in_dim3A_5 {strides = array<i32>} : memref<16x1027xf32, #tpu.memory_space<vmem>>, vector<16xf32>,
      %mul3A_117 = arith.constant 16 : i32
      %mul3A_118 = arith.muli %scan3A_56, %mul3A_117 : i32
      %swap3A_119 = arith.constant 5 : i32
      %swap3A_120 = arith.index_cast %swap3A_119 : i32 to index
      %swap3A_121 = arith.index_cast %mul3A_118 : i32 to index
      %swap3A_122 = tpu.vector_load %arg12[%swap3A_120, %swap3A_121] {strides = array<i32>} : memref<16x1027xi32, #tpu.memory_space<vmem>>, vector<16xi32>,
      tpu.vector_store %arg12[%swap3A_120, %swap3A_121], %broadcast_in_dim3A_3 {strides = array<i32>} : memref<16x1027xi32, #tpu.memory_space<vmem>>, vector<16xi32>,
      %mul3A_123 = arith.constant 16 : i32
      %mul3A_124 = arith.muli %scan3A_56, %mul3A_123 : i32
      %swap3A_125 = arith.constant 5 : i32
      %swap3A_126 = arith.index_cast %swap3A_125 : i32 to index
      %swap3A_127 = arith.index_cast %mul3A_124 : i32 to index
      %swap3A_128 = tpu.vector_load %arg13[%swap3A_126, %swap3A_127] {strides = array<i32>} : memref<16x1027xf32, #tpu.memory_space<vmem>>, vector<16xf32>,
      tpu.vector_store %arg13[%swap3A_126, %swap3A_127], %broadcast_in_dim3A_5 {strides = array<i32>} : memref<16x1027xf32, #tpu.memory_space<vmem>>, vector<16xf32>,
      %mul3A_129 = arith.constant 16 : i32
      %mul3A_130 = arith.muli %scan3A_56, %mul3A_129 : i32
      %swap3A_131 = arith.constant 6 : i32
      %swap3A_132 = arith.index_cast %swap3A_131 : i32 to index
      %swap3A_133 = arith.index_cast %mul3A_130 : i32 to index
      %swap3A_134 = tpu.vector_load %arg12[%swap3A_132, %swap3A_133] {strides = array<i32>} : memref<16x1027xi32, #tpu.memory_space<vmem>>, vector<16xi32>,
      tpu.vector_store %arg12[%swap3A_132, %swap3A_133], %broadcast_in_dim3A_3 {strides = array<i32>} : memref<16x1027xi32, #tpu.memory_space<vmem>>, vector<16xi32>,
      %mul3A_135 = arith.constant 16 : i32
      %mul3A_136 = arith.muli %scan3A_56, %mul3A_135 : i32
      %swap3A_137 = arith.constant 6 : i32
      %swap3A_138 = arith.index_cast %swap3A_137 : i32 to index
      %swap3A_139 = arith.index_cast %mul3A_136 : i32 to index
      %swap3A_140 = tpu.vector_load %arg13[%swap3A_138, %swap3A_139] {strides = array<i32>} : memref<16x1027xf32, #tpu.memory_space<vmem>>, vector<16xf32>,
      tpu.vector_store %arg13[%swap3A_138, %swap3A_139], %broadcast_in_dim3A_5 {strides = array<i32>} : memref<16x1027xf32, #tpu.memory_space<vmem>>, vector<16xf32>,
      %mul3A_141 = arith.constant 16 : i32
      %mul3A_142 = arith.muli %scan3A_56, %mul3A_141 : i32
      %swap3A_143 = arith.constant 7 : i32
      %swap3A_144 = arith.index_cast %swap3A_143 : i32 to index
      %swap3A_145 = arith.index_cast %mul3A_142 : i32 to index
      %swap3A_146 = tpu.vector_load %arg12[%swap3A_144, %swap3A_145] {strides = array<i32>} : memref<16x1027xi32, #tpu.memory_space<vmem>>, vector<16xi32>,
      tpu.vector_store %arg12[%swap3A_144, %swap3A_145], %broadcast_in_dim3A_3 {strides = array<i32>} : memref<16x1027xi32, #tpu.memory_space<vmem>>, vector<16xi32>,
      %mul3A_147 = arith.constant 16 : i32
      %mul3A_148 = arith.muli %scan3A_56, %mul3A_147 : i32
      %swap3A_149 = arith.constant 7 : i32
      %swap3A_150 = arith.index_cast %swap3A_149 : i32 to index
      %swap3A_151 = arith.index_cast %mul3A_148 : i32 to index
      %swap3A_152 = tpu.vector_load %arg13[%swap3A_150, %swap3A_151] {strides = array<i32>} : memref<16x1027xf32, #tpu.memory_space<vmem>>, vector<16xf32>,
      tpu.vector_store %arg13[%swap3A_150, %swap3A_151], %broadcast_in_dim3A_5 {strides = array<i32>} : memref<16x1027xf32, #tpu.memory_space<vmem>>, vector<16xf32>,
      %mul3A_153 = arith.constant 16 : i32
      %mul3A_154 = arith.muli %scan3A_56, %mul3A_153 : i32
      %swap3A_155 = arith.constant 8 : i32
      %swap3A_156 = arith.index_cast %swap3A_155 : i32 to index
      %swap3A_157 = arith.index_cast %mul3A_154 : i32 to index
      %swap3A_158 = tpu.vector_load %arg12[%swap3A_156, %swap3A_157] {strides = array<i32>} : memref<16x1027xi32, #tpu.memory_space<vmem>>, vector<16xi32>,
      tpu.vector_store %arg12[%swap3A_156, %swap3A_157], %broadcast_in_dim3A_3 {strides = array<i32>} : memref<16x1027xi32, #tpu.memory_space<vmem>>, vector<16xi32>,
      %mul3A_159 = arith.constant 16 : i32
      %mul3A_160 = arith.muli %scan3A_56, %mul3A_159 : i32
      %swap3A_161 = arith.constant 8 : i32
      %swap3A_162 = arith.index_cast %swap3A_161 : i32 to index
      %swap3A_163 = arith.index_cast %mul3A_160 : i32 to index
      %swap3A_164 = tpu.vector_load %arg13[%swap3A_162, %swap3A_163] {strides = array<i32>} : memref<16x1027xf32, #tpu.memory_space<vmem>>, vector<16xf32>,
      tpu.vector_store %arg13[%swap3A_162, %swap3A_163], %broadcast_in_dim3A_5 {strides = array<i32>} : memref<16x1027xf32, #tpu.memory_space<vmem>>, vector<16xf32>,
      %mul3A_165 = arith.constant 16 : i32
      %mul3A_166 = arith.muli %scan3A_56, %mul3A_165 : i32
      %swap3A_167 = arith.constant 9 : i32
      %swap3A_168 = arith.index_cast %swap3A_167 : i32 to index
      %swap3A_169 = arith.index_cast %mul3A_166 : i32 to index
      %swap3A_170 = tpu.vector_load %arg12[%swap3A_168, %swap3A_169] {strides = array<i32>} : memref<16x1027xi32, #tpu.memory_space<vmem>>, vector<16xi32>,
      tpu.vector_store %arg12[%swap3A_168, %swap3A_169], %broadcast_in_dim3A_3 {strides = array<i32>} : memref<16x1027xi32, #tpu.memory_space<vmem>>, vector<16xi32>,
      %mul3A_171 = arith.constant 16 : i32
      %mul3A_172 = arith.muli %scan3A_56, %mul3A_171 : i32
      %swap3A_173 = arith.constant 9 : i32
      %swap3A_174 = arith.index_cast %swap3A_173 : i32 to index
      %swap3A_175 = arith.index_cast %mul3A_172 : i32 to index
      %swap3A_176 = tpu.vector_load %arg13[%swap3A_174, %swap3A_175] {strides = array<i32>} : memref<16x1027xf32, #tpu.memory_space<vmem>>, vector<16xf32>,
      tpu.vector_store %arg13[%swap3A_174, %swap3A_175], %broadcast_in_dim3A_5 {strides = array<i32>} : memref<16x1027xf32, #tpu.memory_space<vmem>>, vector<16xf32>,
      %mul3A_177 = arith.constant 16 : i32
      %mul3A_178 = arith.muli %scan3A_56, %mul3A_177 : i32
      %swap3A_179 = arith.constant 10 : i32
      %swap3A_180 = arith.index_cast %swap3A_179 : i32 to index
      %swap3A_181 = arith.index_cast %mul3A_178 : i32 to index
      %swap3A_182 = tpu.vector_load %arg12[%swap3A_180, %swap3A_181] {strides = array<i32>} : memref<16x1027xi32, #tpu.memory_space<vmem>>, vector<16xi32>,
      tpu.vector_store %arg12[%swap3A_180, %swap3A_181], %broadcast_in_dim3A_3 {strides = array<i32>} : memref<16x1027xi32, #tpu.memory_space<vmem>>, vector<16xi32>,
      %mul3A_183 = arith.constant 16 : i32
      %mul3A_184 = arith.muli %scan3A_56, %mul3A_183 : i32
      %swap3A_185 = arith.constant 10 : i32
      %swap3A_186 = arith.index_cast %swap3A_185 : i32 to index
      %swap3A_187 = arith.index_cast %mul3A_184 : i32 to index
      %swap3A_188 = tpu.vector_load %arg13[%swap3A_186, %swap3A_187] {strides = array<i32>} : memref<16x1027xf32, #tpu.memory_space<vmem>>, vector<16xf32>,
      tpu.vector_store %arg13[%swap3A_186, %swap3A_187], %broadcast_in_dim3A_5 {strides = array<i32>} : memref<16x1027xf32, #tpu.memory_space<vmem>>, vector<16xf32>,
      %mul3A_189 = arith.constant 16 : i32
      %mul3A_190 = arith.muli %scan3A_56, %mul3A_189 : i32
      %swap3A_191 = arith.constant 11 : i32
      %swap3A_192 = arith.index_cast %swap3A_191 : i32 to index
      %swap3A_193 = arith.index_cast %mul3A_190 : i32 to index
      %swap3A_194 = tpu.vector_load %arg12[%swap3A_192, %swap3A_193] {strides = array<i32>} : memref<16x1027xi32, #tpu.memory_space<vmem>>, vector<16xi32>,
      tpu.vector_store %arg12[%swap3A_192, %swap3A_193], %broadcast_in_dim3A_3 {strides = array<i32>} : memref<16x1027xi32, #tpu.memory_space<vmem>>, vector<16xi32>,
      %mul3A_195 = arith.constant 16 : i32
      %mul3A_196 = arith.muli %scan3A_56, %mul3A_195 : i32
      %swap3A_197 = arith.constant 11 : i32
      %swap3A_198 = arith.index_cast %swap3A_197 : i32 to index
      %swap3A_199 = arith.index_cast %mul3A_196 : i32 to index
      %swap3A_200 = tpu.vector_load %arg13[%swap3A_198, %swap3A_199] {strides = array<i32>} : memref<16x1027xf32, #tpu.memory_space<vmem>>, vector<16xf32>,
      tpu.vector_store %arg13[%swap3A_198, %swap3A_199], %broadcast_in_dim3A_5 {strides = array<i32>} : memref<16x1027xf32, #tpu.memory_space<vmem>>, vector<16xf32>,
      %mul3A_201 = arith.constant 16 : i32
      %mul3A_202 = arith.muli %scan3A_56, %mul3A_201 : i32
      %swap3A_203 = arith.constant 12 : i32
      %swap3A_204 = arith.index_cast %swap3A_203 : i32 to index
      %swap3A_205 = arith.index_cast %mul3A_202 : i32 to index
      %swap3A_206 = tpu.vector_load %arg12[%swap3A_204, %swap3A_205] {strides = array<i32>} : memref<16x1027xi32, #tpu.memory_space<vmem>>, vector<16xi32>,
      tpu.vector_store %arg12[%swap3A_204, %swap3A_205], %broadcast_in_dim3A_3 {strides = array<i32>} : memref<16x1027xi32, #tpu.memory_space<vmem>>, vector<16xi32>,
      %mul3A_207 = arith.constant 16 : i32
      %mul3A_208 = arith.muli %scan3A_56, %mul3A_207 : i32
      %swap3A_209 = arith.constant 12 : i32
      %swap3A_210 = arith.index_cast %swap3A_209 : i32 to index
      %swap3A_211 = arith.index_cast %mul3A_208 : i32 to index
      %swap3A_212 = tpu.vector_load %arg13[%swap3A_210, %swap3A_211] {strides = array<i32>} : memref<16x1027xf32, #tpu.memory_space<vmem>>, vector<16xf32>,
      tpu.vector_store %arg13[%swap3A_210, %swap3A_211], %broadcast_in_dim3A_5 {strides = array<i32>} : memref<16x1027xf32, #tpu.memory_space<vmem>>, vector<16xf32>,
      %mul3A_213 = arith.constant 16 : i32
      %mul3A_214 = arith.muli %scan3A_56, %mul3A_213 : i32
      %swap3A_215 = arith.constant 13 : i32
      %swap3A_216 = arith.index_cast %swap3A_215 : i32 to index
      %swap3A_217 = arith.index_cast %mul3A_214 : i32 to index
      %swap3A_218 = tpu.vector_load %arg12[%swap3A_216, %swap3A_217] {strides = array<i32>} : memref<16x1027xi32, #tpu.memory_space<vmem>>, vector<16xi32>,
      tpu.vector_store %arg12[%swap3A_216, %swap3A_217], %broadcast_in_dim3A_3 {strides = array<i32>} : memref<16x1027xi32, #tpu.memory_space<vmem>>, vector<16xi32>,
      %mul3A_219 = arith.constant 16 : i32
      %mul3A_220 = arith.muli %scan3A_56, %mul3A_219 : i32
      %swap3A_221 = arith.constant 13 : i32
      %swap3A_222 = arith.index_cast %swap3A_221 : i32 to index
      %swap3A_223 = arith.index_cast %mul3A_220 : i32 to index
      %swap3A_224 = tpu.vector_load %arg13[%swap3A_222, %swap3A_223] {strides = array<i32>} : memref<16x1027xf32, #tpu.memory_space<vmem>>, vector<16xf32>,
      tpu.vector_store %arg13[%swap3A_222, %swap3A_223], %broadcast_in_dim3A_5 {strides = array<i32>} : memref<16x1027xf32, #tpu.memory_space<vmem>>, vector<16xf32>,
      %mul3A_225 = arith.constant 16 : i32
      %mul3A_226 = arith.muli %scan3A_56, %mul3A_225 : i32
      %swap3A_227 = arith.constant 14 : i32
      %swap3A_228 = arith.index_cast %swap3A_227 : i32 to index
      %swap3A_229 = arith.index_cast %mul3A_226 : i32 to index
      %swap3A_230 = tpu.vector_load %arg12[%swap3A_228, %swap3A_229] {strides = array<i32>} : memref<16x1027xi32, #tpu.memory_space<vmem>>, vector<16xi32>,
      tpu.vector_store %arg12[%swap3A_228, %swap3A_229], %broadcast_in_dim3A_3 {strides = array<i32>} : memref<16x1027xi32, #tpu.memory_space<vmem>>, vector<16xi32>,
      %mul3A_231 = arith.constant 16 : i32
      %mul3A_232 = arith.muli %scan3A_56, %mul3A_231 : i32
      %swap3A_233 = arith.constant 14 : i32
      %swap3A_234 = arith.index_cast %swap3A_233 : i32 to index
      %swap3A_235 = arith.index_cast %mul3A_232 : i32 to index
      %swap3A_236 = tpu.vector_load %arg13[%swap3A_234, %swap3A_235] {strides = array<i32>} : memref<16x1027xf32, #tpu.memory_space<vmem>>, vector<16xf32>,
      tpu.vector_store %arg13[%swap3A_234, %swap3A_235], %broadcast_in_dim3A_5 {strides = array<i32>} : memref<16x1027xf32, #tpu.memory_space<vmem>>, vector<16xf32>,
      %mul3A_237 = arith.constant 16 : i32
      %mul3A_238 = arith.muli %scan3A_56, %mul3A_237 : i32
      %swap3A_239 = arith.constant 15 : i32
      %swap3A_240 = arith.index_cast %swap3A_239 : i32 to index
      %swap3A_241 = arith.index_cast %mul3A_238 : i32 to index
      %swap3A_242 = tpu.vector_load %arg12[%swap3A_240, %swap3A_241] {strides = array<i32>} : memref<16x1027xi32, #tpu.memory_space<vmem>>, vector<16xi32>,
      tpu.vector_store %arg12[%swap3A_240, %swap3A_241], %broadcast_in_dim3A_3 {strides = array<i32>} : memref<16x1027xi32, #tpu.memory_space<vmem>>, vector<16xi32>,
      %mul3A_243 = arith.constant 16 : i32
      %mul3A_244 = arith.muli %scan3A_56, %mul3A_243 : i32
      %swap3A_245 = arith.constant 15 : i32
      %swap3A_246 = arith.index_cast %swap3A_245 : i32 to index
      %swap3A_247 = arith.index_cast %mul3A_244 : i32 to index
      %swap3A_248 = tpu.vector_load %arg13[%swap3A_246, %swap3A_247] {strides = array<i32>} : memref<16x1027xf32, #tpu.memory_space<vmem>>, vector<16xf32>,
      tpu.vector_store %arg13[%swap3A_246, %swap3A_247], %broadcast_in_dim3A_5 {strides = array<i32>} : memref<16x1027xf32, #tpu.memory_space<vmem>>, vector<16xf32>,
    }
    %scan3A_10 = arith.constant 64 : i32
    %iota3A = tpu.iota {dimensions = array<i32: 0>} : vector<16xi32>
    %broadcast_in_dim3A_11 = arith.constant 1 : i32
    %broadcast_in_dim3A_12 = vector.broadcast %broadcast_in_dim3A_11 : i32 to vector<16xi32>
    %get3A = arith.constant 0 : index
    %get3A_13 = tpu.vector_load %arg9[%get3A] {strides = array<i32>} : memref<16xi32, #tpu.memory_space<vmem>>, vector<16xi32>,
    %shift_left3A = arith.constant 10 : i32
    %shift_left3A_14 = vector.broadcast %shift_left3A : i32 to vector<16xi32>
    %shift_left3A_15 = arith.shli %get3A_13, %shift_left3A_14 : vector<16xi32>
    %add3A_16 = arith.constant 0 : i32
    %add3A_17 = arith.addi %mul3A_2, %add3A_16 : i32
    "tpu.region"() ({
      %run_scoped3A = tpu.sem_alloc : memref<!tpu.dma_semaphore, #tpu.memory_space<semaphore_mem>>
      %dma_start3A = arith.constant 0 : i32
      %dma_start3A_56 = tpu.memref_slice %arg2[%add3A_17, %dma_start3A] : memref<4096x512xi32, #tpu.memory_space<hbm>> -> memref<32x512xi32, #tpu.memory_space<hbm>>
      %dma_start3A_57 = arith.constant 0 : i32
      %dma_start3A_58 = tpu.memref_slice %arg2[%add3A_17, %dma_start3A_57] : memref<4096x512xi32, #tpu.memory_space<hbm>> -> memref<32x512xi32, #tpu.memory_space<hbm>>
      tpu.enqueue_dma source(%dma_start3A_58 : memref<32x512xi32, #tpu.memory_space<hbm>>) target(%arg10 : memref<32x512xi32, #tpu.memory_space<vmem>>) target_semaphore(%run_scoped3A : memref<!tpu.dma_semaphore, #tpu.memory_space<semaphore_mem>>)
      %dma_wait3A = arith.constant 0 : i32
      %dma_wait3A_59 = tpu.memref_slice %arg2[%add3A_17, %dma_wait3A] : memref<4096x512xi32, #tpu.memory_space<hbm>> -> memref<32x512xi32, #tpu.memory_space<hbm>>
      %dma_wait3A_60 = arith.constant 0 : i32
      %dma_wait3A_61 = tpu.memref_slice %arg2[%add3A_17, %dma_wait3A_60] : memref<4096x512xi32, #tpu.memory_space<hbm>> -> memref<32x512xi32, #tpu.memory_space<hbm>>
      tpu.wait_dma2 semaphore(%run_scoped3A : memref<!tpu.dma_semaphore, #tpu.memory_space<semaphore_mem>>) src(%dma_wait3A_61 : memref<32x512xi32, #tpu.memory_space<hbm>>) dst(%arg10 : memref<32x512xi32, #tpu.memory_space<vmem>>)
      tpu.yield
    }) : () -> ()
    %add3A_18 = arith.constant 0 : i32
    %add3A_19 = arith.addi %mul3A_2, %add3A_18 : i32
    "tpu.region"() ({
      %run_scoped3A = tpu.sem_alloc : memref<!tpu.dma_semaphore, #tpu.memory_space<semaphore_mem>>
      %dma_start3A = arith.constant 0 : i32
      %dma_start3A_56 = tpu.memref_slice %arg3[%add3A_19, %dma_start3A] : memref<4096x512xf32, #tpu.memory_space<hbm>> -> memref<32x512xf32, #tpu.memory_space<hbm>>
      %dma_start3A_57 = arith.constant 0 : i32
      %dma_start3A_58 = tpu.memref_slice %arg3[%add3A_19, %dma_start3A_57] : memref<4096x512xf32, #tpu.memory_space<hbm>> -> memref<32x512xf32, #tpu.memory_space<hbm>>
      tpu.enqueue_dma source(%dma_start3A_58 : memref<32x512xf32, #tpu.memory_space<hbm>>) target(%arg11 : memref<32x512xf32, #tpu.memory_space<vmem>>) target_semaphore(%run_scoped3A : memref<!tpu.dma_semaphore, #tpu.memory_space<semaphore_mem>>)
      %dma_wait3A = arith.constant 0 : i32
      %dma_wait3A_59 = tpu.memref_slice %arg3[%add3A_19, %dma_wait3A] : memref<4096x512xf32, #tpu.memory_space<hbm>> -> memref<32x512xf32, #tpu.memory_space<hbm>>
      %dma_wait3A_60 = arith.constant 0 : i32
      %dma_wait3A_61 = tpu.memref_slice %arg3[%add3A_19, %dma_wait3A_60] : memref<4096x512xf32, #tpu.memory_space<hbm>> -> memref<32x512xf32, #tpu.memory_space<hbm>>
      tpu.wait_dma2 semaphore(%run_scoped3A : memref<!tpu.dma_semaphore, #tpu.memory_space<semaphore_mem>>) src(%dma_wait3A_61 : memref<32x512xf32, #tpu.memory_space<hbm>>) dst(%arg11 : memref<32x512xf32, #tpu.memory_space<vmem>>)
      tpu.yield
    }) : () -> ()
    %parallel_loop3A = arith.constant 0 : i32
    %parallel_loop3A_20 = arith.constant 1024 : i32
    %parallel_loop3A_21 = arith.constant 1 : i32
    %parallel_loop3A_22:2 = scf.for %parallel_loop3A_56 = %parallel_loop3A to %parallel_loop3A_20 step %parallel_loop3A_21 iter_args(%parallel_loop3A_57 = %broadcast_in_dim3A_5, %parallel_loop3A_58 = %broadcast_in_dim3A_5) -> (vector<16xf32>, vector<16xf32>)  : i32 {
      %parallel_loop3A_59 = arith.constant 5 : i32
      %parallel_loop3A_60 = arith.shrsi %parallel_loop3A_56, %parallel_loop3A_59 : i32
      %parallel_loop3A_61 = arith.constant 31 : i32
      %parallel_loop3A_62 = arith.andi %parallel_loop3A_56, %parallel_loop3A_61 : i32
      %parallel_loop3A_63 = arith.constant 16 : i32
      %parallel_loop3A_64 = arith.muli %parallel_loop3A_62, %parallel_loop3A_63 : i32
      %parallel_loop3A_65 = arith.index_cast %parallel_loop3A_60 : i32 to index
      %parallel_loop3A_66 = arith.index_cast %parallel_loop3A_64 : i32 to index
      %parallel_loop3A_67 = tpu.vector_load %arg10[%parallel_loop3A_65, %parallel_loop3A_66] {strides = array<i32>} : memref<32x512xi32, #tpu.memory_space<vmem>>, vector<16xi32>,
      %parallel_loop3A_68 = arith.constant 5 : i32
      %parallel_loop3A_69 = arith.shrsi %parallel_loop3A_56, %parallel_loop3A_68 : i32
      %parallel_loop3A_70 = arith.constant 31 : i32
      %parallel_loop3A_71 = arith.andi %parallel_loop3A_56, %parallel_loop3A_70 : i32
      %parallel_loop3A_72 = arith.constant 16 : i32
      %parallel_loop3A_73 = arith.muli %parallel_loop3A_71, %parallel_loop3A_72 : i32
      %parallel_loop3A_74 = arith.index_cast %parallel_loop3A_69 : i32 to index
      %parallel_loop3A_75 = arith.index_cast %parallel_loop3A_73 : i32 to index
      %parallel_loop3A_76 = tpu.vector_load %arg11[%parallel_loop3A_74, %parallel_loop3A_75] {strides = array<i32>} : memref<32x512xf32, #tpu.memory_space<vmem>>, vector<16xf32>,
      %parallel_loop3A_77 = arith.constant 10 : i32
      %parallel_loop3A_78 = vector.broadcast %parallel_loop3A_77 : i32 to vector<16xi32>
      %parallel_loop3A_79 = arith.shrui %parallel_loop3A_67, %parallel_loop3A_78 : vector<16xi32>
      %parallel_loop3A_80 = arith.cmpi eq, %parallel_loop3A_79, %get3A_13 : vector<16xi32>
      %parallel_loop3A_81 = arith.constant 1023 : i32
      %parallel_loop3A_82 = vector.broadcast %parallel_loop3A_81 : i32 to vector<16xi32>
      %parallel_loop3A_83 = arith.andi %parallel_loop3A_67, %parallel_loop3A_82 : vector<16xi32>
      tpu.vector_store_idx %arg12[%iota3A, %parallel_loop3A_83], %broadcast_in_dim3A_12 masked %parallel_loop3A_80 {add = true} : memref<16x1027xi32, #tpu.memory_space<vmem>>[vector<16xi32>, vector<16xi32>], vector<16xi32>, vector<16xi1>
      tpu.vector_store_idx %arg13[%iota3A, %parallel_loop3A_83], %parallel_loop3A_76 masked %parallel_loop3A_80 {add = true} : memref<16x1027xf32, #tpu.memory_space<vmem>>[vector<16xi32>, vector<16xi32>], vector<16xf32>, vector<16xi1>
      %parallel_loop3A_84 = arith.cmpi slt, %parallel_loop3A_67, %shift_left3A_15 : vector<16xi32>
      %parallel_loop3A_85 = arith.constant 0.000000e+00 : f32
      %parallel_loop3A_86 = vector.broadcast %parallel_loop3A_85 : f32 to vector<16xf32>
      %parallel_loop3A_87 = arith.select %parallel_loop3A_84, %parallel_loop3A_76, %parallel_loop3A_86 : vector<16xi1>, vector<16xf32>
      %parallel_loop3A_88 = arith.addf %parallel_loop3A_57, %parallel_loop3A_87 : vector<16xf32>
      %parallel_loop3A_89 = arith.constant 1.000000e+00 : f32
      %parallel_loop3A_90 = arith.constant 0.000000e+00 : f32
      %parallel_loop3A_91 = vector.broadcast %parallel_loop3A_89 : f32 to vector<16xf32>
      %parallel_loop3A_92 = vector.broadcast %parallel_loop3A_90 : f32 to vector<16xf32>
      %parallel_loop3A_93 = arith.select %parallel_loop3A_84, %parallel_loop3A_91, %parallel_loop3A_92 : vector<16xi1>, vector<16xf32>
      %parallel_loop3A_94 = arith.addf %parallel_loop3A_58, %parallel_loop3A_93 : vector<16xf32>
      scf.yield %parallel_loop3A_88, %parallel_loop3A_94 : vector<16xf32>, vector<16xf32>
    } {sc.loop_unroll_factor = 4 : i64, sc.parallel_access}
    %add3A_23 = arith.constant 32 : i32
    %add3A_24 = arith.addi %mul3A_2, %add3A_23 : i32
    "tpu.region"() ({
      %run_scoped3A = tpu.sem_alloc : memref<!tpu.dma_semaphore, #tpu.memory_space<semaphore_mem>>
      %dma_start3A = arith.constant 0 : i32
      %dma_start3A_56 = tpu.memref_slice %arg2[%add3A_24, %dma_start3A] : memref<4096x512xi32, #tpu.memory_space<hbm>> -> memref<32x512xi32, #tpu.memory_space<hbm>>
      %dma_start3A_57 = arith.constant 0 : i32
      %dma_start3A_58 = tpu.memref_slice %arg2[%add3A_24, %dma_start3A_57] : memref<4096x512xi32, #tpu.memory_space<hbm>> -> memref<32x512xi32, #tpu.memory_space<hbm>>
      tpu.enqueue_dma source(%dma_start3A_58 : memref<32x512xi32, #tpu.memory_space<hbm>>) target(%arg10 : memref<32x512xi32, #tpu.memory_space<vmem>>) target_semaphore(%run_scoped3A : memref<!tpu.dma_semaphore, #tpu.memory_space<semaphore_mem>>)
      %dma_wait3A = arith.constant 0 : i32
      %dma_wait3A_59 = tpu.memref_slice %arg2[%add3A_24, %dma_wait3A] : memref<4096x512xi32, #tpu.memory_space<hbm>> -> memref<32x512xi32, #tpu.memory_space<hbm>>
      %dma_wait3A_60 = arith.constant 0 : i32
      %dma_wait3A_61 = tpu.memref_slice %arg2[%add3A_24, %dma_wait3A_60] : memref<4096x512xi32, #tpu.memory_space<hbm>> -> memref<32x512xi32, #tpu.memory_space<hbm>>
      tpu.wait_dma2 semaphore(%run_scoped3A : memref<!tpu.dma_semaphore, #tpu.memory_space<semaphore_mem>>) src(%dma_wait3A_61 : memref<32x512xi32, #tpu.memory_space<hbm>>) dst(%arg10 : memref<32x512xi32, #tpu.memory_space<vmem>>)
      tpu.yield
    }) : () -> ()
    %add3A_25 = arith.constant 32 : i32
    %add3A_26 = arith.addi %mul3A_2, %add3A_25 : i32
    "tpu.region"() ({
      %run_scoped3A = tpu.sem_alloc : memref<!tpu.dma_semaphore, #tpu.memory_space<semaphore_mem>>
      %dma_start3A = arith.constant 0 : i32
      %dma_start3A_56 = tpu.memref_slice %arg3[%add3A_26, %dma_start3A] : memref<4096x512xf32, #tpu.memory_space<hbm>> -> memref<32x512xf32, #tpu.memory_space<hbm>>
      %dma_start3A_57 = arith.constant 0 : i32
      %dma_start3A_58 = tpu.memref_slice %arg3[%add3A_26, %dma_start3A_57] : memref<4096x512xf32, #tpu.memory_space<hbm>> -> memref<32x512xf32, #tpu.memory_space<hbm>>
      tpu.enqueue_dma source(%dma_start3A_58 : memref<32x512xf32, #tpu.memory_space<hbm>>) target(%arg11 : memref<32x512xf32, #tpu.memory_space<vmem>>) target_semaphore(%run_scoped3A : memref<!tpu.dma_semaphore, #tpu.memory_space<semaphore_mem>>)
      %dma_wait3A = arith.constant 0 : i32
      %dma_wait3A_59 = tpu.memref_slice %arg3[%add3A_26, %dma_wait3A] : memref<4096x512xf32, #tpu.memory_space<hbm>> -> memref<32x512xf32, #tpu.memory_space<hbm>>
      %dma_wait3A_60 = arith.constant 0 : i32
      %dma_wait3A_61 = tpu.memref_slice %arg3[%add3A_26, %dma_wait3A_60] : memref<4096x512xf32, #tpu.memory_space<hbm>> -> memref<32x512xf32, #tpu.memory_space<hbm>>
      tpu.wait_dma2 semaphore(%run_scoped3A : memref<!tpu.dma_semaphore, #tpu.memory_space<semaphore_mem>>) src(%dma_wait3A_61 : memref<32x512xf32, #tpu.memory_space<hbm>>) dst(%arg11 : memref<32x512xf32, #tpu.memory_space<vmem>>)
      tpu.yield
    }) : () -> ()
    %parallel_loop3A_27 = arith.constant 0 : i32
    %parallel_loop3A_28 = arith.constant 1024 : i32
    %parallel_loop3A_29 = arith.constant 1 : i32
    %parallel_loop3A_30:2 = scf.for %parallel_loop3A_56 = %parallel_loop3A_27 to %parallel_loop3A_28 step %parallel_loop3A_29 iter_args(%parallel_loop3A_57 = %parallel_loop3A_22#0, %parallel_loop3A_58 = %parallel_loop3A_22#1) -> (vector<16xf32>, vector<16xf32>)  : i32 {
      %parallel_loop3A_59 = arith.constant 5 : i32
      %parallel_loop3A_60 = arith.shrsi %parallel_loop3A_56, %parallel_loop3A_59 : i32
      %parallel_loop3A_61 = arith.constant 31 : i32
      %parallel_loop3A_62 = arith.andi %parallel_loop3A_56, %parallel_loop3A_61 : i32
      %parallel_loop3A_63 = arith.constant 16 : i32
      %parallel_loop3A_64 = arith.muli %parallel_loop3A_62, %parallel_loop3A_63 : i32
      %parallel_loop3A_65 = arith.index_cast %parallel_loop3A_60 : i32 to index
      %parallel_loop3A_66 = arith.index_cast %parallel_loop3A_64 : i32 to index
      %parallel_loop3A_67 = tpu.vector_load %arg10[%parallel_loop3A_65, %parallel_loop3A_66] {strides = array<i32>} : memref<32x512xi32, #tpu.memory_space<vmem>>, vector<16xi32>,
      %parallel_loop3A_68 = arith.constant 5 : i32
      %parallel_loop3A_69 = arith.shrsi %parallel_loop3A_56, %parallel_loop3A_68 : i32
      %parallel_loop3A_70 = arith.constant 31 : i32
      %parallel_loop3A_71 = arith.andi %parallel_loop3A_56, %parallel_loop3A_70 : i32
      %parallel_loop3A_72 = arith.constant 16 : i32
      %parallel_loop3A_73 = arith.muli %parallel_loop3A_71, %parallel_loop3A_72 : i32
      %parallel_loop3A_74 = arith.index_cast %parallel_loop3A_69 : i32 to index
      %parallel_loop3A_75 = arith.index_cast %parallel_loop3A_73 : i32 to index
      %parallel_loop3A_76 = tpu.vector_load %arg11[%parallel_loop3A_74, %parallel_loop3A_75] {strides = array<i32>} : memref<32x512xf32, #tpu.memory_space<vmem>>, vector<16xf32>,
      %parallel_loop3A_77 = arith.constant 10 : i32
      %parallel_loop3A_78 = vector.broadcast %parallel_loop3A_77 : i32 to vector<16xi32>
      %parallel_loop3A_79 = arith.shrui %parallel_loop3A_67, %parallel_loop3A_78 : vector<16xi32>
      %parallel_loop3A_80 = arith.cmpi eq, %parallel_loop3A_79, %get3A_13 : vector<16xi32>
      %parallel_loop3A_81 = arith.constant 1023 : i32
      %parallel_loop3A_82 = vector.broadcast %parallel_loop3A_81 : i32 to vector<16xi32>
      %parallel_loop3A_83 = arith.andi %parallel_loop3A_67, %parallel_loop3A_82 : vector<16xi32>
      tpu.vector_store_idx %arg12[%iota3A, %parallel_loop3A_83], %broadcast_in_dim3A_12 masked %parallel_loop3A_80 {add = true} : memref<16x1027xi32, #tpu.memory_space<vmem>>[vector<16xi32>, vector<16xi32>], vector<16xi32>, vector<16xi1>
      tpu.vector_store_idx %arg13[%iota3A, %parallel_loop3A_83], %parallel_loop3A_76 masked %parallel_loop3A_80 {add = true} : memref<16x1027xf32, #tpu.memory_space<vmem>>[vector<16xi32>, vector<16xi32>], vector<16xf32>, vector<16xi1>
      %parallel_loop3A_84 = arith.cmpi slt, %parallel_loop3A_67, %shift_left3A_15 : vector<16xi32>
      %parallel_loop3A_85 = arith.constant 0.000000e+00 : f32
      %parallel_loop3A_86 = vector.broadcast %parallel_loop3A_85 : f32 to vector<16xf32>
      %parallel_loop3A_87 = arith.select %parallel_loop3A_84, %parallel_loop3A_76, %parallel_loop3A_86 : vector<16xi1>, vector<16xf32>
      %parallel_loop3A_88 = arith.addf %parallel_loop3A_57, %parallel_loop3A_87 : vector<16xf32>
      %parallel_loop3A_89 = arith.constant 1.000000e+00 : f32
      %parallel_loop3A_90 = arith.constant 0.000000e+00 : f32
      %parallel_loop3A_91 = vector.broadcast %parallel_loop3A_89 : f32 to vector<16xf32>
      %parallel_loop3A_92 = vector.broadcast %parallel_loop3A_90 : f32 to vector<16xf32>
      %parallel_loop3A_93 = arith.select %parallel_loop3A_84, %parallel_loop3A_91, %parallel_loop3A_92 : vector<16xi1>, vector<16xf32>
      %parallel_loop3A_94 = arith.addf %parallel_loop3A_58, %parallel_loop3A_93 : vector<16xf32>
      scf.yield %parallel_loop3A_88, %parallel_loop3A_94 : vector<16xf32>, vector<16xf32>
    } {sc.loop_unroll_factor = 4 : i64, sc.parallel_access}
    %add3A_31 = arith.constant 64 : i32
    %add3A_32 = arith.addi %mul3A_2, %add3A_31 : i32
    "tpu.region"() ({
      %run_scoped3A = tpu.sem_alloc : memref<!tpu.dma_semaphore, #tpu.memory_space<semaphore_mem>>
      %dma_start3A = arith.constant 0 : i32
      %dma_start3A_56 = tpu.memref_slice %arg2[%add3A_32, %dma_start3A] : memref<4096x512xi32, #tpu.memory_space<hbm>> -> memref<32x512xi32, #tpu.memory_space<hbm>>
      %dma_start3A_57 = arith.constant 0 : i32
      %dma_start3A_58 = tpu.memref_slice %arg2[%add3A_32, %dma_start3A_57] : memref<4096x512xi32, #tpu.memory_space<hbm>> -> memref<32x512xi32, #tpu.memory_space<hbm>>
      tpu.enqueue_dma source(%dma_start3A_58 : memref<32x512xi32, #tpu.memory_space<hbm>>) target(%arg10 : memref<32x512xi32, #tpu.memory_space<vmem>>) target_semaphore(%run_scoped3A : memref<!tpu.dma_semaphore, #tpu.memory_space<semaphore_mem>>)
      %dma_wait3A = arith.constant 0 : i32
      %dma_wait3A_59 = tpu.memref_slice %arg2[%add3A_32, %dma_wait3A] : memref<4096x512xi32, #tpu.memory_space<hbm>> -> memref<32x512xi32, #tpu.memory_space<hbm>>
      %dma_wait3A_60 = arith.constant 0 : i32
      %dma_wait3A_61 = tpu.memref_slice %arg2[%add3A_32, %dma_wait3A_60] : memref<4096x512xi32, #tpu.memory_space<hbm>> -> memref<32x512xi32, #tpu.memory_space<hbm>>
      tpu.wait_dma2 semaphore(%run_scoped3A : memref<!tpu.dma_semaphore, #tpu.memory_space<semaphore_mem>>) src(%dma_wait3A_61 : memref<32x512xi32, #tpu.memory_space<hbm>>) dst(%arg10 : memref<32x512xi32, #tpu.memory_space<vmem>>)
      tpu.yield
    }) : () -> ()
    %add3A_33 = arith.constant 64 : i32
    %add3A_34 = arith.addi %mul3A_2, %add3A_33 : i32
    "tpu.region"() ({
      %run_scoped3A = tpu.sem_alloc : memref<!tpu.dma_semaphore, #tpu.memory_space<semaphore_mem>>
      %dma_start3A = arith.constant 0 : i32
      %dma_start3A_56 = tpu.memref_slice %arg3[%add3A_34, %dma_start3A] : memref<4096x512xf32, #tpu.memory_space<hbm>> -> memref<32x512xf32, #tpu.memory_space<hbm>>
      %dma_start3A_57 = arith.constant 0 : i32
      %dma_start3A_58 = tpu.memref_slice %arg3[%add3A_34, %dma_start3A_57] : memref<4096x512xf32, #tpu.memory_space<hbm>> -> memref<32x512xf32, #tpu.memory_space<hbm>>
      tpu.enqueue_dma source(%dma_start3A_58 : memref<32x512xf32, #tpu.memory_space<hbm>>) target(%arg11 : memref<32x512xf32, #tpu.memory_space<vmem>>) target_semaphore(%run_scoped3A : memref<!tpu.dma_semaphore, #tpu.memory_space<semaphore_mem>>)
      %dma_wait3A = arith.constant 0 : i32
      %dma_wait3A_59 = tpu.memref_slice %arg3[%add3A_34, %dma_wait3A] : memref<4096x512xf32, #tpu.memory_space<hbm>> -> memref<32x512xf32, #tpu.memory_space<hbm>>
      %dma_wait3A_60 = arith.constant 0 : i32
      %dma_wait3A_61 = tpu.memref_slice %arg3[%add3A_34, %dma_wait3A_60] : memref<4096x512xf32, #tpu.memory_space<hbm>> -> memref<32x512xf32, #tpu.memory_space<hbm>>
      tpu.wait_dma2 semaphore(%run_scoped3A : memref<!tpu.dma_semaphore, #tpu.memory_space<semaphore_mem>>) src(%dma_wait3A_61 : memref<32x512xf32, #tpu.memory_space<hbm>>) dst(%arg11 : memref<32x512xf32, #tpu.memory_space<vmem>>)
      tpu.yield
    }) : () -> ()
    %parallel_loop3A_35 = arith.constant 0 : i32
    %parallel_loop3A_36 = arith.constant 1024 : i32
    %parallel_loop3A_37 = arith.constant 1 : i32
    %parallel_loop3A_38:2 = scf.for %parallel_loop3A_56 = %parallel_loop3A_35 to %parallel_loop3A_36 step %parallel_loop3A_37 iter_args(%parallel_loop3A_57 = %parallel_loop3A_30#0, %parallel_loop3A_58 = %parallel_loop3A_30#1) -> (vector<16xf32>, vector<16xf32>)  : i32 {
      %parallel_loop3A_59 = arith.constant 5 : i32
      %parallel_loop3A_60 = arith.shrsi %parallel_loop3A_56, %parallel_loop3A_59 : i32
      %parallel_loop3A_61 = arith.constant 31 : i32
      %parallel_loop3A_62 = arith.andi %parallel_loop3A_56, %parallel_loop3A_61 : i32
      %parallel_loop3A_63 = arith.constant 16 : i32
      %parallel_loop3A_64 = arith.muli %parallel_loop3A_62, %parallel_loop3A_63 : i32
      %parallel_loop3A_65 = arith.index_cast %parallel_loop3A_60 : i32 to index
      %parallel_loop3A_66 = arith.index_cast %parallel_loop3A_64 : i32 to index
      %parallel_loop3A_67 = tpu.vector_load %arg10[%parallel_loop3A_65, %parallel_loop3A_66] {strides = array<i32>} : memref<32x512xi32, #tpu.memory_space<vmem>>, vector<16xi32>,
      %parallel_loop3A_68 = arith.constant 5 : i32
      %parallel_loop3A_69 = arith.shrsi %parallel_loop3A_56, %parallel_loop3A_68 : i32
      %parallel_loop3A_70 = arith.constant 31 : i32
      %parallel_loop3A_71 = arith.andi %parallel_loop3A_56, %parallel_loop3A_70 : i32
      %parallel_loop3A_72 = arith.constant 16 : i32
      %parallel_loop3A_73 = arith.muli %parallel_loop3A_71, %parallel_loop3A_72 : i32
      %parallel_loop3A_74 = arith.index_cast %parallel_loop3A_69 : i32 to index
      %parallel_loop3A_75 = arith.index_cast %parallel_loop3A_73 : i32 to index
      %parallel_loop3A_76 = tpu.vector_load %arg11[%parallel_loop3A_74, %parallel_loop3A_75] {strides = array<i32>} : memref<32x512xf32, #tpu.memory_space<vmem>>, vector<16xf32>,
      %parallel_loop3A_77 = arith.constant 10 : i32
      %parallel_loop3A_78 = vector.broadcast %parallel_loop3A_77 : i32 to vector<16xi32>
      %parallel_loop3A_79 = arith.shrui %parallel_loop3A_67, %parallel_loop3A_78 : vector<16xi32>
      %parallel_loop3A_80 = arith.cmpi eq, %parallel_loop3A_79, %get3A_13 : vector<16xi32>
      %parallel_loop3A_81 = arith.constant 1023 : i32
      %parallel_loop3A_82 = vector.broadcast %parallel_loop3A_81 : i32 to vector<16xi32>
      %parallel_loop3A_83 = arith.andi %parallel_loop3A_67, %parallel_loop3A_82 : vector<16xi32>
      tpu.vector_store_idx %arg12[%iota3A, %parallel_loop3A_83], %broadcast_in_dim3A_12 masked %parallel_loop3A_80 {add = true} : memref<16x1027xi32, #tpu.memory_space<vmem>>[vector<16xi32>, vector<16xi32>], vector<16xi32>, vector<16xi1>
      tpu.vector_store_idx %arg13[%iota3A, %parallel_loop3A_83], %parallel_loop3A_76 masked %parallel_loop3A_80 {add = true} : memref<16x1027xf32, #tpu.memory_space<vmem>>[vector<16xi32>, vector<16xi32>], vector<16xf32>, vector<16xi1>
      %parallel_loop3A_84 = arith.cmpi slt, %parallel_loop3A_67, %shift_left3A_15 : vector<16xi32>
      %parallel_loop3A_85 = arith.constant 0.000000e+00 : f32
      %parallel_loop3A_86 = vector.broadcast %parallel_loop3A_85 : f32 to vector<16xf32>
      %parallel_loop3A_87 = arith.select %parallel_loop3A_84, %parallel_loop3A_76, %parallel_loop3A_86 : vector<16xi1>, vector<16xf32>
      %parallel_loop3A_88 = arith.addf %parallel_loop3A_57, %parallel_loop3A_87 : vector<16xf32>
      %parallel_loop3A_89 = arith.constant 1.000000e+00 : f32
      %parallel_loop3A_90 = arith.constant 0.000000e+00 : f32
      %parallel_loop3A_91 = vector.broadcast %parallel_loop3A_89 : f32 to vector<16xf32>
      %parallel_loop3A_92 = vector.broadcast %parallel_loop3A_90 : f32 to vector<16xf32>
      %parallel_loop3A_93 = arith.select %parallel_loop3A_84, %parallel_loop3A_91, %parallel_loop3A_92 : vector<16xi1>, vector<16xf32>
      %parallel_loop3A_94 = arith.addf %parallel_loop3A_58, %parallel_loop3A_93 : vector<16xf32>
      scf.yield %parallel_loop3A_88, %parallel_loop3A_94 : vector<16xf32>, vector<16xf32>
    } {sc.loop_unroll_factor = 4 : i64, sc.parallel_access}
    %add3A_39 = arith.constant 96 : i32
    %add3A_40 = arith.addi %mul3A_2, %add3A_39 : i32
    "tpu.region"() ({
      %run_scoped3A = tpu.sem_alloc : memref<!tpu.dma_semaphore, #tpu.memory_space<semaphore_mem>>
      %dma_start3A = arith.constant 0 : i32
      %dma_start3A_56 = tpu.memref_slice %arg2[%add3A_40, %dma_start3A] : memref<4096x512xi32, #tpu.memory_space<hbm>> -> memref<32x512xi32, #tpu.memory_space<hbm>>
      %dma_start3A_57 = arith.constant 0 : i32
      %dma_start3A_58 = tpu.memref_slice %arg2[%add3A_40, %dma_start3A_57] : memref<4096x512xi32, #tpu.memory_space<hbm>> -> memref<32x512xi32, #tpu.memory_space<hbm>>
      tpu.enqueue_dma source(%dma_start3A_58 : memref<32x512xi32, #tpu.memory_space<hbm>>) target(%arg10 : memref<32x512xi32, #tpu.memory_space<vmem>>) target_semaphore(%run_scoped3A : memref<!tpu.dma_semaphore, #tpu.memory_space<semaphore_mem>>)
      %dma_wait3A = arith.constant 0 : i32
      %dma_wait3A_59 = tpu.memref_slice %arg2[%add3A_40, %dma_wait3A] : memref<4096x512xi32, #tpu.memory_space<hbm>> -> memref<32x512xi32, #tpu.memory_space<hbm>>
      %dma_wait3A_60 = arith.constant 0 : i32
      %dma_wait3A_61 = tpu.memref_slice %arg2[%add3A_40, %dma_wait3A_60] : memref<4096x512xi32, #tpu.memory_space<hbm>> -> memref<32x512xi32, #tpu.memory_space<hbm>>
      tpu.wait_dma2 semaphore(%run_scoped3A : memref<!tpu.dma_semaphore, #tpu.memory_space<semaphore_mem>>) src(%dma_wait3A_61 : memref<32x512xi32, #tpu.memory_space<hbm>>) dst(%arg10 : memref<32x512xi32, #tpu.memory_space<vmem>>)
      tpu.yield
    }) : () -> ()
    %add3A_41 = arith.constant 96 : i32
    %add3A_42 = arith.addi %mul3A_2, %add3A_41 : i32
    "tpu.region"() ({
      %run_scoped3A = tpu.sem_alloc : memref<!tpu.dma_semaphore, #tpu.memory_space<semaphore_mem>>
      %dma_start3A = arith.constant 0 : i32
      %dma_start3A_56 = tpu.memref_slice %arg3[%add3A_42, %dma_start3A] : memref<4096x512xf32, #tpu.memory_space<hbm>> -> memref<32x512xf32, #tpu.memory_space<hbm>>
      %dma_start3A_57 = arith.constant 0 : i32
      %dma_start3A_58 = tpu.memref_slice %arg3[%add3A_42, %dma_start3A_57] : memref<4096x512xf32, #tpu.memory_space<hbm>> -> memref<32x512xf32, #tpu.memory_space<hbm>>
      tpu.enqueue_dma source(%dma_start3A_58 : memref<32x512xf32, #tpu.memory_space<hbm>>) target(%arg11 : memref<32x512xf32, #tpu.memory_space<vmem>>) target_semaphore(%run_scoped3A : memref<!tpu.dma_semaphore, #tpu.memory_space<semaphore_mem>>)
      %dma_wait3A = arith.constant 0 : i32
      %dma_wait3A_59 = tpu.memref_slice %arg3[%add3A_42, %dma_wait3A] : memref<4096x512xf32, #tpu.memory_space<hbm>> -> memref<32x512xf32, #tpu.memory_space<hbm>>
      %dma_wait3A_60 = arith.constant 0 : i32
      %dma_wait3A_61 = tpu.memref_slice %arg3[%add3A_42, %dma_wait3A_60] : memref<4096x512xf32, #tpu.memory_space<hbm>> -> memref<32x512xf32, #tpu.memory_space<hbm>>
      tpu.wait_dma2 semaphore(%run_scoped3A : memref<!tpu.dma_semaphore, #tpu.memory_space<semaphore_mem>>) src(%dma_wait3A_61 : memref<32x512xf32, #tpu.memory_space<hbm>>) dst(%arg11 : memref<32x512xf32, #tpu.memory_space<vmem>>)
      tpu.yield
    }) : () -> ()
    %parallel_loop3A_43 = arith.constant 0 : i32
    %parallel_loop3A_44 = arith.constant 1024 : i32
    %parallel_loop3A_45 = arith.constant 1 : i32
    %parallel_loop3A_46:2 = scf.for %parallel_loop3A_56 = %parallel_loop3A_43 to %parallel_loop3A_44 step %parallel_loop3A_45 iter_args(%parallel_loop3A_57 = %parallel_loop3A_38#0, %parallel_loop3A_58 = %parallel_loop3A_38#1) -> (vector<16xf32>, vector<16xf32>)  : i32 {
      %parallel_loop3A_59 = arith.constant 5 : i32
      %parallel_loop3A_60 = arith.shrsi %parallel_loop3A_56, %parallel_loop3A_59 : i32
      %parallel_loop3A_61 = arith.constant 31 : i32
      %parallel_loop3A_62 = arith.andi %parallel_loop3A_56, %parallel_loop3A_61 : i32
      %parallel_loop3A_63 = arith.constant 16 : i32
      %parallel_loop3A_64 = arith.muli %parallel_loop3A_62, %parallel_loop3A_63 : i32
      %parallel_loop3A_65 = arith.index_cast %parallel_loop3A_60 : i32 to index
      %parallel_loop3A_66 = arith.index_cast %parallel_loop3A_64 : i32 to index
      %parallel_loop3A_67 = tpu.vector_load %arg10[%parallel_loop3A_65, %parallel_loop3A_66] {strides = array<i32>} : memref<32x512xi32, #tpu.memory_space<vmem>>, vector<16xi32>,
      %parallel_loop3A_68 = arith.constant 5 : i32
      %parallel_loop3A_69 = arith.shrsi %parallel_loop3A_56, %parallel_loop3A_68 : i32
      %parallel_loop3A_70 = arith.constant 31 : i32
      %parallel_loop3A_71 = arith.andi %parallel_loop3A_56, %parallel_loop3A_70 : i32
      %parallel_loop3A_72 = arith.constant 16 : i32
      %parallel_loop3A_73 = arith.muli %parallel_loop3A_71, %parallel_loop3A_72 : i32
      %parallel_loop3A_74 = arith.index_cast %parallel_loop3A_69 : i32 to index
      %parallel_loop3A_75 = arith.index_cast %parallel_loop3A_73 : i32 to index
      %parallel_loop3A_76 = tpu.vector_load %arg11[%parallel_loop3A_74, %parallel_loop3A_75] {strides = array<i32>} : memref<32x512xf32, #tpu.memory_space<vmem>>, vector<16xf32>,
      %parallel_loop3A_77 = arith.constant 10 : i32
      %parallel_loop3A_78 = vector.broadcast %parallel_loop3A_77 : i32 to vector<16xi32>
      %parallel_loop3A_79 = arith.shrui %parallel_loop3A_67, %parallel_loop3A_78 : vector<16xi32>
      %parallel_loop3A_80 = arith.cmpi eq, %parallel_loop3A_79, %get3A_13 : vector<16xi32>
      %parallel_loop3A_81 = arith.constant 1023 : i32
      %parallel_loop3A_82 = vector.broadcast %parallel_loop3A_81 : i32 to vector<16xi32>
      %parallel_loop3A_83 = arith.andi %parallel_loop3A_67, %parallel_loop3A_82 : vector<16xi32>
      tpu.vector_store_idx %arg12[%iota3A, %parallel_loop3A_83], %broadcast_in_dim3A_12 masked %parallel_loop3A_80 {add = true} : memref<16x1027xi32, #tpu.memory_space<vmem>>[vector<16xi32>, vector<16xi32>], vector<16xi32>, vector<16xi1>
      tpu.vector_store_idx %arg13[%iota3A, %parallel_loop3A_83], %parallel_loop3A_76 masked %parallel_loop3A_80 {add = true} : memref<16x1027xf32, #tpu.memory_space<vmem>>[vector<16xi32>, vector<16xi32>], vector<16xf32>, vector<16xi1>
      %parallel_loop3A_84 = arith.cmpi slt, %parallel_loop3A_67, %shift_left3A_15 : vector<16xi32>
      %parallel_loop3A_85 = arith.constant 0.000000e+00 : f32
      %parallel_loop3A_86 = vector.broadcast %parallel_loop3A_85 : f32 to vector<16xf32>
      %parallel_loop3A_87 = arith.select %parallel_loop3A_84, %parallel_loop3A_76, %parallel_loop3A_86 : vector<16xi1>, vector<16xf32>
      %parallel_loop3A_88 = arith.addf %parallel_loop3A_57, %parallel_loop3A_87 : vector<16xf32>
      %parallel_loop3A_89 = arith.constant 1.000000e+00 : f32
      %parallel_loop3A_90 = arith.constant 0.000000e+00 : f32
      %parallel_loop3A_91 = vector.broadcast %parallel_loop3A_89 : f32 to vector<16xf32>
      %parallel_loop3A_92 = vector.broadcast %parallel_loop3A_90 : f32 to vector<16xf32>
      %parallel_loop3A_93 = arith.select %parallel_loop3A_84, %parallel_loop3A_91, %parallel_loop3A_92 : vector<16xi1>, vector<16xf32>
      %parallel_loop3A_94 = arith.addf %parallel_loop3A_58, %parallel_loop3A_93 : vector<16xf32>
      scf.yield %parallel_loop3A_88, %parallel_loop3A_94 : vector<16xf32>, vector<16xf32>
    } {sc.loop_unroll_factor = 4 : i64, sc.parallel_access}
    %scan3A_47 = arith.constant 0 : i32
    %scan3A_48 = arith.constant 0 : i32
    %scan3A_49 = arith.constant 64 : i32
    %scan3A_50 = arith.addi %scan3A_48, %scan3A_49 : i32
    %scan3A_51 = arith.constant 1 : i32
    scf.for %scan3A_56 = %scan3A_48 to %scan3A_50 step %scan3A_51  : i32 {
      %mul3A_57 = arith.constant 16 : i32
      %mul3A_58 = arith.muli %scan3A_56, %mul3A_57 : i32
      %get3A_59 = arith.constant 0 : i32
      %get3A_60 = arith.index_cast %get3A_59 : i32 to index
      %get3A_61 = arith.index_cast %mul3A_58 : i32 to index
      %get3A_62 = tpu.vector_load %arg12[%get3A_60, %get3A_61] {strides = array<i32>} : memref<16x1027xi32, #tpu.memory_space<vmem>>, vector<16xi32>,
      %mul3A_63 = arith.constant 16 : i32
      %mul3A_64 = arith.muli %scan3A_56, %mul3A_63 : i32
      %get3A_65 = arith.constant 0 : i32
      %get3A_66 = arith.index_cast %get3A_65 : i32 to index
      %get3A_67 = arith.index_cast %mul3A_64 : i32 to index
      %get3A_68 = tpu.vector_load %arg13[%get3A_66, %get3A_67] {strides = array<i32>} : memref<16x1027xf32, #tpu.memory_space<vmem>>, vector<16xf32>,
      %mul3A_69 = arith.constant 16 : i32
      %mul3A_70 = arith.muli %scan3A_56, %mul3A_69 : i32
      %get3A_71 = arith.constant 1 : i32
      %get3A_72 = arith.index_cast %get3A_71 : i32 to index
      %get3A_73 = arith.index_cast %mul3A_70 : i32 to index
      %get3A_74 = tpu.vector_load %arg12[%get3A_72, %get3A_73] {strides = array<i32>} : memref<16x1027xi32, #tpu.memory_space<vmem>>, vector<16xi32>,
      %add3A_75 = arith.addi %get3A_62, %get3A_74 : vector<16xi32>
      %mul3A_76 = arith.constant 16 : i32
      %mul3A_77 = arith.muli %scan3A_56, %mul3A_76 : i32
      %get3A_78 = arith.constant 1 : i32
      %get3A_79 = arith.index_cast %get3A_78 : i32 to index
      %get3A_80 = arith.index_cast %mul3A_77 : i32 to index
      %get3A_81 = tpu.vector_load %arg13[%get3A_79, %get3A_80] {strides = array<i32>} : memref<16x1027xf32, #tpu.memory_space<vmem>>, vector<16xf32>,
      %add3A_82 = arith.addf %get3A_68, %get3A_81 : vector<16xf32>
      %mul3A_83 = arith.constant 16 : i32
      %mul3A_84 = arith.muli %scan3A_56, %mul3A_83 : i32
      %get3A_85 = arith.constant 2 : i32
      %get3A_86 = arith.index_cast %get3A_85 : i32 to index
      %get3A_87 = arith.index_cast %mul3A_84 : i32 to index
      %get3A_88 = tpu.vector_load %arg12[%get3A_86, %get3A_87] {strides = array<i32>} : memref<16x1027xi32, #tpu.memory_space<vmem>>, vector<16xi32>,
      %add3A_89 = arith.addi %add3A_75, %get3A_88 : vector<16xi32>
      %mul3A_90 = arith.constant 16 : i32
      %mul3A_91 = arith.muli %scan3A_56, %mul3A_90 : i32
      %get3A_92 = arith.constant 2 : i32
      %get3A_93 = arith.index_cast %get3A_92 : i32 to index
      %get3A_94 = arith.index_cast %mul3A_91 : i32 to index
      %get3A_95 = tpu.vector_load %arg13[%get3A_93, %get3A_94] {strides = array<i32>} : memref<16x1027xf32, #tpu.memory_space<vmem>>, vector<16xf32>,
      %add3A_96 = arith.addf %add3A_82, %get3A_95 : vector<16xf32>
      %mul3A_97 = arith.constant 16 : i32
      %mul3A_98 = arith.muli %scan3A_56, %mul3A_97 : i32
      %get3A_99 = arith.constant 3 : i32
      %get3A_100 = arith.index_cast %get3A_99 : i32 to index
      %get3A_101 = arith.index_cast %mul3A_98 : i32 to index
      %get3A_102 = tpu.vector_load %arg12[%get3A_100, %get3A_101] {strides = array<i32>} : memref<16x1027xi32, #tpu.memory_space<vmem>>, vector<16xi32>,
      %add3A_103 = arith.addi %add3A_89, %get3A_102 : vector<16xi32>
      %mul3A_104 = arith.constant 16 : i32
      %mul3A_105 = arith.muli %scan3A_56, %mul3A_104 : i32
      %get3A_106 = arith.constant 3 : i32
      %get3A_107 = arith.index_cast %get3A_106 : i32 to index
      %get3A_108 = arith.index_cast %mul3A_105 : i32 to index
      %get3A_109 = tpu.vector_load %arg13[%get3A_107, %get3A_108] {strides = array<i32>} : memref<16x1027xf32, #tpu.memory_space<vmem>>, vector<16xf32>,
      %add3A_110 = arith.addf %add3A_96, %get3A_109 : vector<16xf32>
      %mul3A_111 = arith.constant 16 : i32
      %mul3A_112 = arith.muli %scan3A_56, %mul3A_111 : i32
      %get3A_113 = arith.constant 4 : i32
      %get3A_114 = arith.index_cast %get3A_113 : i32 to index
      %get3A_115 = arith.index_cast %mul3A_112 : i32 to index
      %get3A_116 = tpu.vector_load %arg12[%get3A_114, %get3A_115] {strides = array<i32>} : memref<16x1027xi32, #tpu.memory_space<vmem>>, vector<16xi32>,
      %add3A_117 = arith.addi %add3A_103, %get3A_116 : vector<16xi32>
      %mul3A_118 = arith.constant 16 : i32
      %mul3A_119 = arith.muli %scan3A_56, %mul3A_118 : i32
      %get3A_120 = arith.constant 4 : i32
      %get3A_121 = arith.index_cast %get3A_120 : i32 to index
      %get3A_122 = arith.index_cast %mul3A_119 : i32 to index
      %get3A_123 = tpu.vector_load %arg13[%get3A_121, %get3A_122] {strides = array<i32>} : memref<16x1027xf32, #tpu.memory_space<vmem>>, vector<16xf32>,
      %add3A_124 = arith.addf %add3A_110, %get3A_123 : vector<16xf32>
      %mul3A_125 = arith.constant 16 : i32
      %mul3A_126 = arith.muli %scan3A_56, %mul3A_125 : i32
      %get3A_127 = arith.constant 5 : i32
      %get3A_128 = arith.index_cast %get3A_127 : i32 to index
      %get3A_129 = arith.index_cast %mul3A_126 : i32 to index
      %get3A_130 = tpu.vector_load %arg12[%get3A_128, %get3A_129] {strides = array<i32>} : memref<16x1027xi32, #tpu.memory_space<vmem>>, vector<16xi32>,
      %add3A_131 = arith.addi %add3A_117, %get3A_130 : vector<16xi32>
      %mul3A_132 = arith.constant 16 : i32
      %mul3A_133 = arith.muli %scan3A_56, %mul3A_132 : i32
      %get3A_134 = arith.constant 5 : i32
      %get3A_135 = arith.index_cast %get3A_134 : i32 to index
      %get3A_136 = arith.index_cast %mul3A_133 : i32 to index
      %get3A_137 = tpu.vector_load %arg13[%get3A_135, %get3A_136] {strides = array<i32>} : memref<16x1027xf32, #tpu.memory_space<vmem>>, vector<16xf32>,
      %add3A_138 = arith.addf %add3A_124, %get3A_137 : vector<16xf32>
      %mul3A_139 = arith.constant 16 : i32
      %mul3A_140 = arith.muli %scan3A_56, %mul3A_139 : i32
      %get3A_141 = arith.constant 6 : i32
      %get3A_142 = arith.index_cast %get3A_141 : i32 to index
      %get3A_143 = arith.index_cast %mul3A_140 : i32 to index
      %get3A_144 = tpu.vector_load %arg12[%get3A_142, %get3A_143] {strides = array<i32>} : memref<16x1027xi32, #tpu.memory_space<vmem>>, vector<16xi32>,
      %add3A_145 = arith.addi %add3A_131, %get3A_144 : vector<16xi32>
      %mul3A_146 = arith.constant 16 : i32
      %mul3A_147 = arith.muli %scan3A_56, %mul3A_146 : i32
      %get3A_148 = arith.constant 6 : i32
      %get3A_149 = arith.index_cast %get3A_148 : i32 to index
      %get3A_150 = arith.index_cast %mul3A_147 : i32 to index
      %get3A_151 = tpu.vector_load %arg13[%get3A_149, %get3A_150] {strides = array<i32>} : memref<16x1027xf32, #tpu.memory_space<vmem>>, vector<16xf32>,
      %add3A_152 = arith.addf %add3A_138, %get3A_151 : vector<16xf32>
      %mul3A_153 = arith.constant 16 : i32
      %mul3A_154 = arith.muli %scan3A_56, %mul3A_153 : i32
      %get3A_155 = arith.constant 7 : i32
      %get3A_156 = arith.index_cast %get3A_155 : i32 to index
      %get3A_157 = arith.index_cast %mul3A_154 : i32 to index
      %get3A_158 = tpu.vector_load %arg12[%get3A_156, %get3A_157] {strides = array<i32>} : memref<16x1027xi32, #tpu.memory_space<vmem>>, vector<16xi32>,
      %add3A_159 = arith.addi %add3A_145, %get3A_158 : vector<16xi32>
      %mul3A_160 = arith.constant 16 : i32
      %mul3A_161 = arith.muli %scan3A_56, %mul3A_160 : i32
      %get3A_162 = arith.constant 7 : i32
      %get3A_163 = arith.index_cast %get3A_162 : i32 to index
      %get3A_164 = arith.index_cast %mul3A_161 : i32 to index
      %get3A_165 = tpu.vector_load %arg13[%get3A_163, %get3A_164] {strides = array<i32>} : memref<16x1027xf32, #tpu.memory_space<vmem>>, vector<16xf32>,
      %add3A_166 = arith.addf %add3A_152, %get3A_165 : vector<16xf32>
      %mul3A_167 = arith.constant 16 : i32
      %mul3A_168 = arith.muli %scan3A_56, %mul3A_167 : i32
      %get3A_169 = arith.constant 8 : i32
      %get3A_170 = arith.index_cast %get3A_169 : i32 to index
      %get3A_171 = arith.index_cast %mul3A_168 : i32 to index
      %get3A_172 = tpu.vector_load %arg12[%get3A_170, %get3A_171] {strides = array<i32>} : memref<16x1027xi32, #tpu.memory_space<vmem>>, vector<16xi32>,
      %add3A_173 = arith.addi %add3A_159, %get3A_172 : vector<16xi32>
      %mul3A_174 = arith.constant 16 : i32
      %mul3A_175 = arith.muli %scan3A_56, %mul3A_174 : i32
      %get3A_176 = arith.constant 8 : i32
      %get3A_177 = arith.index_cast %get3A_176 : i32 to index
      %get3A_178 = arith.index_cast %mul3A_175 : i32 to index
      %get3A_179 = tpu.vector_load %arg13[%get3A_177, %get3A_178] {strides = array<i32>} : memref<16x1027xf32, #tpu.memory_space<vmem>>, vector<16xf32>,
      %add3A_180 = arith.addf %add3A_166, %get3A_179 : vector<16xf32>
      %mul3A_181 = arith.constant 16 : i32
      %mul3A_182 = arith.muli %scan3A_56, %mul3A_181 : i32
      %get3A_183 = arith.constant 9 : i32
      %get3A_184 = arith.index_cast %get3A_183 : i32 to index
      %get3A_185 = arith.index_cast %mul3A_182 : i32 to index
      %get3A_186 = tpu.vector_load %arg12[%get3A_184, %get3A_185] {strides = array<i32>} : memref<16x1027xi32, #tpu.memory_space<vmem>>, vector<16xi32>,
      %add3A_187 = arith.addi %add3A_173, %get3A_186 : vector<16xi32>
      %mul3A_188 = arith.constant 16 : i32
      %mul3A_189 = arith.muli %scan3A_56, %mul3A_188 : i32
      %get3A_190 = arith.constant 9 : i32
      %get3A_191 = arith.index_cast %get3A_190 : i32 to index
      %get3A_192 = arith.index_cast %mul3A_189 : i32 to index
      %get3A_193 = tpu.vector_load %arg13[%get3A_191, %get3A_192] {strides = array<i32>} : memref<16x1027xf32, #tpu.memory_space<vmem>>, vector<16xf32>,
      %add3A_194 = arith.addf %add3A_180, %get3A_193 : vector<16xf32>
      %mul3A_195 = arith.constant 16 : i32
      %mul3A_196 = arith.muli %scan3A_56, %mul3A_195 : i32
      %get3A_197 = arith.constant 10 : i32
      %get3A_198 = arith.index_cast %get3A_197 : i32 to index
      %get3A_199 = arith.index_cast %mul3A_196 : i32 to index
      %get3A_200 = tpu.vector_load %arg12[%get3A_198, %get3A_199] {strides = array<i32>} : memref<16x1027xi32, #tpu.memory_space<vmem>>, vector<16xi32>,
      %add3A_201 = arith.addi %add3A_187, %get3A_200 : vector<16xi32>
      %mul3A_202 = arith.constant 16 : i32
      %mul3A_203 = arith.muli %scan3A_56, %mul3A_202 : i32
      %get3A_204 = arith.constant 10 : i32
      %get3A_205 = arith.index_cast %get3A_204 : i32 to index
      %get3A_206 = arith.index_cast %mul3A_203 : i32 to index
      %get3A_207 = tpu.vector_load %arg13[%get3A_205, %get3A_206] {strides = array<i32>} : memref<16x1027xf32, #tpu.memory_space<vmem>>, vector<16xf32>,
      %add3A_208 = arith.addf %add3A_194, %get3A_207 : vector<16xf32>
      %mul3A_209 = arith.constant 16 : i32
      %mul3A_210 = arith.muli %scan3A_56, %mul3A_209 : i32
      %get3A_211 = arith.constant 11 : i32
      %get3A_212 = arith.index_cast %get3A_211 : i32 to index
      %get3A_213 = arith.index_cast %mul3A_210 : i32 to index
      %get3A_214 = tpu.vector_load %arg12[%get3A_212, %get3A_213] {strides = array<i32>} : memref<16x1027xi32, #tpu.memory_space<vmem>>, vector<16xi32>,
      %add3A_215 = arith.addi %add3A_201, %get3A_214 : vector<16xi32>
      %mul3A_216 = arith.constant 16 : i32
      %mul3A_217 = arith.muli %scan3A_56, %mul3A_216 : i32
      %get3A_218 = arith.constant 11 : i32
      %get3A_219 = arith.index_cast %get3A_218 : i32 to index
      %get3A_220 = arith.index_cast %mul3A_217 : i32 to index
      %get3A_221 = tpu.vector_load %arg13[%get3A_219, %get3A_220] {strides = array<i32>} : memref<16x1027xf32, #tpu.memory_space<vmem>>, vector<16xf32>,
      %add3A_222 = arith.addf %add3A_208, %get3A_221 : vector<16xf32>
      %mul3A_223 = arith.constant 16 : i32
      %mul3A_224 = arith.muli %scan3A_56, %mul3A_223 : i32
      %get3A_225 = arith.constant 12 : i32
      %get3A_226 = arith.index_cast %get3A_225 : i32 to index
      %get3A_227 = arith.index_cast %mul3A_224 : i32 to index
      %get3A_228 = tpu.vector_load %arg12[%get3A_226, %get3A_227] {strides = array<i32>} : memref<16x1027xi32, #tpu.memory_space<vmem>>, vector<16xi32>,
      %add3A_229 = arith.addi %add3A_215, %get3A_228 : vector<16xi32>
      %mul3A_230 = arith.constant 16 : i32
      %mul3A_231 = arith.muli %scan3A_56, %mul3A_230 : i32
      %get3A_232 = arith.constant 12 : i32
      %get3A_233 = arith.index_cast %get3A_232 : i32 to index
      %get3A_234 = arith.index_cast %mul3A_231 : i32 to index
      %get3A_235 = tpu.vector_load %arg13[%get3A_233, %get3A_234] {strides = array<i32>} : memref<16x1027xf32, #tpu.memory_space<vmem>>, vector<16xf32>,
      %add3A_236 = arith.addf %add3A_222, %get3A_235 : vector<16xf32>
      %mul3A_237 = arith.constant 16 : i32
      %mul3A_238 = arith.muli %scan3A_56, %mul3A_237 : i32
      %get3A_239 = arith.constant 13 : i32
      %get3A_240 = arith.index_cast %get3A_239 : i32 to index
      %get3A_241 = arith.index_cast %mul3A_238 : i32 to index
      %get3A_242 = tpu.vector_load %arg12[%get3A_240, %get3A_241] {strides = array<i32>} : memref<16x1027xi32, #tpu.memory_space<vmem>>, vector<16xi32>,
      %add3A_243 = arith.addi %add3A_229, %get3A_242 : vector<16xi32>
      %mul3A_244 = arith.constant 16 : i32
      %mul3A_245 = arith.muli %scan3A_56, %mul3A_244 : i32
      %get3A_246 = arith.constant 13 : i32
      %get3A_247 = arith.index_cast %get3A_246 : i32 to index
      %get3A_248 = arith.index_cast %mul3A_245 : i32 to index
      %get3A_249 = tpu.vector_load %arg13[%get3A_247, %get3A_248] {strides = array<i32>} : memref<16x1027xf32, #tpu.memory_space<vmem>>, vector<16xf32>,
      %add3A_250 = arith.addf %add3A_236, %get3A_249 : vector<16xf32>
      %mul3A_251 = arith.constant 16 : i32
      %mul3A_252 = arith.muli %scan3A_56, %mul3A_251 : i32
      %get3A_253 = arith.constant 14 : i32
      %get3A_254 = arith.index_cast %get3A_253 : i32 to index
      %get3A_255 = arith.index_cast %mul3A_252 : i32 to index
      %get3A_256 = tpu.vector_load %arg12[%get3A_254, %get3A_255] {strides = array<i32>} : memref<16x1027xi32, #tpu.memory_space<vmem>>, vector<16xi32>,
      %add3A_257 = arith.addi %add3A_243, %get3A_256 : vector<16xi32>
      %mul3A_258 = arith.constant 16 : i32
      %mul3A_259 = arith.muli %scan3A_56, %mul3A_258 : i32
      %get3A_260 = arith.constant 14 : i32
      %get3A_261 = arith.index_cast %get3A_260 : i32 to index
      %get3A_262 = arith.index_cast %mul3A_259 : i32 to index
      %get3A_263 = tpu.vector_load %arg13[%get3A_261, %get3A_262] {strides = array<i32>} : memref<16x1027xf32, #tpu.memory_space<vmem>>, vector<16xf32>,
      %add3A_264 = arith.addf %add3A_250, %get3A_263 : vector<16xf32>
      %mul3A_265 = arith.constant 16 : i32
      %mul3A_266 = arith.muli %scan3A_56, %mul3A_265 : i32
      %get3A_267 = arith.constant 15 : i32
      %get3A_268 = arith.index_cast %get3A_267 : i32 to index
      %get3A_269 = arith.index_cast %mul3A_266 : i32 to index
      %get3A_270 = tpu.vector_load %arg12[%get3A_268, %get3A_269] {strides = array<i32>} : memref<16x1027xi32, #tpu.memory_space<vmem>>, vector<16xi32>,
      %add3A_271 = arith.addi %add3A_257, %get3A_270 : vector<16xi32>
      %mul3A_272 = arith.constant 16 : i32
      %mul3A_273 = arith.muli %scan3A_56, %mul3A_272 : i32
      %get3A_274 = arith.constant 15 : i32
      %get3A_275 = arith.index_cast %get3A_274 : i32 to index
      %get3A_276 = arith.index_cast %mul3A_273 : i32 to index
      %get3A_277 = tpu.vector_load %arg13[%get3A_275, %get3A_276] {strides = array<i32>} : memref<16x1027xf32, #tpu.memory_space<vmem>>, vector<16xf32>,
      %add3A_278 = arith.addf %add3A_264, %get3A_277 : vector<16xf32>
      %mul3A_279 = arith.constant 16 : i32
      %mul3A_280 = arith.muli %scan3A_56, %mul3A_279 : i32
      %swap3A_281 = arith.index_cast %mul3A_280 : i32 to index
      %swap3A_282 = tpu.vector_load %arg14[%swap3A_281] {strides = array<i32>} : memref<1024xi32, #tpu.memory_space<vmem>>, vector<16xi32>,
      tpu.vector_store %arg14[%swap3A_281], %add3A_271 {strides = array<i32>} : memref<1024xi32, #tpu.memory_space<vmem>>, vector<16xi32>,
      %mul3A_283 = arith.constant 16 : i32
      %mul3A_284 = arith.muli %scan3A_56, %mul3A_283 : i32
      %swap3A_285 = arith.index_cast %mul3A_284 : i32 to index
      %swap3A_286 = tpu.vector_load %arg15[%swap3A_285] {strides = array<i32>} : memref<1024xf32, #tpu.memory_space<vmem>>, vector<16xf32>,
      tpu.vector_store %arg15[%swap3A_285], %add3A_278 {strides = array<i32>} : memref<1024xf32, #tpu.memory_space<vmem>>, vector<16xf32>,
    }
    %scan3A_52 = arith.constant 64 : i32
    %swap3A = arith.constant 0 : index
    %swap3A_53 = tpu.vector_load %arg16[%swap3A] {strides = array<i32>} : memref<16xf32, #tpu.memory_space<vmem>>, vector<16xf32>,
    tpu.vector_store %arg16[%swap3A], %parallel_loop3A_46#0 {strides = array<i32>} : memref<16xf32, #tpu.memory_space<vmem>>, vector<16xf32>,
    %swap3A_54 = arith.constant 0 : index
    %swap3A_55 = tpu.vector_load %arg17[%swap3A_54] {strides = array<i32>} : memref<16xf32, #tpu.memory_space<vmem>>, vector<16xf32>,
    tpu.vector_store %arg17[%swap3A_54], %parallel_loop3A_46#1 {strides = array<i32>} : memref<16xf32, #tpu.memory_space<vmem>>, vector<16xf32>,
    "tpu.region"() ({
      %run_scoped3A = tpu.sem_alloc : memref<!tpu.dma_semaphore, #tpu.memory_space<semaphore_mem>>
      %dma_start3A = arith.constant 0 : i32
      %dma_start3A_56 = tpu.memref_slice %arg5[%add3A, %dma_start3A] : memref<32x1024xi32, #tpu.memory_space<hbm>> -> memref<1x1024xi32, #tpu.memory_space<hbm>>
      %dma_start3A_57 = tpu.memref_squeeze %dma_start3A_56 : memref<1x1024xi32, #tpu.memory_space<hbm>> -> memref<1024xi32, #tpu.memory_space<hbm>>
      %dma_start3A_58 = arith.constant 0 : i32
      %dma_start3A_59 = tpu.memref_slice %arg5[%add3A, %dma_start3A_58] : memref<32x1024xi32, #tpu.memory_space<hbm>> -> memref<1x1024xi32, #tpu.memory_space<hbm>>
      %dma_start3A_60 = tpu.memref_squeeze %dma_start3A_59 : memref<1x1024xi32, #tpu.memory_space<hbm>> -> memref<1024xi32, #tpu.memory_space<hbm>>
      tpu.enqueue_dma source(%arg14 : memref<1024xi32, #tpu.memory_space<vmem>>) target(%dma_start3A_60 : memref<1024xi32, #tpu.memory_space<hbm>>) target_semaphore(%run_scoped3A : memref<!tpu.dma_semaphore, #tpu.memory_space<semaphore_mem>>)
      %dma_wait3A = arith.constant 0 : i32
      %dma_wait3A_61 = tpu.memref_slice %arg5[%add3A, %dma_wait3A] : memref<32x1024xi32, #tpu.memory_space<hbm>> -> memref<1x1024xi32, #tpu.memory_space<hbm>>
      %dma_wait3A_62 = tpu.memref_squeeze %dma_wait3A_61 : memref<1x1024xi32, #tpu.memory_space<hbm>> -> memref<1024xi32, #tpu.memory_space<hbm>>
      %dma_wait3A_63 = arith.constant 0 : i32
      %dma_wait3A_64 = tpu.memref_slice %arg5[%add3A, %dma_wait3A_63] : memref<32x1024xi32, #tpu.memory_space<hbm>> -> memref<1x1024xi32, #tpu.memory_space<hbm>>
      %dma_wait3A_65 = tpu.memref_squeeze %dma_wait3A_64 : memref<1x1024xi32, #tpu.memory_space<hbm>> -> memref<1024xi32, #tpu.memory_space<hbm>>
      tpu.wait_dma2 semaphore(%run_scoped3A : memref<!tpu.dma_semaphore, #tpu.memory_space<semaphore_mem>>) src(%arg14 : memref<1024xi32, #tpu.memory_space<vmem>>) dst(%dma_wait3A_65 : memref<1024xi32, #tpu.memory_space<hbm>>)
      tpu.yield
    }) : () -> ()
    "tpu.region"() ({
      %run_scoped3A = tpu.sem_alloc : memref<!tpu.dma_semaphore, #tpu.memory_space<semaphore_mem>>
      %dma_start3A = arith.constant 0 : i32
      %dma_start3A_56 = tpu.memref_slice %arg6[%add3A, %dma_start3A] : memref<32x1024xf32, #tpu.memory_space<hbm>> -> memref<1x1024xf32, #tpu.memory_space<hbm>>
      %dma_start3A_57 = tpu.memref_squeeze %dma_start3A_56 : memref<1x1024xf32, #tpu.memory_space<hbm>> -> memref<1024xf32, #tpu.memory_space<hbm>>
      %dma_start3A_58 = arith.constant 0 : i32
      %dma_start3A_59 = tpu.memref_slice %arg6[%add3A, %dma_start3A_58] : memref<32x1024xf32, #tpu.memory_space<hbm>> -> memref<1x1024xf32, #tpu.memory_space<hbm>>
      %dma_start3A_60 = tpu.memref_squeeze %dma_start3A_59 : memref<1x1024xf32, #tpu.memory_space<hbm>> -> memref<1024xf32, #tpu.memory_space<hbm>>
      tpu.enqueue_dma source(%arg15 : memref<1024xf32, #tpu.memory_space<vmem>>) target(%dma_start3A_60 : memref<1024xf32, #tpu.memory_space<hbm>>) target_semaphore(%run_scoped3A : memref<!tpu.dma_semaphore, #tpu.memory_space<semaphore_mem>>)
      %dma_wait3A = arith.constant 0 : i32
      %dma_wait3A_61 = tpu.memref_slice %arg6[%add3A, %dma_wait3A] : memref<32x1024xf32, #tpu.memory_space<hbm>> -> memref<1x1024xf32, #tpu.memory_space<hbm>>
      %dma_wait3A_62 = tpu.memref_squeeze %dma_wait3A_61 : memref<1x1024xf32, #tpu.memory_space<hbm>> -> memref<1024xf32, #tpu.memory_space<hbm>>
      %dma_wait3A_63 = arith.constant 0 : i32
      %dma_wait3A_64 = tpu.memref_slice %arg6[%add3A, %dma_wait3A_63] : memref<32x1024xf32, #tpu.memory_space<hbm>> -> memref<1x1024xf32, #tpu.memory_space<hbm>>
      %dma_wait3A_65 = tpu.memref_squeeze %dma_wait3A_64 : memref<1x1024xf32, #tpu.memory_space<hbm>> -> memref<1024xf32, #tpu.memory_space<hbm>>
      tpu.wait_dma2 semaphore(%run_scoped3A : memref<!tpu.dma_semaphore, #tpu.memory_space<semaphore_mem>>) src(%arg15 : memref<1024xf32, #tpu.memory_space<vmem>>) dst(%dma_wait3A_65 : memref<1024xf32, #tpu.memory_space<hbm>>)
      tpu.yield
    }) : () -> ()
    "tpu.region"() ({
      %run_scoped3A = tpu.sem_alloc : memref<!tpu.dma_semaphore, #tpu.memory_space<semaphore_mem>>
      %dma_start3A = arith.constant 0 : i32
      %dma_start3A_56 = tpu.memref_slice %arg7[%add3A, %dma_start3A] : memref<32x16xf32, #tpu.memory_space<hbm>> -> memref<1x16xf32, #tpu.memory_space<hbm>>
      %dma_start3A_57 = tpu.memref_squeeze %dma_start3A_56 : memref<1x16xf32, #tpu.memory_space<hbm>> -> memref<16xf32, #tpu.memory_space<hbm>>
      %dma_start3A_58 = arith.constant 0 : i32
      %dma_start3A_59 = tpu.memref_slice %arg7[%add3A, %dma_start3A_58] : memref<32x16xf32, #tpu.memory_space<hbm>> -> memref<1x16xf32, #tpu.memory_space<hbm>>
      %dma_start3A_60 = tpu.memref_squeeze %dma_start3A_59 : memref<1x16xf32, #tpu.memory_space<hbm>> -> memref<16xf32, #tpu.memory_space<hbm>>
      tpu.enqueue_dma source(%arg16 : memref<16xf32, #tpu.memory_space<vmem>>) target(%dma_start3A_60 : memref<16xf32, #tpu.memory_space<hbm>>) target_semaphore(%run_scoped3A : memref<!tpu.dma_semaphore, #tpu.memory_space<semaphore_mem>>)
      %dma_wait3A = arith.constant 0 : i32
      %dma_wait3A_61 = tpu.memref_slice %arg7[%add3A, %dma_wait3A] : memref<32x16xf32, #tpu.memory_space<hbm>> -> memref<1x16xf32, #tpu.memory_space<hbm>>
      %dma_wait3A_62 = tpu.memref_squeeze %dma_wait3A_61 : memref<1x16xf32, #tpu.memory_space<hbm>> -> memref<16xf32, #tpu.memory_space<hbm>>
      %dma_wait3A_63 = arith.constant 0 : i32
      %dma_wait3A_64 = tpu.memref_slice %arg7[%add3A, %dma_wait3A_63] : memref<32x16xf32, #tpu.memory_space<hbm>> -> memref<1x16xf32, #tpu.memory_space<hbm>>
      %dma_wait3A_65 = tpu.memref_squeeze %dma_wait3A_64 : memref<1x16xf32, #tpu.memory_space<hbm>> -> memref<16xf32, #tpu.memory_space<hbm>>
      tpu.wait_dma2 semaphore(%run_scoped3A : memref<!tpu.dma_semaphore, #tpu.memory_space<semaphore_mem>>) src(%arg16 : memref<16xf32, #tpu.memory_space<vmem>>) dst(%dma_wait3A_65 : memref<16xf32, #tpu.memory_space<hbm>>)
      tpu.yield
    }) : () -> ()
    "tpu.region"() ({
      %run_scoped3A = tpu.sem_alloc : memref<!tpu.dma_semaphore, #tpu.memory_space<semaphore_mem>>
      %dma_start3A = arith.constant 0 : i32
      %dma_start3A_56 = tpu.memref_slice %arg8[%add3A, %dma_start3A] : memref<32x16xf32, #tpu.memory_space<hbm>> -> memref<1x16xf32, #tpu.memory_space<hbm>>
      %dma_start3A_57 = tpu.memref_squeeze %dma_start3A_56 : memref<1x16xf32, #tpu.memory_space<hbm>> -> memref<16xf32, #tpu.memory_space<hbm>>
      %dma_start3A_58 = arith.constant 0 : i32
      %dma_start3A_59 = tpu.memref_slice %arg8[%add3A, %dma_start3A_58] : memref<32x16xf32, #tpu.memory_space<hbm>> -> memref<1x16xf32, #tpu.memory_space<hbm>>
      %dma_start3A_60 = tpu.memref_squeeze %dma_start3A_59 : memref<1x16xf32, #tpu.memory_space<hbm>> -> memref<16xf32, #tpu.memory_space<hbm>>
      tpu.enqueue_dma source(%arg17 : memref<16xf32, #tpu.memory_space<vmem>>) target(%dma_start3A_60 : memref<16xf32, #tpu.memory_space<hbm>>) target_semaphore(%run_scoped3A : memref<!tpu.dma_semaphore, #tpu.memory_space<semaphore_mem>>)
      %dma_wait3A = arith.constant 0 : i32
      %dma_wait3A_61 = tpu.memref_slice %arg8[%add3A, %dma_wait3A] : memref<32x16xf32, #tpu.memory_space<hbm>> -> memref<1x16xf32, #tpu.memory_space<hbm>>
      %dma_wait3A_62 = tpu.memref_squeeze %dma_wait3A_61 : memref<1x16xf32, #tpu.memory_space<hbm>> -> memref<16xf32, #tpu.memory_space<hbm>>
      %dma_wait3A_63 = arith.constant 0 : i32
      %dma_wait3A_64 = tpu.memref_slice %arg8[%add3A, %dma_wait3A_63] : memref<32x16xf32, #tpu.memory_space<hbm>> -> memref<1x16xf32, #tpu.memory_space<hbm>>
      %dma_wait3A_65 = tpu.memref_squeeze %dma_wait3A_64 : memref<1x16xf32, #tpu.memory_space<hbm>> -> memref<16xf32, #tpu.memory_space<hbm>>
      tpu.wait_dma2 semaphore(%run_scoped3A : memref<!tpu.dma_semaphore, #tpu.memory_space<semaphore_mem>>) src(%arg17 : memref<16xf32, #tpu.memory_space<vmem>>) dst(%dma_wait3A_65 : memref<16xf32, #tpu.memory_space<hbm>>)
      tpu.yield
    }) : () -> ()
    return
  }
}

module attributes {stable_mosaic.version = 14 : i64} {
  func.func @_stage1_body(%arg0: i32, %arg1: i32, %arg2: memref<1x19x256x512xf32, #tpu.memory_space<vmem>>, %arg3: memref<1x256x512xi32, #tpu.memory_space<vmem>>, %arg4: memref<256x512xi32, #tpu.memory_space<vmem>>, %arg5: memref<256x512xf32, #tpu.memory_space<vmem>>, %arg6: memref<1x1x512xf32, #tpu.memory_space<vmem>>, %arg7: memref<1x1x512xf32, #tpu.memory_space<vmem>>) attributes {dimension_semantics = [#tpu.dimension_semantics<arbitrary>, #tpu.dimension_semantics<arbitrary>], iteration_bounds = array<i64: 8, 2>, scalar_prefetch = 0 : i64, scratch_operands = 0 : i64, tpu.core_type = #tpu.core_type<tc>, window_params = [{transform_indices = @transform_0, window_bounds = array<i64: 1, 19, 256, 512>}, {transform_indices = @transform_1, window_bounds = array<i64: 1, 256, 512>}, {transform_indices = @transform_2, window_bounds = array<i64: 256, 512>}, {transform_indices = @transform_3, window_bounds = array<i64: 256, 512>}, {transform_indices = @transform_4, window_bounds = array<i64: 1, 1, 512>}, {transform_indices = @transform_5, window_bounds = array<i64: 1, 1, 512>}]} {
    %get3A = arith.constant 0 : index
    %get3A_0 = arith.constant 0 : index
    %get3A_1 = arith.constant 0 : index
    %get3A_2 = vector.load %arg3[%get3A, %get3A_0, %get3A_1] : memref<1x256x512xi32, #tpu.memory_space<vmem>>, vector<1x256x512xi32>
    %get3A_3 = vector.shape_cast %get3A_2 : vector<1x256x512xi32> to vector<256x512xi32>
    %broadcast_in_dim3A = arith.constant 0.000000e+00 : f32
    %broadcast_in_dim3A_4 = vector.broadcast %broadcast_in_dim3A : f32 to vector<256x512xf32>
    %broadcast_in_dim3A_5 = arith.constant 0.000000e+00 : f32
    %broadcast_in_dim3A_6 = vector.broadcast %broadcast_in_dim3A_5 : f32 to vector<256x512xf32>
    %broadcast_in_dim3A_7 = arith.constant 0.000000e+00 : f32
    %broadcast_in_dim3A_8 = vector.broadcast %broadcast_in_dim3A_7 : f32 to vector<256x512xf32>
    %get3A_9 = arith.constant 0 : index
    %get3A_10 = arith.constant 0 : index
    %get3A_11 = arith.constant 0 : index
    %get3A_12 = arith.constant 0 : index
    %get3A_13 = vector.load %arg2[%get3A_9, %get3A_10, %get3A_11, %get3A_12] : memref<1x19x256x512xf32, #tpu.memory_space<vmem>>, vector<1x1x256x512xf32>
    %get3A_14 = vector.shape_cast %get3A_13 : vector<1x1x256x512xf32> to vector<256x512xf32>
    %exp3A = math.exp %get3A_14 : vector<256x512xf32>
    %add3A = arith.addf %broadcast_in_dim3A_4, %exp3A : vector<256x512xf32>
    %eq3A = arith.constant 0 : i32
    %eq3A_15 = vector.broadcast %eq3A : i32 to vector<256x512xi32>
    %eq3A_16 = arith.cmpi eq, %get3A_3, %eq3A_15 : vector<256x512xi32>
    %select_n3A = arith.select %eq3A_16, %exp3A, %broadcast_in_dim3A_6 : vector<256x512xi1>, vector<256x512xf32>
    %select_n3A_17 = arith.select %eq3A_16, %get3A_14, %broadcast_in_dim3A_8 : vector<256x512xi1>, vector<256x512xf32>
    %get3A_18 = arith.constant 0 : index
    %get3A_19 = arith.constant 1 : index
    %get3A_20 = arith.constant 0 : index
    %get3A_21 = arith.constant 0 : index
    %get3A_22 = vector.load %arg2[%get3A_18, %get3A_19, %get3A_20, %get3A_21] : memref<1x19x256x512xf32, #tpu.memory_space<vmem>>, vector<1x1x256x512xf32>
    %get3A_23 = vector.shape_cast %get3A_22 : vector<1x1x256x512xf32> to vector<256x512xf32>
    %exp3A_24 = math.exp %get3A_23 : vector<256x512xf32>
    %add3A_25 = arith.addf %add3A, %exp3A_24 : vector<256x512xf32>
    %eq3A_26 = arith.constant 1 : i32
    %eq3A_27 = vector.broadcast %eq3A_26 : i32 to vector<256x512xi32>
    %eq3A_28 = arith.cmpi eq, %get3A_3, %eq3A_27 : vector<256x512xi32>
    %select_n3A_29 = arith.select %eq3A_28, %exp3A_24, %select_n3A : vector<256x512xi1>, vector<256x512xf32>
    %select_n3A_30 = arith.select %eq3A_28, %get3A_23, %select_n3A_17 : vector<256x512xi1>, vector<256x512xf32>
    %get3A_31 = arith.constant 0 : index
    %get3A_32 = arith.constant 2 : index
    %get3A_33 = arith.constant 0 : index
    %get3A_34 = arith.constant 0 : index
    %get3A_35 = vector.load %arg2[%get3A_31, %get3A_32, %get3A_33, %get3A_34] : memref<1x19x256x512xf32, #tpu.memory_space<vmem>>, vector<1x1x256x512xf32>
    %get3A_36 = vector.shape_cast %get3A_35 : vector<1x1x256x512xf32> to vector<256x512xf32>
    %exp3A_37 = math.exp %get3A_36 : vector<256x512xf32>
    %add3A_38 = arith.addf %add3A_25, %exp3A_37 : vector<256x512xf32>
    %eq3A_39 = arith.constant 2 : i32
    %eq3A_40 = vector.broadcast %eq3A_39 : i32 to vector<256x512xi32>
    %eq3A_41 = arith.cmpi eq, %get3A_3, %eq3A_40 : vector<256x512xi32>
    %select_n3A_42 = arith.select %eq3A_41, %exp3A_37, %select_n3A_29 : vector<256x512xi1>, vector<256x512xf32>
    %select_n3A_43 = arith.select %eq3A_41, %get3A_36, %select_n3A_30 : vector<256x512xi1>, vector<256x512xf32>
    %get3A_44 = arith.constant 0 : index
    %get3A_45 = arith.constant 3 : index
    %get3A_46 = arith.constant 0 : index
    %get3A_47 = arith.constant 0 : index
    %get3A_48 = vector.load %arg2[%get3A_44, %get3A_45, %get3A_46, %get3A_47] : memref<1x19x256x512xf32, #tpu.memory_space<vmem>>, vector<1x1x256x512xf32>
    %get3A_49 = vector.shape_cast %get3A_48 : vector<1x1x256x512xf32> to vector<256x512xf32>
    %exp3A_50 = math.exp %get3A_49 : vector<256x512xf32>
    %add3A_51 = arith.addf %add3A_38, %exp3A_50 : vector<256x512xf32>
    %eq3A_52 = arith.constant 3 : i32
    %eq3A_53 = vector.broadcast %eq3A_52 : i32 to vector<256x512xi32>
    %eq3A_54 = arith.cmpi eq, %get3A_3, %eq3A_53 : vector<256x512xi32>
    %select_n3A_55 = arith.select %eq3A_54, %exp3A_50, %select_n3A_42 : vector<256x512xi1>, vector<256x512xf32>
    %select_n3A_56 = arith.select %eq3A_54, %get3A_49, %select_n3A_43 : vector<256x512xi1>, vector<256x512xf32>
    %get3A_57 = arith.constant 0 : index
    %get3A_58 = arith.constant 4 : index
    %get3A_59 = arith.constant 0 : index
    %get3A_60 = arith.constant 0 : index
    %get3A_61 = vector.load %arg2[%get3A_57, %get3A_58, %get3A_59, %get3A_60] : memref<1x19x256x512xf32, #tpu.memory_space<vmem>>, vector<1x1x256x512xf32>
    %get3A_62 = vector.shape_cast %get3A_61 : vector<1x1x256x512xf32> to vector<256x512xf32>
    %exp3A_63 = math.exp %get3A_62 : vector<256x512xf32>
    %add3A_64 = arith.addf %add3A_51, %exp3A_63 : vector<256x512xf32>
    %eq3A_65 = arith.constant 4 : i32
    %eq3A_66 = vector.broadcast %eq3A_65 : i32 to vector<256x512xi32>
    %eq3A_67 = arith.cmpi eq, %get3A_3, %eq3A_66 : vector<256x512xi32>
    %select_n3A_68 = arith.select %eq3A_67, %exp3A_63, %select_n3A_55 : vector<256x512xi1>, vector<256x512xf32>
    %select_n3A_69 = arith.select %eq3A_67, %get3A_62, %select_n3A_56 : vector<256x512xi1>, vector<256x512xf32>
    %get3A_70 = arith.constant 0 : index
    %get3A_71 = arith.constant 5 : index
    %get3A_72 = arith.constant 0 : index
    %get3A_73 = arith.constant 0 : index
    %get3A_74 = vector.load %arg2[%get3A_70, %get3A_71, %get3A_72, %get3A_73] : memref<1x19x256x512xf32, #tpu.memory_space<vmem>>, vector<1x1x256x512xf32>
    %get3A_75 = vector.shape_cast %get3A_74 : vector<1x1x256x512xf32> to vector<256x512xf32>
    %exp3A_76 = math.exp %get3A_75 : vector<256x512xf32>
    %add3A_77 = arith.addf %add3A_64, %exp3A_76 : vector<256x512xf32>
    %eq3A_78 = arith.constant 5 : i32
    %eq3A_79 = vector.broadcast %eq3A_78 : i32 to vector<256x512xi32>
    %eq3A_80 = arith.cmpi eq, %get3A_3, %eq3A_79 : vector<256x512xi32>
    %select_n3A_81 = arith.select %eq3A_80, %exp3A_76, %select_n3A_68 : vector<256x512xi1>, vector<256x512xf32>
    %select_n3A_82 = arith.select %eq3A_80, %get3A_75, %select_n3A_69 : vector<256x512xi1>, vector<256x512xf32>
    %get3A_83 = arith.constant 0 : index
    %get3A_84 = arith.constant 6 : index
    %get3A_85 = arith.constant 0 : index
    %get3A_86 = arith.constant 0 : index
    %get3A_87 = vector.load %arg2[%get3A_83, %get3A_84, %get3A_85, %get3A_86] : memref<1x19x256x512xf32, #tpu.memory_space<vmem>>, vector<1x1x256x512xf32>
    %get3A_88 = vector.shape_cast %get3A_87 : vector<1x1x256x512xf32> to vector<256x512xf32>
    %exp3A_89 = math.exp %get3A_88 : vector<256x512xf32>
    %add3A_90 = arith.addf %add3A_77, %exp3A_89 : vector<256x512xf32>
    %eq3A_91 = arith.constant 6 : i32
    %eq3A_92 = vector.broadcast %eq3A_91 : i32 to vector<256x512xi32>
    %eq3A_93 = arith.cmpi eq, %get3A_3, %eq3A_92 : vector<256x512xi32>
    %select_n3A_94 = arith.select %eq3A_93, %exp3A_89, %select_n3A_81 : vector<256x512xi1>, vector<256x512xf32>
    %select_n3A_95 = arith.select %eq3A_93, %get3A_88, %select_n3A_82 : vector<256x512xi1>, vector<256x512xf32>
    %get3A_96 = arith.constant 0 : index
    %get3A_97 = arith.constant 7 : index
    %get3A_98 = arith.constant 0 : index
    %get3A_99 = arith.constant 0 : index
    %get3A_100 = vector.load %arg2[%get3A_96, %get3A_97, %get3A_98, %get3A_99] : memref<1x19x256x512xf32, #tpu.memory_space<vmem>>, vector<1x1x256x512xf32>
    %get3A_101 = vector.shape_cast %get3A_100 : vector<1x1x256x512xf32> to vector<256x512xf32>
    %exp3A_102 = math.exp %get3A_101 : vector<256x512xf32>
    %add3A_103 = arith.addf %add3A_90, %exp3A_102 : vector<256x512xf32>
    %eq3A_104 = arith.constant 7 : i32
    %eq3A_105 = vector.broadcast %eq3A_104 : i32 to vector<256x512xi32>
    %eq3A_106 = arith.cmpi eq, %get3A_3, %eq3A_105 : vector<256x512xi32>
    %select_n3A_107 = arith.select %eq3A_106, %exp3A_102, %select_n3A_94 : vector<256x512xi1>, vector<256x512xf32>
    %select_n3A_108 = arith.select %eq3A_106, %get3A_101, %select_n3A_95 : vector<256x512xi1>, vector<256x512xf32>
    %get3A_109 = arith.constant 0 : index
    %get3A_110 = arith.constant 8 : index
    %get3A_111 = arith.constant 0 : index
    %get3A_112 = arith.constant 0 : index
    %get3A_113 = vector.load %arg2[%get3A_109, %get3A_110, %get3A_111, %get3A_112] : memref<1x19x256x512xf32, #tpu.memory_space<vmem>>, vector<1x1x256x512xf32>
    %get3A_114 = vector.shape_cast %get3A_113 : vector<1x1x256x512xf32> to vector<256x512xf32>
    %exp3A_115 = math.exp %get3A_114 : vector<256x512xf32>
    %add3A_116 = arith.addf %add3A_103, %exp3A_115 : vector<256x512xf32>
    %eq3A_117 = arith.constant 8 : i32
    %eq3A_118 = vector.broadcast %eq3A_117 : i32 to vector<256x512xi32>
    %eq3A_119 = arith.cmpi eq, %get3A_3, %eq3A_118 : vector<256x512xi32>
    %select_n3A_120 = arith.select %eq3A_119, %exp3A_115, %select_n3A_107 : vector<256x512xi1>, vector<256x512xf32>
    %select_n3A_121 = arith.select %eq3A_119, %get3A_114, %select_n3A_108 : vector<256x512xi1>, vector<256x512xf32>
    %get3A_122 = arith.constant 0 : index
    %get3A_123 = arith.constant 9 : index
    %get3A_124 = arith.constant 0 : index
    %get3A_125 = arith.constant 0 : index
    %get3A_126 = vector.load %arg2[%get3A_122, %get3A_123, %get3A_124, %get3A_125] : memref<1x19x256x512xf32, #tpu.memory_space<vmem>>, vector<1x1x256x512xf32>
    %get3A_127 = vector.shape_cast %get3A_126 : vector<1x1x256x512xf32> to vector<256x512xf32>
    %exp3A_128 = math.exp %get3A_127 : vector<256x512xf32>
    %add3A_129 = arith.addf %add3A_116, %exp3A_128 : vector<256x512xf32>
    %eq3A_130 = arith.constant 9 : i32
    %eq3A_131 = vector.broadcast %eq3A_130 : i32 to vector<256x512xi32>
    %eq3A_132 = arith.cmpi eq, %get3A_3, %eq3A_131 : vector<256x512xi32>
    %select_n3A_133 = arith.select %eq3A_132, %exp3A_128, %select_n3A_120 : vector<256x512xi1>, vector<256x512xf32>
    %select_n3A_134 = arith.select %eq3A_132, %get3A_127, %select_n3A_121 : vector<256x512xi1>, vector<256x512xf32>
    %get3A_135 = arith.constant 0 : index
    %get3A_136 = arith.constant 10 : index
    %get3A_137 = arith.constant 0 : index
    %get3A_138 = arith.constant 0 : index
    %get3A_139 = vector.load %arg2[%get3A_135, %get3A_136, %get3A_137, %get3A_138] : memref<1x19x256x512xf32, #tpu.memory_space<vmem>>, vector<1x1x256x512xf32>
    %get3A_140 = vector.shape_cast %get3A_139 : vector<1x1x256x512xf32> to vector<256x512xf32>
    %exp3A_141 = math.exp %get3A_140 : vector<256x512xf32>
    %add3A_142 = arith.addf %add3A_129, %exp3A_141 : vector<256x512xf32>
    %eq3A_143 = arith.constant 10 : i32
    %eq3A_144 = vector.broadcast %eq3A_143 : i32 to vector<256x512xi32>
    %eq3A_145 = arith.cmpi eq, %get3A_3, %eq3A_144 : vector<256x512xi32>
    %select_n3A_146 = arith.select %eq3A_145, %exp3A_141, %select_n3A_133 : vector<256x512xi1>, vector<256x512xf32>
    %select_n3A_147 = arith.select %eq3A_145, %get3A_140, %select_n3A_134 : vector<256x512xi1>, vector<256x512xf32>
    %get3A_148 = arith.constant 0 : index
    %get3A_149 = arith.constant 11 : index
    %get3A_150 = arith.constant 0 : index
    %get3A_151 = arith.constant 0 : index
    %get3A_152 = vector.load %arg2[%get3A_148, %get3A_149, %get3A_150, %get3A_151] : memref<1x19x256x512xf32, #tpu.memory_space<vmem>>, vector<1x1x256x512xf32>
    %get3A_153 = vector.shape_cast %get3A_152 : vector<1x1x256x512xf32> to vector<256x512xf32>
    %exp3A_154 = math.exp %get3A_153 : vector<256x512xf32>
    %add3A_155 = arith.addf %add3A_142, %exp3A_154 : vector<256x512xf32>
    %eq3A_156 = arith.constant 11 : i32
    %eq3A_157 = vector.broadcast %eq3A_156 : i32 to vector<256x512xi32>
    %eq3A_158 = arith.cmpi eq, %get3A_3, %eq3A_157 : vector<256x512xi32>
    %select_n3A_159 = arith.select %eq3A_158, %exp3A_154, %select_n3A_146 : vector<256x512xi1>, vector<256x512xf32>
    %select_n3A_160 = arith.select %eq3A_158, %get3A_153, %select_n3A_147 : vector<256x512xi1>, vector<256x512xf32>
    %get3A_161 = arith.constant 0 : index
    %get3A_162 = arith.constant 12 : index
    %get3A_163 = arith.constant 0 : index
    %get3A_164 = arith.constant 0 : index
    %get3A_165 = vector.load %arg2[%get3A_161, %get3A_162, %get3A_163, %get3A_164] : memref<1x19x256x512xf32, #tpu.memory_space<vmem>>, vector<1x1x256x512xf32>
    %get3A_166 = vector.shape_cast %get3A_165 : vector<1x1x256x512xf32> to vector<256x512xf32>
    %exp3A_167 = math.exp %get3A_166 : vector<256x512xf32>
    %add3A_168 = arith.addf %add3A_155, %exp3A_167 : vector<256x512xf32>
    %eq3A_169 = arith.constant 12 : i32
    %eq3A_170 = vector.broadcast %eq3A_169 : i32 to vector<256x512xi32>
    %eq3A_171 = arith.cmpi eq, %get3A_3, %eq3A_170 : vector<256x512xi32>
    %select_n3A_172 = arith.select %eq3A_171, %exp3A_167, %select_n3A_159 : vector<256x512xi1>, vector<256x512xf32>
    %select_n3A_173 = arith.select %eq3A_171, %get3A_166, %select_n3A_160 : vector<256x512xi1>, vector<256x512xf32>
    %get3A_174 = arith.constant 0 : index
    %get3A_175 = arith.constant 13 : index
    %get3A_176 = arith.constant 0 : index
    %get3A_177 = arith.constant 0 : index
    %get3A_178 = vector.load %arg2[%get3A_174, %get3A_175, %get3A_176, %get3A_177] : memref<1x19x256x512xf32, #tpu.memory_space<vmem>>, vector<1x1x256x512xf32>
    %get3A_179 = vector.shape_cast %get3A_178 : vector<1x1x256x512xf32> to vector<256x512xf32>
    %exp3A_180 = math.exp %get3A_179 : vector<256x512xf32>
    %add3A_181 = arith.addf %add3A_168, %exp3A_180 : vector<256x512xf32>
    %eq3A_182 = arith.constant 13 : i32
    %eq3A_183 = vector.broadcast %eq3A_182 : i32 to vector<256x512xi32>
    %eq3A_184 = arith.cmpi eq, %get3A_3, %eq3A_183 : vector<256x512xi32>
    %select_n3A_185 = arith.select %eq3A_184, %exp3A_180, %select_n3A_172 : vector<256x512xi1>, vector<256x512xf32>
    %select_n3A_186 = arith.select %eq3A_184, %get3A_179, %select_n3A_173 : vector<256x512xi1>, vector<256x512xf32>
    %get3A_187 = arith.constant 0 : index
    %get3A_188 = arith.constant 14 : index
    %get3A_189 = arith.constant 0 : index
    %get3A_190 = arith.constant 0 : index
    %get3A_191 = vector.load %arg2[%get3A_187, %get3A_188, %get3A_189, %get3A_190] : memref<1x19x256x512xf32, #tpu.memory_space<vmem>>, vector<1x1x256x512xf32>
    %get3A_192 = vector.shape_cast %get3A_191 : vector<1x1x256x512xf32> to vector<256x512xf32>
    %exp3A_193 = math.exp %get3A_192 : vector<256x512xf32>
    %add3A_194 = arith.addf %add3A_181, %exp3A_193 : vector<256x512xf32>
    %eq3A_195 = arith.constant 14 : i32
    %eq3A_196 = vector.broadcast %eq3A_195 : i32 to vector<256x512xi32>
    %eq3A_197 = arith.cmpi eq, %get3A_3, %eq3A_196 : vector<256x512xi32>
    %select_n3A_198 = arith.select %eq3A_197, %exp3A_193, %select_n3A_185 : vector<256x512xi1>, vector<256x512xf32>
    %select_n3A_199 = arith.select %eq3A_197, %get3A_192, %select_n3A_186 : vector<256x512xi1>, vector<256x512xf32>
    %get3A_200 = arith.constant 0 : index
    %get3A_201 = arith.constant 15 : index
    %get3A_202 = arith.constant 0 : index
    %get3A_203 = arith.constant 0 : index
    %get3A_204 = vector.load %arg2[%get3A_200, %get3A_201, %get3A_202, %get3A_203] : memref<1x19x256x512xf32, #tpu.memory_space<vmem>>, vector<1x1x256x512xf32>
    %get3A_205 = vector.shape_cast %get3A_204 : vector<1x1x256x512xf32> to vector<256x512xf32>
    %exp3A_206 = math.exp %get3A_205 : vector<256x512xf32>
    %add3A_207 = arith.addf %add3A_194, %exp3A_206 : vector<256x512xf32>
    %eq3A_208 = arith.constant 15 : i32
    %eq3A_209 = vector.broadcast %eq3A_208 : i32 to vector<256x512xi32>
    %eq3A_210 = arith.cmpi eq, %get3A_3, %eq3A_209 : vector<256x512xi32>
    %select_n3A_211 = arith.select %eq3A_210, %exp3A_206, %select_n3A_198 : vector<256x512xi1>, vector<256x512xf32>
    %select_n3A_212 = arith.select %eq3A_210, %get3A_205, %select_n3A_199 : vector<256x512xi1>, vector<256x512xf32>
    %get3A_213 = arith.constant 0 : index
    %get3A_214 = arith.constant 16 : index
    %get3A_215 = arith.constant 0 : index
    %get3A_216 = arith.constant 0 : index
    %get3A_217 = vector.load %arg2[%get3A_213, %get3A_214, %get3A_215, %get3A_216] : memref<1x19x256x512xf32, #tpu.memory_space<vmem>>, vector<1x1x256x512xf32>
    %get3A_218 = vector.shape_cast %get3A_217 : vector<1x1x256x512xf32> to vector<256x512xf32>
    %exp3A_219 = math.exp %get3A_218 : vector<256x512xf32>
    %add3A_220 = arith.addf %add3A_207, %exp3A_219 : vector<256x512xf32>
    %eq3A_221 = arith.constant 16 : i32
    %eq3A_222 = vector.broadcast %eq3A_221 : i32 to vector<256x512xi32>
    %eq3A_223 = arith.cmpi eq, %get3A_3, %eq3A_222 : vector<256x512xi32>
    %select_n3A_224 = arith.select %eq3A_223, %exp3A_219, %select_n3A_211 : vector<256x512xi1>, vector<256x512xf32>
    %select_n3A_225 = arith.select %eq3A_223, %get3A_218, %select_n3A_212 : vector<256x512xi1>, vector<256x512xf32>
    %get3A_226 = arith.constant 0 : index
    %get3A_227 = arith.constant 17 : index
    %get3A_228 = arith.constant 0 : index
    %get3A_229 = arith.constant 0 : index
    %get3A_230 = vector.load %arg2[%get3A_226, %get3A_227, %get3A_228, %get3A_229] : memref<1x19x256x512xf32, #tpu.memory_space<vmem>>, vector<1x1x256x512xf32>
    %get3A_231 = vector.shape_cast %get3A_230 : vector<1x1x256x512xf32> to vector<256x512xf32>
    %exp3A_232 = math.exp %get3A_231 : vector<256x512xf32>
    %add3A_233 = arith.addf %add3A_220, %exp3A_232 : vector<256x512xf32>
    %eq3A_234 = arith.constant 17 : i32
    %eq3A_235 = vector.broadcast %eq3A_234 : i32 to vector<256x512xi32>
    %eq3A_236 = arith.cmpi eq, %get3A_3, %eq3A_235 : vector<256x512xi32>
    %select_n3A_237 = arith.select %eq3A_236, %exp3A_232, %select_n3A_224 : vector<256x512xi1>, vector<256x512xf32>
    %select_n3A_238 = arith.select %eq3A_236, %get3A_231, %select_n3A_225 : vector<256x512xi1>, vector<256x512xf32>
    %get3A_239 = arith.constant 0 : index
    %get3A_240 = arith.constant 18 : index
    %get3A_241 = arith.constant 0 : index
    %get3A_242 = arith.constant 0 : index
    %get3A_243 = vector.load %arg2[%get3A_239, %get3A_240, %get3A_241, %get3A_242] : memref<1x19x256x512xf32, #tpu.memory_space<vmem>>, vector<1x1x256x512xf32>
    %get3A_244 = vector.shape_cast %get3A_243 : vector<1x1x256x512xf32> to vector<256x512xf32>
    %exp3A_245 = math.exp %get3A_244 : vector<256x512xf32>
    %add3A_246 = arith.addf %add3A_233, %exp3A_245 : vector<256x512xf32>
    %eq3A_247 = arith.constant 18 : i32
    %eq3A_248 = vector.broadcast %eq3A_247 : i32 to vector<256x512xi32>
    %eq3A_249 = arith.cmpi eq, %get3A_3, %eq3A_248 : vector<256x512xi32>
    %select_n3A_250 = arith.select %eq3A_249, %exp3A_245, %select_n3A_237 : vector<256x512xi1>, vector<256x512xf32>
    %select_n3A_251 = arith.select %eq3A_249, %get3A_244, %select_n3A_238 : vector<256x512xi1>, vector<256x512xf32>
    %div3A = arith.divf %select_n3A_250, %add3A_246 : vector<256x512xf32>
    %log3A = math.log %add3A_246 : vector<256x512xf32>
    %sub3A = arith.subf %log3A, %select_n3A_251 : vector<256x512xf32>
    %bitcast_convert_type3A = tpu.bitcast %div3A : vector<256x512xf32> -> vector<256x512xi32>
    %swap3A = arith.constant 0 : index
    %swap3A_252 = arith.constant 0 : index
    %swap3A_253 = vector.load %arg4[%swap3A, %swap3A_252] : memref<256x512xi32, #tpu.memory_space<vmem>>, vector<256x512xi32>
    tpu.vector_store %arg4[%swap3A, %swap3A_252], %bitcast_convert_type3A {strides = array<i32>} : memref<256x512xi32, #tpu.memory_space<vmem>>, vector<256x512xi32>,
    %swap3A_254 = arith.constant 0 : index
    %swap3A_255 = arith.constant 0 : index
    %swap3A_256 = vector.load %arg5[%swap3A_254, %swap3A_255] : memref<256x512xf32, #tpu.memory_space<vmem>>, vector<256x512xf32>
    tpu.vector_store %arg5[%swap3A_254, %swap3A_255], %sub3A {strides = array<i32>} : memref<256x512xf32, #tpu.memory_space<vmem>>, vector<256x512xf32>,
    %lt3A = arith.constant 0.699999988 : f32
    %lt3A_257 = vector.broadcast %lt3A : f32 to vector<256x512xf32>
    %lt3A_258 = arith.cmpf olt, %div3A, %lt3A_257 : vector<256x512xf32>
    %jit3A = arith.constant 0.000000e+00 : f32
    %broadcast_in_dim3A_259 = vector.broadcast %jit3A : f32 to vector<256x512xf32>
    %select_n3A_260 = arith.select %lt3A_258, %sub3A, %broadcast_in_dim3A_259 : vector<256x512xi1>, vector<256x512xf32>
    %reduce_sum3A = arith.constant dense<0.000000e+00> : vector<512xf32>
    %reduce_sum3A_261 = vector.multi_reduction <add>, %select_n3A_260, %reduce_sum3A [0] : vector<256x512xf32> to vector<512xf32>
    %reshape3A = vector.shape_cast %reduce_sum3A_261 : vector<512xf32> to vector<1x1x512xf32>
    %swap3A_262 = arith.constant 0 : index
    %swap3A_263 = arith.constant 0 : index
    %swap3A_264 = arith.constant 0 : index
    %swap3A_265 = vector.load %arg6[%swap3A_262, %swap3A_263, %swap3A_264] : memref<1x1x512xf32, #tpu.memory_space<vmem>>, vector<1x1x512xf32>
    tpu.vector_store %arg6[%swap3A_262, %swap3A_263, %swap3A_264], %reshape3A {strides = array<i32>} : memref<1x1x512xf32, #tpu.memory_space<vmem>>, vector<1x1x512xf32>,
    %convert_element_type3A = arith.extui %lt3A_258 : vector<256x512xi1> to vector<256x512xi32>
    %convert_element_type3A_266 = arith.sitofp %convert_element_type3A : vector<256x512xi32> to vector<256x512xf32>
    %reduce_sum3A_267 = arith.constant dense<0.000000e+00> : vector<512xf32>
    %reduce_sum3A_268 = vector.multi_reduction <add>, %convert_element_type3A_266, %reduce_sum3A_267 [0] : vector<256x512xf32> to vector<512xf32>
    %reshape3A_269 = vector.shape_cast %reduce_sum3A_268 : vector<512xf32> to vector<1x1x512xf32>
    %swap3A_270 = arith.constant 0 : index
    %swap3A_271 = arith.constant 0 : index
    %swap3A_272 = arith.constant 0 : index
    %swap3A_273 = vector.load %arg7[%swap3A_270, %swap3A_271, %swap3A_272] : memref<1x1x512xf32, #tpu.memory_space<vmem>>, vector<1x1x512xf32>
    tpu.vector_store %arg7[%swap3A_270, %swap3A_271, %swap3A_272], %reshape3A_269 {strides = array<i32>} : memref<1x1x512xf32, #tpu.memory_space<vmem>>, vector<1x1x512xf32>,
    return
  }
  func.func @transform_0(%arg0: i32, %arg1: i32) -> (i32, i32, i32, i32) {
    %c0_i32 = arith.constant 0 : i32
    %c0_i32_0 = arith.constant 0 : i32
    %c0_i32_1 = arith.constant 0 : i32
    return %arg0, %c0_i32, %arg1, %c0_i32_0 : i32, i32, i32, i32
  }
  func.func @transform_1(%arg0: i32, %arg1: i32) -> (i32, i32, i32) {
    %c0_i32 = arith.constant 0 : i32
    %c0_i32_0 = arith.constant 0 : i32
    return %arg0, %arg1, %c0_i32 : i32, i32, i32
  }
  func.func @transform_2(%arg0: i32, %arg1: i32) -> (i32, i32) {
    %mul3A = arith.constant 2 : i32
    %mul3A_0 = arith.muli %arg0, %mul3A : i32
    %add3A = arith.addi %mul3A_0, %arg1 : i32
    %c0_i32 = arith.constant 0 : i32
    %c0_i32_1 = arith.constant 0 : i32
    return %add3A, %c0_i32 : i32, i32
  }
  func.func @transform_3(%arg0: i32, %arg1: i32) -> (i32, i32) {
    %mul3A = arith.constant 2 : i32
    %mul3A_0 = arith.muli %arg0, %mul3A : i32
    %add3A = arith.addi %mul3A_0, %arg1 : i32
    %c0_i32 = arith.constant 0 : i32
    %c0_i32_1 = arith.constant 0 : i32
    return %add3A, %c0_i32 : i32, i32
  }
  func.func @transform_4(%arg0: i32, %arg1: i32) -> (i32, i32, i32) {
    %mul3A = arith.constant 2 : i32
    %mul3A_0 = arith.muli %arg0, %mul3A : i32
    %add3A = arith.addi %mul3A_0, %arg1 : i32
    %c0_i32 = arith.constant 0 : i32
    %c0_i32_1 = arith.constant 0 : i32
    %c0_i32_2 = arith.constant 0 : i32
    return %add3A, %c0_i32, %c0_i32_1 : i32, i32, i32
  }
  func.func @transform_5(%arg0: i32, %arg1: i32) -> (i32, i32, i32) {
    %mul3A = arith.constant 2 : i32
    %mul3A_0 = arith.muli %arg0, %mul3A : i32
    %add3A = arith.addi %mul3A_0, %arg1 : i32
    %c0_i32 = arith.constant 0 : i32
    %c0_i32_1 = arith.constant 0 : i32
    %c0_i32_2 = arith.constant 0 : i32
    return %add3A, %c0_i32, %c0_i32_1 : i32, i32, i32
  }
}

</mosaic_0001>

<sc_bundles>
// kernel: kernel.12.cloned.1.call-start
scs
__scs_entry_jumppad:
0x0: {  	(pc) =	sbr.rel $0x88, $3  }
0x1: {  	(tag) =	ssettag $0x0;
	lr =	simm.s32 $0x1  }
0x2: {  	[smem:$0x3F9F] =	sst lr;
	_ =	strace $0xD0000000  }
0x3: {  	_ = 	snop  }
0x4: {  	_ = 	snop  }
0x5: {  	_ = 	snop  }
0x6: {  	_ = 	snop  }
0x7: {  	_ = 	snop  }
__scs_overlays_trampoline_lowered:
0x8: {  	[smem:$0x3FAE] =	sst s0  }
0x9: {  	[smem:$0x3FAF] =	sst s1  }
0xa: {  	[smem:$0x3FB0] =	sst s2  }
0xb: {  	[smem:$0x3FB1] =	sst s3  }
0xc: {  	[smem:$0x3FB2] =	sst s4  }
0xd: {  	[smem:$0x3FB3] =	sst s5  }
0xe: {  	[smem:$0x3FB4] =	sst s6  }
0xf: {  	[smem:$0x3FB5] =	sst s7  }
0x10: {  	[smem:$0x3FB6] =	sst s8  }
0x11: {  	[smem:$0x3FB7] =	sst s9;
	s0 =	simm.s32 @!p0 $0x0  }
0x12: {  	s1 =	sld [smem:$0x3F9D];
	s0 =	simm.s32 @p0 $0x1  }
0x13: {  	[smem:$0x3FB8] =	sst s0;
	s0 =	simm.s32 @!p1 $0x0  }
0x14: {  	s2 =	sld [smem:$0x3F9C];
	s0 =	simm.s32 @p1 $0x1  }
0x15: {  	[smem:$0x3FB9] =	sst s0;
	s0 =	simm.s32 @!p2 $0x0  }
0x16: {  	s3 =	sld [smem:$0x3FDB];
	s0 =	simm.s32 @p2 $0x1  }
0x17: {  	s4 =	simm.s32 $0x1BF5;
	[smem:$0x3FBB] =	sst s0  }
0x18: {  	s0 =	sld [smem:$0x3F9E];
	_ =	swait.ge [sflag:s4], $0x0  }
0x19: {  	s7 =	sld [smem:$0x3F9F]  }
0x1a: {  	s8 =	sadd.s32 $0xFFFFE003, lr  }
0x1b: {  	s9 =	sadd.s32 $0xFFFFFEF7, lr;
	s5 =	simm.s32 $0xFFFFFFFF;
	p2 =	slt.u32 s8, $0xFFFFF086  }
0x1c: {  	p1 =	slt.u32 s9, $0xF7A;
	s5 =	simm.s32 @!p2 $0x0  }
0x1d: {  	s5 =	simm.s32 @p1 $0x1;
	p0 =	seq.s32 s7, s2  }
0x1e: {  	s7 =	smul.u32 @!p0 $0xF7A, s2;
	p2 =	seq.s32 @!p0 s5, $0x0  }
0x1f: {  	s9 =	smul.u32 $0xF7A, s1;
	s8 =	simm.s32 @!p0 $0x1BF5;
	p2 =	por !p2, p0  }
0x20: {  	[sflag:s8] =	ssyncset.s32 @!p0 $0xFFFFF086;
	s6 =	sadd.s32 @!p0 s3, s7;
	s7 =	simm.s32 @!p0 $0x108  }
0x21: {  	s3 =	sadd.s32 s3, s9;
	s6 =	sadd.s32 @!p0 $0x88, s6;
	s7 =	simm.s32 @p2 $0x1082  }
0x22: {  	[simem:s7], [sflag:s8] =	dma.local @!p0 [hbm:s6], $0xF7A  }
0x23: {  	s9 =	sor.u32 $0xD0000000, s2;
	s6 =	simm.s32 $0x108;
	_ =	swait.ge @!p0 [sflag:s8], $0x0  }
0x24: {  	s3 =	sadd.s32 $0x88, s3;
	s6 =	simm.s32 @!p1 $0x1082;
	[sflag:s4] =	ssyncset.s32 $0xFFFFF086  }
0x25: {  	[simem:s6], [sflag:s4] =	dma.local [hbm:s3], $0xF7A  }
0x26: {  	[smem:$0x3F9F] =	sst s1;
	(tag) =	ssettag s2;
	_ =	strace s9  }
0x27: {  	s1 =	sld [smem:$0x3FAF]  }
0x28: {  	s2 =	sld [smem:$0x3FB0]  }
0x29: {  	s4 =	sld [smem:$0x3FB2]  }
0x2a: {  	p0 =	seq.s32 s5, $0x0;
	s5 =	sld [smem:$0x3FB3]  }
0x2b: {  	s6 =	sld [smem:$0x3FB4]  }
0x2c: {  	s7 =	sld [smem:$0x3FB5]  }
0x2d: {  	s3 =	simm.s32 $0x108;
	s8 =	sld [smem:$0x3FB6]  }
0x2e: {  	s3 =	simm.s32 @!p0 $0x1082;
	s9 =	sld [smem:$0x3FB7]  }
0x2f: {  	lr =	sadd.s32 s0, s3;
	s0 =	sld [smem:$0x3FAE]  }
0x30: {  	s3 =	sld [smem:$0x3FB1]  }
0x31: {  	[smem:$0x3FBA] =	sst s10  }
0x32: {  	s10 =	sld [smem:$0x3FB8];
	_ =	sdelay $0x3  }
0x33: {  	p0 =	seq.s32 s10, $0x1;
	s10 =	sld [smem:$0x3FBA];
	_ =	sdelay $0x3  }
0x34: {  	[smem:$0x3FBA] =	sst s10  }
0x35: {  	s10 =	sld [smem:$0x3FB9];
	_ =	sdelay $0x3  }
0x36: {  	p1 =	seq.s32 s10, $0x1;
	s10 =	sld [smem:$0x3FBA];
	_ =	sdelay $0x3  }
0x37: {  	[smem:$0x3FBA] =	sst s10  }
0x38: {  	s10 =	sld [smem:$0x3FBB]  }
0x39: {  	_ = 	snop;
	(pc) =	sbr.ind lr, $3  }
0x3a: {  	_ = 	snop  }
0x3b: {  	_ = 	snop  }
0x3c: {  	p2 =	seq.s32 s10, $0x1;
	s10 =	sld [smem:$0x3FBA]  }
0x3d: {  	_ =	shalt  }
0x3e: {  	_ =	shalt  }
0x3f: {  	_ =	shalt  }
0x40: {  	_ =	shalt  }
0x41: {  	_ =	shalt  }
0x42: {  	_ =	shalt  }
0x43: {  	_ =	shalt  }
0x44: {  	_ =	shalt  }
0x45: {  	_ =	shalt  }
0x46: {  	_ =	shalt  }
0x47: {  	_ =	shalt  }
0x48: {  	_ =	shalt  }
0x49: {  	_ =	shalt  }
0x4a: {  	_ =	shalt  }
0x4b: {  	_ =	shalt  }
0x4c: {  	_ =	shalt  }
0x4d: {  	_ =	shalt  }
0x4e: {  	_ =	shalt  }
0x4f: {  	_ =	shalt  }
0x50: {  	_ =	shalt  }
0x51: {  	_ =	shalt  }
0x52: {  	_ =	shalt  }
0x53: {  	_ =	shalt  }
0x54: {  	_ =	shalt  }
0x55: {  	_ =	shalt  }
0x56: {  	_ =	shalt  }
0x57: {  	_ =	shalt  }
0x58: {  	_ =	shalt  }
0x59: {  	_ =	shalt  }
0x5a: {  	_ =	shalt  }
0x5b: {  	_ =	shalt  }
0x5c: {  	_ =	shalt  }
0x5d: {  	_ =	shalt  }
0x5e: {  	_ =	shalt  }
0x5f: {  	_ =	shalt  }
0x60: {  	_ =	shalt  }
0x61: {  	_ =	shalt  }
0x62: {  	_ =	shalt  }
0x63: {  	_ =	shalt  }
0x64: {  	_ =	shalt  }
0x65: {  	_ =	shalt  }
0x66: {  	_ =	shalt  }
0x67: {  	_ =	shalt  }
0x68: {  	_ =	shalt  }
0x69: {  	_ =	shalt  }
0x6a: {  	_ =	shalt  }
0x6b: {  	_ =	shalt  }
0x6c: {  	_ =	shalt  }
0x6d: {  	_ =	shalt  }
0x6e: {  	_ =	shalt  }
0x6f: {  	_ =	shalt  }
0x70: {  	_ =	shalt  }
0x71: {  	_ =	shalt  }
0x72: {  	_ =	shalt  }
0x73: {  	_ =	shalt  }
0x74: {  	_ =	shalt  }
0x75: {  	_ =	shalt  }
0x76: {  	_ =	shalt  }
0x77: {  	_ =	shalt  }
0x78: {  	_ =	shalt  }
0x79: {  	_ =	shalt  }
0x7a: {  	_ =	shalt  }
0x7b: {  	_ =	shalt  }
0x7c: {  	_ =	shalt  }
0x7d: {  	_ =	shalt  }
0x7e: {  	_ =	shalt  }
0x7f: {  	_ =	shalt  }
0x80: {  	_ =	shalt  }
0x81: {  	_ =	shalt  }
0x82: {  	_ =	shalt  }
0x83: {  	_ =	shalt  }
0x84: {  	_ =	shalt  }
0x85: {  	_ =	shalt  }
0x86: {  	_ =	shalt  }
0x87: {  	_ =	shalt  }
.Lfunc_end0:
.L_simem_size_0:
called_computation.2_lowered:
.L_overlay_start_0:
0x88: {  	s2 =	sld [smem:$0x3FD9]  }
0x89: {  	s3 =	sld [smem:$0x3FFE];
	_ =	sdelay $0x1  }
0x8a: {  	s1 =	srdreg.scid  }
0x8b: {  	s0 =	sand.u32 $0x1, s1  }
0x8c: {  	s16 =	sshll.u32 s0, $0xA;
	s2 =	sadd.s32 s3, s2  }
0x8d: {  	s2 =	sadd.s32 s2, s16  }
0x8e: {  	[smem:$0x3FC6] =	sst s2  }
0x8f: {  	_ = 	snop  }
0x90: {  	(tm) =	ssettm $0x1  }
0x91: {  	s17 =	sld [smem:$0x3FFB];
	_ =	sdelay $0x3  }
0x92: {  	_ =	strace s17  }
0x93: {  	s2 =	sld [smem:$0x3FFC];
	_ =	sdelay $0x3  }
0x94: {  	_ =	strace s2  }
0x95: {  	s2 =	sld [smem:$0x3FFD];
	_ =	sdelay $0x3  }
0x96: {  	_ =	strace s2  }
0x97: {  	_ =	strace $0x8FFFFFFF  }
0x98: {  	s18 =	sld [smem:$0x3FDB];
	_ =	sdelay $0x1  }
0x99: {  	s19 =	simm.s32 $_scs_section_size  }
0x9a: {  	s4 =	simm.s32 $_size__tile_overlayer_lowered;
	s5 =	simm.s32 $_tile_overlayer_lowered  }
0x9b: {  	s22 =	simm.s32 $0x1BFF;
	s21 =	sshll.u32 s5, $0x1;
	s2 =	sadd.s32 s19, s18  }
0x9c: {  	s6 =	simm.s32 $0x0;
	s20 =	sshll.u32 s4, $0x1;
	s4 =	sadd.s32 s21, s2  }
0x9d: {  	[timem:s6], [sflag:s22] =	dma.local [hbm:s4], s20  }
0x9e: {  	_ =	swait.ge [sflag:s22], s20  }
0x9f: {  	s3 =	ssub.s32 $0x0, s20;
	[sflag:s22] =	ssyncset.done $0x0  }
0xa0: {  	[sflag:s22] =	ssyncadd.s32 s3;
	_ =	sdelay $0x1  }
0xa1: {  	s23 =	simm.s32 $0x1B8B  }
0xa2: {  	_ =	swait.ge [sflag:s23], $0x1  }
0xa3: {  	[sflag:s23] =	ssyncset.done $0x0  }
0xa4: {  	s25 =	simm.s32 $0x1B8E;
	s24 =	sld [smem:$0x3FFE];
	[sflag:s23] =	ssyncadd.s32 $0xFFFFFFFF  }
0xa5: {  	s26 =	simm.s32 $execute0_lowered;
	[smem:$0x3FD2] =	sst s25  }
0xa6: {  	s4 =	sshll.u32 s26, $0x1;
	_ =	strace $0x8000004C;
	[dreg:$0x1] =	wrdreg $0xFFFFFFFF  }
0xa7: {  	s28 =	simm.s32 $_size_execute0_lowered;
	s2 =	sadd.s32 s2, s4;
	[dreg:$0x0] =	wrdreg $0x0  }
0xa8: {  	s4 =	sshll.u32 s28, $0x1;
	[dreg:$0x2] =	wrdreg s2  }
0xa9: {  	[dreg:$0x3] =	wrdreg s4  }
0xaa: {  	[dreg:$0x4] =	wrdreg $0xC0  }
0xab: {  	_ =	task [dreg:s6], $0x5FFFF  }
0xac: {  	[dreg:$0x1] =	wrdreg $0xFFFFFFFF  }
0xad: {  	[dreg:$0x0] =	wrdreg $0x60  }
0xae: {  	[dreg:$0x2] =	wrdreg s24  }
0xaf: {  	[dreg:$0x3] =	wrdreg $0x9  }
0xb0: {  	_ =	task.clear_ibuf [dreg:s6], $0x4FFFF;
	_ =	strace $0x9000004C  }
0xb1: {  	s29 =	simm.s32 $0x9;
	_ =	strace $0x8000004E  }
0xb2: {  	_ =	swait.ge [sflag:s29], $0x1  }
0xb3: {  	[sflag:s29] =	ssyncadd.s32 $0xFFFFFFFF  }
0xb4: {  	_ =	strace $0x9000004E  }
0xb5: {  	_ =	sfence  }
0xb6: {  	s30 =	sld [smem:$0x0];
	_ =	sdelay $0x2  }
0xb7: {  	s31 =	sshll.u32 s1, $0xD;
	s1 =	sshrl.u32 s1, $0x2  }
0xb8: {  	s3 =	sand.u32 $0x4000, s31;
	s1 =	sadd.s32 s1, s30  }
0xb9: {  	s0 =	sor.u32 s3, s0;
	s1 =	sshll.u32 s1, $0x11  }
0xba: {  	s0 =	sor.u32 s1, s0  }
0xbb: {  	s0 =	sadd.s32 $0x8F2B, s0  }
0xbc: {  	[sflag:s0] =	ssyncadd.remote.s32 $0x1  }
0xbd: {  	_ =	sfence.sel $0xFFFF  }
0xbe: {  	[dreg:$0x0] =	wrdreg $0xFFFFFFFF;
	(pc) =	sbr.abs _section_cstart, $3  }
0xbf: {  	[dreg:$0x1] =	wrdreg $0xFFFFFFFF  }
0xc0: {  	_ =	task.clear_ibuf [dreg:s6], $0x2FFFF;
	_ =	strace $0x9FFFFFFF  }
0xc1: {  	(tm) =	ssettm $0x7FFFFFFF  }
tec
execute0_lowered:
.L_overlay_start_1:
0x0: {  	(tag) =	ssettag $0x1  }
0x1: {  	s0 =	rddreg [dreg:$0x0]  }
0x2: {  	s1 =	srdreg.scid;
	s5 =	stileid.u32  }
0x3: {  	s2 =	simm.s32 $0x0;
	v0 =	vimm.s32 $0x2780;
	vm0 =	vcmask $0x300;
	s17 =	simm.s32 $0x1;
	s18 =	simm.s32 $0x80  }
0x4: {  	vm14 =	vcmask $0x704;
	s19 =	simm.s32 $0x4080;
	s20 =	simm.s32 $0x8080;
	s21 =	simm.s32 $0xC880;
	v0 =	vsel vm0, $0x0, v0  }
0x5: {  	vm15 =	vcmask $0xB08;
	s22 =	simm.s32 $0x400;
	s25 =	simm.s32 $0x11880;
	s26 =	simm.s32 $0x11900;
	v0 =	vsel vm14, $0x80, v0  }
0x6: {  	vm4 =	vcmask $0xF0C;
	s28 =	simm.s32 $0x0;
	s1 =	sand.u32 $0x1, s1;
	s3 =	sshll.u32 s5, $0x1;
	v0 =	vsel vm15, $0x100, v0  }
0x7: {  	vm5 =	vcmask $0x1310;
	[smem:$0x7FF] =	sst s2;
	s5 =	sshrl.u32 s5, $0x2;
	s11 =	sadd.s32 $0x40000, s0;
	v0 =	vsel vm4, $0x180, v0  }
0x8: {  	vm6 =	vcmask $0x1714;
	s4 =	sor.u32 s1, s3;
	_ =	strace $0x8000004D;
	s7 =	sshll.u32 s5, $0xD;
	v0 =	vsel vm5, $0x200, v0  }
0x9: {  	vm7 =	vcmask $0x1B18;
	s5 =	sshll.u32 s5, $0xA;
	s1 =	ssub.s32 $0x2, s1;
	s3 =	sshll.u32 s4, $0x7;
	v0 =	vsel vm6, $0x280, v0  }
0xa: {  	vm8 =	vcmask $0x1F1C;
	s30 =	sshrl.u32 s1, $0x1;
	s10 =	sshll.u32 s4, $0xD;
	s6 =	sand.u32 $0x380, s3;
	v0 =	vsel vm7, $0x300, v0  }
0xb: {  	vm9 =	vcmask $0x2320;
	s3 =	sadd.s32 $0x80200, s0;
	s1 =	ssub.s32 s1, s30;
	s4 =	sadd.s32 s0, s10;
	v0 =	vsel vm8, $0x380, v0  }
0xc: {  	vm10 =	vcmask $0x2724;
	s31 =	sor.u32 $0x800, s10;
	s9 =	sor.u32 $0x1000, s10;
	s12 =	sor.u32 $0x1800, s10;
	v0 =	vsel vm9, $0x2400, v0  }
0xd: {  	vm11 =	vcmask $0x2B28;
	s7 =	sor.u32 s7, s6;
	s5 =	sor.u32 s5, s6;
	s6 =	sadd.s32 s0, s31;
	v0 =	vsel vm10, $0x2480, v0  }
0xe: {  	vm12 =	vcmask $0x2F2C;
	s8 =	sadd.s32 s0, s9;
	s9 =	sadd.s32 s11, s9;
	s7 =	sshrl.u32 s7, $0x3;
	v0 =	vsel vm11, $0x2500, v0  }
0xf: {  	vm13 =	vcmask $0x3330;
	s16 =	smax.u32 s1, $0x1;
	s5 =	sshrl.u32 s5, $0x3;
	s13 =	sadd.s32 s7, s0;
	v0 =	vsel vm12, $0x2580, v0  }
0x10: {  	vm14 =	vcmask $0x3734;
	s15 =	sadd.s32 s5, s0;
	s5 =	sadd.s32 s11, s10;
	s7 =	sadd.s32 s11, s31;
	v1 =	vsel vm13, $0x2600, v0  }
0x11: {  	v3 =	vimm.s32 $0x1;
	vm15 =	vcmask $0x3B38;
	s10 =	sadd.s32 s0, s12;
	s11 =	sadd.s32 s11, s12;
	s12 =	sadd.s32 $0x80400, s13;
	v2 =	vsel vm14, $0x2680, v1  }
0x12: {  	s13 =	sadd.s32 $0x81800, s13;
	s14 =	sadd.s32 $0x81600, s15;
	s15 =	sadd.s32 $0x81400, s15;
	v0 =	vimm.s32 $0x0;
	v1 =	vimm.f32 $0.0e+00;
	v2 =	vsel vm15, $0x2700, v2  }
.LBB2_1:
0x13: {  	[tilespmem:s2], [sflag:$0x1] =	stream.linear.gather [hbm4b:s3+s2], $0x80, $0x38;
	[tilespmem:$0x11980] =	vst v63  }
0x14: {  	_ =	swait.ge [sflag:s17], $0x80  }
0x15: {  	s0 =	sand.u32 $0x70, s2;
	s1 =	sand.u32 $0x1C00, s2;
	[sflag:s17] =	ssyncset.done $0x0  }
0x16: {  	s0 =	sor.u32 s0, s1;
	[sflag:s17] =	ssyncadd.s32 $0xFFFFFF80  }
0x17: {  	[tilespmem:s0+$0xCB00] =	vst v1  }
0x18: {  	[tilespmem:s0+$0x8380] =	vst v0  }
0x19: {  	[tilespmem:s0+$0xCB80] =	vst v1  }
0x1a: {  	[tilespmem:s0+$0x8080] =	vst v0  }
0x1b: {  	[tilespmem:s0+$0xC880] =	vst v1  }
0x1c: {  	[tilespmem:s0+$0x8100] =	vst v0  }
0x1d: {  	[tilespmem:s0+$0xC900] =	vst v1  }
0x1e: {  	[tilespmem:s0+$0x8180] =	vst v0  }
0x1f: {  	[tilespmem:s0+$0xC980] =	vst v1  }
0x20: {  	[tilespmem:s0+$0x8200] =	vst v0  }
0x21: {  	[tilespmem:s0+$0xCA00] =	vst v1  }
0x22: {  	[tilespmem:s0+$0x8280] =	vst v0  }
0x23: {  	s31 =	sor.u32 s2, s2;
	[tilespmem:s0+$0xCA80] =	vst v1  }
0x24: {  	s29 =	sor.u32 $0x380, s31;
	[tilespmem:s0+$0x8300] =	vst v0  }
0x25: {  	s23 =	simm.s32 $0x10;
	s1 =	simm.s32 $0x80;
	[tilespmem:s29+$0x8080] =	vst v0  }
.LBB2_2:
0x26: {  	s30 =	sand.u32 $0x70, s23;
	s31 =	sand.u32 $0x1C00, s1;
	p0 =	sne.s32 s23, $0x3F0;
	[tilespmem:s29+$0xC880] =	vst v1  }
0x27: {  	s30 =	sor.u32 s30, s31;
	[tilespmem:s0+$0xED80] =	vst v1  }
0x28: {  	[tilespmem:s30+$0xCB00] =	vst v1  }
0x29: {  	[tilespmem:s30+$0x8380] =	vst v0  }
0x2a: {  	[tilespmem:s30+$0xCB80] =	vst v1  }
0x2b: {  	[tilespmem:s0+$0xA600] =	vst v0  }
0x2c: {  	[tilespmem:s0+$0xA580] =	vst v0  }
0x2d: {  	[tilespmem:s0+$0xED00] =	vst v1  }
0x2e: {  	[tilespmem:s0+$0xA500] =	vst v0  }
0x2f: {  	[tilespmem:s0+$0xEC80] =	vst v1  }
0x30: {  	[tilespmem:s0+$0xA480] =	vst v0  }
0x31: {  	[tilespmem:s30+$0x8080] =	vst v0  }
0x32: {  	[tilespmem:s30+$0xC880] =	vst v1  }
0x33: {  	[tilespmem:s30+$0x8100] =	vst v0  }
0x34: {  	[tilespmem:s30+$0xC900] =	vst v1  }
0x35: {  	[tilespmem:s30+$0x8180] =	vst v0  }
0x36: {  	[tilespmem:s30+$0xC980] =	vst v1  }
0x37: {  	[tilespmem:s30+$0x8200] =	vst v0  }
0x38: {  	[tilespmem:s30+$0xCA00] =	vst v1  }
0x39: {  	[tilespmem:s30+$0x8280] =	vst v0  }
0x3a: {  	[tilespmem:s30+$0xCA80] =	vst v1  }
0x3b: {  	[tilespmem:s30+$0x8300] =	vst v0  }
0x3c: {  	[tilespmem:s0+$0xEE00] =	vst v1  }
0x3d: {  	[tilespmem:s0+$0xA680] =	vst v0  }
0x3e: {  	[tilespmem:s0+$0xEE80] =	vst v1  }
0x3f: {  	[tilespmem:s0+$0xA700] =	vst v0  }
0x40: {  	[tilespmem:s0+$0xEF00] =	vst v1  }
.Ltmp0:
0x41: {  	[tilespmem:s0+$0xA780] =	vst v0;
	(pc) =	sbr.rel @p0 .LBB2_2-.Ltmp0, $4  }
0x42: {  	[tilespmem:s0+$0xEF80] =	vst v1  }
0x43: {  	s29 =	sor.u32 s1, s23;
	[tilespmem:s0+$0xA800] =	vst v0  }
0x44: {  	s29 =	sor.u32 $0x380, s29;
	[tilespmem:s0+$0xF000] =	vst v1;
	s0 =	smov.u32 s30  }
0x45: {  	s1 =	sadd.s32 $0x80, s1;
	s23 =	sadd.s32 $0x10, s23;
	[tilespmem:s29+$0x8080] =	vst v0  }
0x46: {  	[tilespmem:s29+$0xC880] =	vst v1  }
0x47: {  	[tilespmem:s0+$0xED80] =	vst v1  }
0x48: {  	[tilespmem:s0+$0xA600] =	vst v0  }
0x49: {  	[tilespmem:s0+$0xA580] =	vst v0  }
0x4a: {  	[tilespmem:s0+$0xED00] =	vst v1  }
0x4b: {  	[tilespmem:s0+$0xA500] =	vst v0  }
0x4c: {  	[tilespmem:s0+$0xEC80] =	vst v1  }
0x4d: {  	[tilespmem:s0+$0xA480] =	vst v0  }
0x4e: {  	[tilespmem:s0+$0xEE00] =	vst v1  }
0x4f: {  	[tilespmem:s0+$0xA680] =	vst v0  }
0x50: {  	[tilespmem:s0+$0xEE80] =	vst v1  }
0x51: {  	[tilespmem:s0+$0xA700] =	vst v0  }
0x52: {  	[tilespmem:s0+$0xEF00] =	vst v1  }
0x53: {  	[tilespmem:s0+$0xA780] =	vst v0  }
0x54: {  	[tilespmem:s0+$0xEF80] =	vst v1  }
0x55: {  	[tilespmem:s0+$0xA800] =	vst v0  }
0x56: {  	s31 =	simm.s32 $0x0;
	[tilespmem:s0+$0xF000] =	vst v1  }
0x57: {  	v5 =	vld [tilespmem:$0x0];
	[tilespmem:s18], [sflag:$0x1] =	stream.linear.gather [hbm4b:s4+s31], $0x4000, $0x38  }
0x58: {  	_ =	swait.ge [sflag:s17], $0x4000  }
0x59: {  	s1 =	simm.s32 $0x0;
	s29 =	simm.s32 $0x0;
	[sflag:s17] =	ssyncset.done $0x0  }
0x5a: {  	s1 =	sand.u32 $0x3000, s1;
	s23 =	sand.u32 $0xC00, s31;
	[sflag:s17] =	ssyncadd.s32 $0xFFFFC000  }
0x5b: {  	[tilespmem:s19], [sflag:$0x1] =	stream.linear.gather [hbm4b:s5+s31], $0x4000, $0x38;
	[tilespmem:$0x11980] =	vst v63  }
0x5c: {  	s24 =	sand.u32 $0x380, s29;
	s1 =	sor.u32 s23, s1;
	_ =	swait.ge [sflag:s17], $0x4000  }
0x5d: {  	s0 =	sand.u32 $0x40, s31;
	s1 =	sor.u32 s24, s1;
	[sflag:s17] =	ssyncset.done $0x0  }
0x5e: {  	s1 =	sor.u32 s0, s1;
	[sflag:s17] =	ssyncadd.s32 $0xFFFFC000  }
0x5f: {  	v6 =	vld [tilespmem:s1+$0xB0]  }
0x60: {  	v7 =	vld [tilespmem:s1+$0x90];
	_ =	sdelay $0x1  }
0x61: {  	v13 =	vld [tilespmem:s1+$0xA0]  }
0x62: {  	v26 =	vimm.f32 $0.0e+00;
	v18 =	vld [tilespmem:s1+$0x80]  }
0x63: {  	v4 =	vshll.u32 v5, $0xA;
	v14 =	vld [tilespmem:s1+$0x40B0];
	v8 =	vshll.u32 v6, $0x3;
	v9 =	vand.u32 $0x7F, v6  }
0x64: {  	vm1 =	vlt.s32 v6, v4;
	v15 =	vshrl.u32 v7, $0xA;
	v10 =	vand.u32 $0x7F, v7  }
0x65: {  	s30 =	simm.s32 $0x40;
	s29 =	simm.s32 $0x200;
	vm3 =	vlt.s32 v7, v4;
	v6 =	vshrl.u32 v6, $0xA;
	v7 =	vshll.u32 v7, $0x3  }
0x66: {  	s0 =	sand.u32 $0x3000, s30;
	s30 =	simm.s32 $0x10;
	s31 =	sand.u32 $0xC00, s29;
	v22 =	vshrl.u32 v13, $0xA;
	v16 =	vshll.u32 v13, $0x3;
	v19 =	vand.u32 $0x7F, v13  }
0x67: {  	s30 =	sand.u32 $0x380, s30;
	s23 =	sor.u32 s31, s0;
	s0 =	simm.s32 $0x40;
	v17 =	vld [tilespmem:s1+$0x4090];
	v25 =	vand.u32 $0x7F, v18;
	vm4 =	vlt.s32 v18, v4;
	v8 =	vand.u32 $0x1C00, v8  }
0x68: {  	s31 =	sand.u32 $0x40, s0;
	s23 =	sor.u32 s30, s23;
	v12 =	vld [tilespmem:s1+$0x4080];
	vm0 =	veq.s32 v6, v5;
	v6 =	vand.u32 $0x1C00, v7;
	v7 =	vnsel vm1, $0x0, v14  }
0x69: {  	v11 =	vld [tilespmem:s1+$0x40A0];
	s1 =	sor.u32 s31, s23;
	v16 =	vand.u32 $0x1C00, v16;
	v9 =	vor.u32 v9, v8;
	v6 =	vor.u32 v10, v6  }
0x6a: {  	v10 =	vsel vm1, $0x3F800000, v1;
	vm1 =	vlt.s32 v13, v4;
	v13 =	vor.u32 v19, v16;
	v16 =	vld [tilespmem:s1+$0x90]  }
0x6b: {  	vm2 =	veq.s32 v15, v5;
	v15 =	vshll.u32 v18, $0x3;
	v24 =	vadd.s32 v2, v9;
	v9 =	vld [tilespmem:s1+$0xB0]  }
0x6c: {  	v28 =	vshrl.u32 v18, $0xA;
	v27 =	vsel vm4, $0x3F800000, v1;
	v18 =	vand.u32 $0x1C00, v15;
	v15 =	vld [tilespmem:s1+$0x40A0]  }
0x6d: {  	v31 =	vsel vm3, $0x3F800000, v1;
	v32 =	vnsel vm4, $0x0, v12;
	v20 =	vadd.s32 v2, v6;
	v6 =	vld [tilespmem:s1+$0xA0]  }
0x6e: {  	v19 =	vnsel vm1, $0x0, v11;
	v21 =	vsel vm1, $0x3F800000, v1;
	vm1 =	veq.s32 v22, v5;
	v22 =	vld [tilespmem:s1+$0x80]  }
0x6f: {  	v30 =	vadd.f32 v27, v26;
	v23 =	vadd.s32 v2, v13;
	v13 =	vld [tilespmem:s1+$0x4080];
	v25 =	vor.u32 v25, v18  }
0x70: {  	v8 =	vnsel vm3, $0x0, v17;
	v18 =	vld [tilespmem:s1+$0x4090];
	v25 =	vadd.s32 v2, v25;
	v27 =	vshll.u32 v9, $0x3  }
0x71: {  	s23 =	simm.s32 $0x4;
	[tilespmem:v24+s20+$0x0] =	vst.idx.add.s32.msk vm0, v3;
	v29 =	vand.u32 $0x1C00, v27;
	v27 =	vadd.f32 v32, v26;
	v26 =	vadd.f32 v31, v30  }
.LBB2_4:
0x72: {  	s23 =	sadd.s32 $0x4, s23;
	v30 =	vand.u32 $0x7F, v9;
	vm5 =	vlt.s32 v9, v4;
	vm4 =	veq.s32 v28, v5;
	[tilespmem:v24+s21+$0x0] =	vst.idx.add.f32.msk vm0, v14  }
0x73: {  	s29 =	sadd.s32 $0x200, s29;
	s30 =	sshll.u32 s23, $0x4;
	p0 =	slt.u32 s23, $0x3FC;
	v14 =	vld [tilespmem:s1+$0x40B0];
	v24 =	vor.u32 v30, v29;
	v27 =	vadd.f32 v8, v27;
	v21 =	vadd.f32 v21, v26;
	v26 =	vmovc v22  }
0x74: {  	v28 =	vand.u32 $0x7F, v16;
	vm3 =	vlt.s32 v16, v4;
	s31 =	sshll.u32 s23, $0x2;
	v22 =	vshrl.u32 v16, $0xA;
	s1 =	sand.u32 $0x3000, s30;
	s30 =	sand.u32 $0xC00, s29;
	[tilespmem:v23+s20+$0x0] =	vst.idx.add.s32.msk vm1, v3  }
0x75: {  	v9 =	vshrl.u32 v9, $0xA;
	s0 =	sadd.s32 $0x40, s0;
	s1 =	sor.u32 s30, s1;
	s30 =	sand.u32 $0x380, s31;
	v8 =	vnsel vm3, $0x0, v18;
	[tilespmem:v20+s20+$0x0] =	vst.idx.add.s32.msk vm2, v3;
	v19 =	vadd.f32 v19, v27  }
0x76: {  	v16 =	vshll.u32 v16, $0x3;
	vm0 =	veq.s32 v9, v5;
	s31 =	sand.u32 $0x40, s0;
	v27 =	vadd.f32 v10, v21;
	s1 =	sor.u32 s30, s1;
	[tilespmem:v20+s21+$0x0] =	vst.idx.add.f32.msk vm2, v17  }
0x77: {  	v9 =	vand.u32 $0x1C00, v16;
	v24 =	vadd.s32 v2, v24;
	s1 =	sor.u32 s31, s1;
	[tilespmem:v23+s21+$0x0] =	vst.idx.add.f32.msk vm1, v11;
	v30 =	vadd.f32 v7, v19  }
0x78: {  	v16 =	vshll.u32 v6, $0x3;
	v7 =	vor.u32 v28, v9;
	v23 =	vshrl.u32 v6, $0xA;
	v11 =	vmovc v15;
	[tilespmem:v25+s20+$0x0] =	vst.idx.add.s32.msk vm4, v3  }
0x79: {  	v10 =	vsel vm5, $0x3F800000, v1;
	v20 =	vadd.s32 v2, v7;
	v7 =	vnsel vm5, $0x0, v14;
	[tilespmem:v25+s21+$0x0] =	vst.idx.add.f32.msk vm4, v12;
	v12 =	vmovc v13  }
0x7a: {  	v17 =	vmovc v18;
	v15 =	vand.u32 $0x1C00, v16;
	vm1 =	vlt.s32 v6, v4;
	v13 =	vand.u32 $0x7F, v6;
	v9 =	vld [tilespmem:s1+$0xB0]  }
0x7b: {  	v19 =	vnsel vm1, $0x0, v11;
	v21 =	vsel vm1, $0x3F800000, v1;
	v13 =	vor.u32 v13, v15;
	v6 =	vld [tilespmem:s1+$0xA0]  }
0x7c: {  	vm2 =	veq.s32 v22, v5;
	vm1 =	veq.s32 v23, v5;
	v23 =	vadd.s32 v2, v13;
	v16 =	vld [tilespmem:s1+$0x90]  }
.Ltmp1:
0x7d: {  	v18 =	vand.u32 $0x7F, v26;
	vm4 =	vlt.s32 v26, v4;
	v15 =	vshll.u32 v26, $0x3;
	v22 =	vld [tilespmem:s1+$0x80];
	(pc) =	sbr.rel @p0 .LBB2_4-.Ltmp1, $4  }
0x7e: {  	v28 =	vshrl.u32 v26, $0xA;
	v26 =	vsel vm4, $0x3F800000, v1;
	v25 =	vand.u32 $0x1C00, v15;
	v13 =	vld [tilespmem:s1+$0x4080]  }
0x7f: {  	v31 =	vsel vm3, $0x3F800000, v1;
	v26 =	vadd.f32 v26, v27;
	v25 =	vor.u32 v18, v25;
	v15 =	vld [tilespmem:s1+$0x40A0]  }
0x80: {  	v32 =	vnsel vm4, $0x0, v12;
	v25 =	vadd.s32 v2, v25;
	v27 =	vshll.u32 v9, $0x3;
	v18 =	vld [tilespmem:s1+$0x4090]  }
0x81: {  	v26 =	vadd.f32 v31, v26;
	v29 =	vand.u32 $0x1C00, v27;
	v27 =	vadd.f32 v32, v30;
	[tilespmem:v24+s20+$0x0] =	vst.idx.add.s32.msk vm0, v3  }
0x82: {  	_ =	sdelay $0x4  }
0x83: {  	v30 =	vand.u32 $0x7F, v9;
	[tilespmem:v24+s21+$0x0] =	vst.idx.add.f32.msk vm0, v14  }
0x84: {  	vm0 =	veq.s32 v28, v5;
	v14 =	vld [tilespmem:s1+$0x40B0];
	v28 =	vshrl.u32 v16, $0xA;
	v31 =	vshll.u32 v16, $0x3  }
0x85: {  	[tilespmem:v20+s20+$0x0] =	vst.idx.add.s32.msk vm2, v3;
	v24 =	vor.u32 v30, v29;
	v29 =	vand.u32 $0x7F, v16;
	v30 =	vshrl.u32 v9, $0xA  }
0x86: {  	[tilespmem:v20+s21+$0x0] =	vst.idx.add.f32.msk vm2, v17;
	v20 =	vshll.u32 v6, $0x3;
	vm3 =	veq.s32 v30, v5;
	v17 =	vadd.s32 v2, v24  }
0x87: {  	[tilespmem:v23+s20+$0x0] =	vst.idx.add.s32.msk vm1, v3;
	v24 =	vshrl.u32 v6, $0xA;
	v30 =	vand.u32 $0x7F, v6;
	v20 =	vand.u32 $0x1C00, v20  }
0x88: {  	v31 =	vand.u32 $0x1C00, v31;
	[tilespmem:v23+s21+$0x0] =	vst.idx.add.f32.msk vm1, v11;
	v11 =	vor.u32 v30, v20;
	vm1 =	veq.s32 v24, v5  }
0x89: {  	vm2 =	veq.s32 v28, v5;
	v20 =	vor.u32 v29, v31;
	v11 =	vadd.s32 v2, v11  }
0x8a: {  	v23 =	vshll.u32 v22, $0x3;
	v20 =	vadd.s32 v2, v20;
	[tilespmem:v25+s20+$0x0] =	vst.idx.add.s32.msk vm0, v3  }
0x8b: {  	v23 =	vand.u32 $0x1C00, v23;
	v24 =	vshrl.u32 v22, $0xA;
	[tilespmem:v25+s21+$0x0] =	vst.idx.add.f32.msk vm0, v12;
	v12 =	vand.u32 $0x7F, v22  }
0x8c: {  	vm0 =	veq.s32 v24, v5;
	v12 =	vor.u32 v12, v23;
	[tilespmem:v17+s20+$0x0] =	vst.idx.add.s32.msk vm3, v3  }
0x8d: {  	v12 =	vadd.s32 v2, v12;
	[tilespmem:v17+s21+$0x0] =	vst.idx.add.f32.msk vm3, v14  }
0x8e: {  	[tilespmem:v11+s20+$0x0] =	vst.idx.add.s32.msk vm1, v3  }
0x8f: {  	[tilespmem:v20+s20+$0x0] =	vst.idx.add.s32.msk vm2, v3  }
0x90: {  	[tilespmem:v20+s21+$0x0] =	vst.idx.add.f32.msk vm2, v18  }
0x91: {  	[tilespmem:v11+s21+$0x0] =	vst.idx.add.f32.msk vm1, v15  }
0x92: {  	[tilespmem:v12+s20+$0x0] =	vst.idx.add.s32.msk vm0, v3  }
0x93: {  	s0 =	simm.s32 $0x0;
	v8 =	vadd.f32 v8, v27;
	[tilespmem:v12+s21+$0x0] =	vst.idx.add.f32.msk vm0, v13  }
0x94: {  	v11 =	vadd.f32 v21, v26;
	[tilespmem:s18], [sflag:$0x1] =	stream.linear.gather [hbm4b:s6+s0], $0x4000, $0x38;
	[tilespmem:$0x11980] =	vst v63  }
0x95: {  	v8 =	vadd.f32 v19, v8;
	_ =	swait.ge [sflag:s17], $0x4000  }
0x96: {  	s23 =	simm.s32 $0x0;
	s29 =	simm.s32 $0x0;
	v10 =	vadd.f32 v10, v11;
	vm0 =	vlt.s32 v22, v4;
	[sflag:s17] =	ssyncset.done $0x0  }
0x97: {  	s1 =	sand.u32 $0x3000, s23;
	s23 =	sand.u32 $0xC00, s0;
	v7 =	vadd.f32 v7, v8;
	v8 =	vsel vm0, $0x3F800000, v1;
	[sflag:s17] =	ssyncadd.s32 $0xFFFFC000  }
0x98: {  	vm1 =	vlt.s32 v16, v4;
	v8 =	vadd.f32 v8, v10;
	[tilespmem:s19], [sflag:$0x1] =	stream.linear.gather [hbm4b:s7+s0], $0x4000, $0x38;
	[tilespmem:$0x11980] =	vst v63  }
0x99: {  	s24 =	sand.u32 $0x380, s29;
	s1 =	sor.u32 s23, s1;
	v11 =	vsel vm1, $0x3F800000, v1;
	_ =	swait.ge [sflag:s17], $0x4000  }
0x9a: {  	s1 =	sor.u32 s24, s1;
	v10 =	vnsel vm0, $0x0, v13;
	vm0 =	vlt.s32 v6, v4;
	v6 =	vadd.f32 v11, v8;
	s0 =	sand.u32 $0x40, s0;
	[sflag:s17] =	ssyncset.done $0x0  }
0x9b: {  	v7 =	vadd.f32 v10, v7;
	v8 =	vsel vm0, $0x3F800000, v1;
	s1 =	sor.u32 s0, s1;
	[sflag:s17] =	ssyncadd.s32 $0xFFFFC000  }
0x9c: {  	v10 =	vnsel vm1, $0x0, v18;
	vm1 =	vlt.s32 v9, v4;
	v6 =	vadd.f32 v8, v6;
	v12 =	vld [tilespmem:s1+$0xB0]  }
0x9d: {  	v7 =	vadd.f32 v10, v7;
	v8 =	vsel vm1, $0x3F800000, v1;
	v9 =	vld [tilespmem:s1+$0x90]  }
0x9e: {  	v11 =	vnsel vm0, $0x0, v15;
	v18 =	vadd.f32 v8, v6;
	v6 =	vld [tilespmem:s1+$0xA0]  }
0x9f: {  	v7 =	vadd.f32 v11, v7;
	v15 =	vld [tilespmem:s1+$0x80]  }
0xa0: {  	v10 =	vnsel vm1, $0x0, v14  }
0xa1: {  	v26 =	vadd.f32 v10, v7;
	v11 =	vshll.u32 v12, $0x3;
	vm1 =	vlt.s32 v12, v4  }
0xa2: {  	v13 =	vshrl.u32 v9, $0xA;
	v10 =	vand.u32 $0x7F, v9;
	vm3 =	vlt.s32 v9, v4  }
0xa3: {  	s30 =	simm.s32 $0x40;
	s29 =	simm.s32 $0x200;
	v9 =	vshll.u32 v9, $0x3;
	v22 =	vshrl.u32 v6, $0xA;
	v17 =	vshll.u32 v6, $0x3  }
0xa4: {  	s31 =	sand.u32 $0xC00, s29;
	s0 =	sand.u32 $0x3000, s30;
	s30 =	simm.s32 $0x10;
	v16 =	vld [tilespmem:s1+$0x4090];
	v19 =	vand.u32 $0x7F, v6;
	v25 =	vand.u32 $0x7F, v15;
	v27 =	vshll.u32 v15, $0x3  }
0xa5: {  	s23 =	sor.u32 s31, s0;
	s30 =	sand.u32 $0x380, s30;
	s0 =	simm.s32 $0x40;
	v14 =	vld [tilespmem:s1+$0x40B0];
	vm4 =	vlt.s32 v15, v4;
	v8 =	vand.u32 $0x1C00, v11;
	v11 =	vand.u32 $0x7F, v12  }
0xa6: {  	s31 =	sand.u32 $0x40, s0;
	s23 =	sor.u32 s30, s23;
	v28 =	vshrl.u32 v15, $0xA;
	v12 =	vshrl.u32 v12, $0xA;
	v7 =	vor.u32 v11, v8;
	v11 =	vld [tilespmem:s1+$0x40A0]  }
0xa7: {  	v9 =	vand.u32 $0x1C00, v9;
	v17 =	vand.u32 $0x1C00, v17;
	vm0 =	veq.s32 v12, v5;
	v12 =	vld [tilespmem:s1+$0x4080];
	s1 =	sor.u32 s31, s23  }
0xa8: {  	vm2 =	veq.s32 v13, v5;
	v24 =	vadd.s32 v2, v7;
	v7 =	vor.u32 v10, v9;
	v9 =	vld [tilespmem:s1+$0xB0]  }
0xa9: {  	v27 =	vand.u32 $0x1C00, v27;
	v29 =	vsel vm4, $0x3F800000, v1;
	v23 =	vor.u32 v19, v17;
	v17 =	vld [tilespmem:s1+$0x90]  }
0xaa: {  	v31 =	vsel vm3, $0x3F800000, v1;
	v8 =	vnsel vm3, $0x0, v16;
	v10 =	vsel vm1, $0x3F800000, v1;
	v13 =	vld [tilespmem:s1+$0x4080]  }
0xab: {  	v15 =	vld [tilespmem:s1+$0x40A0];
	v20 =	vadd.s32 v2, v7;
	v7 =	vnsel vm1, $0x0, v14;
	vm1 =	vlt.s32 v6, v4  }
0xac: {  	v21 =	vsel vm1, $0x3F800000, v1;
	v19 =	vnsel vm1, $0x0, v11;
	vm1 =	veq.s32 v22, v5;
	v22 =	vld [tilespmem:s1+$0x80]  }
0xad: {  	v25 =	vor.u32 v25, v27;
	v30 =	vadd.f32 v29, v18;
	v23 =	vadd.s32 v2, v23;
	v18 =	vld [tilespmem:s1+$0x4090]  }
0xae: {  	v25 =	vadd.s32 v2, v25;
	v6 =	vld [tilespmem:s1+$0xA0];
	v32 =	vnsel vm4, $0x0, v12;
	v27 =	vshll.u32 v9, $0x3  }
0xaf: {  	s23 =	simm.s32 $0x4;
	[tilespmem:v24+s20+$0x0] =	vst.idx.add.s32.msk vm0, v3;
	v29 =	vand.u32 $0x1C00, v27;
	v27 =	vadd.f32 v32, v26;
	v26 =	vadd.f32 v31, v30  }
.LBB2_6:
0xb0: {  	s23 =	sadd.s32 $0x4, s23;
	v30 =	vand.u32 $0x7F, v9;
	vm5 =	vlt.s32 v9, v4;
	vm4 =	veq.s32 v28, v5;
	[tilespmem:v24+s21+$0x0] =	vst.idx.add.f32.msk vm0, v14  }
0xb1: {  	s29 =	sadd.s32 $0x200, s29;
	s30 =	sshll.u32 s23, $0x4;
	p0 =	slt.u32 s23, $0x3FC;
	v14 =	vld [tilespmem:s1+$0x40B0];
	v24 =	vor.u32 v30, v29;
	v27 =	vadd.f32 v8, v27;
	v21 =	vadd.f32 v21, v26;
	v26 =	vmovc v22  }
0xb2: {  	v28 =	vand.u32 $0x7F, v17;
	vm3 =	vlt.s32 v17, v4;
	s31 =	sshll.u32 s23, $0x2;
	v22 =	vshrl.u32 v17, $0xA;
	s1 =	sand.u32 $0x3000, s30;
	s30 =	sand.u32 $0xC00, s29;
	[tilespmem:v23+s20+$0x0] =	vst.idx.add.s32.msk vm1, v3  }
0xb3: {  	v9 =	vshrl.u32 v9, $0xA;
	s0 =	sadd.s32 $0x40, s0;
	s1 =	sor.u32 s30, s1;
	s30 =	sand.u32 $0x380, s31;
	v8 =	vnsel vm3, $0x0, v18;
	[tilespmem:v20+s20+$0x0] =	vst.idx.add.s32.msk vm2, v3;
	v19 =	vadd.f32 v19, v27  }
0xb4: {  	v17 =	vshll.u32 v17, $0x3;
	vm0 =	veq.s32 v9, v5;
	s31 =	sand.u32 $0x40, s0;
	v27 =	vadd.f32 v10, v21;
	s1 =	sor.u32 s30, s1;
	[tilespmem:v20+s21+$0x0] =	vst.idx.add.f32.msk vm2, v16  }
0xb5: {  	v9 =	vand.u32 $0x1C00, v17;
	v24 =	vadd.s32 v2, v24;
	s1 =	sor.u32 s31, s1;
	[tilespmem:v23+s21+$0x0] =	vst.idx.add.f32.msk vm1, v11;
	v30 =	vadd.f32 v7, v19  }
0xb6: {  	v17 =	vshll.u32 v6, $0x3;
	v7 =	vor.u32 v28, v9;
	v23 =	vshrl.u32 v6, $0xA;
	v11 =	vmovc v15;
	[tilespmem:v25+s20+$0x0] =	vst.idx.add.s32.msk vm4, v3  }
0xb7: {  	v10 =	vsel vm5, $0x3F800000, v1;
	v20 =	vadd.s32 v2, v7;
	v7 =	vnsel vm5, $0x0, v14;
	[tilespmem:v25+s21+$0x0] =	vst.idx.add.f32.msk vm4, v12;
	v12 =	vmovc v13  }
0xb8: {  	v16 =	vmovc v18;
	v15 =	vand.u32 $0x1C00, v17;
	vm1 =	vlt.s32 v6, v4;
	v13 =	vand.u32 $0x7F, v6;
	v9 =	vld [tilespmem:s1+$0xB0]  }
0xb9: {  	v19 =	vnsel vm1, $0x0, v11;
	v21 =	vsel vm1, $0x3F800000, v1;
	v13 =	vor.u32 v13, v15;
	v6 =	vld [tilespmem:s1+$0xA0]  }
0xba: {  	vm2 =	veq.s32 v22, v5;
	vm1 =	veq.s32 v23, v5;
	v23 =	vadd.s32 v2, v13;
	v17 =	vld [tilespmem:s1+$0x90]  }
.Ltmp2:
0xbb: {  	v18 =	vand.u32 $0x7F, v26;
	vm4 =	vlt.s32 v26, v4;
	v15 =	vshll.u32 v26, $0x3;
	v22 =	vld [tilespmem:s1+$0x80];
	(pc) =	sbr.rel @p0 .LBB2_6-.Ltmp2, $4  }
0xbc: {  	v28 =	vshrl.u32 v26, $0xA;
	v26 =	vsel vm4, $0x3F800000, v1;
	v25 =	vand.u32 $0x1C00, v15;
	v13 =	vld [tilespmem:s1+$0x4080]  }
0xbd: {  	v31 =	vsel vm3, $0x3F800000, v1;
	v26 =	vadd.f32 v26, v27;
	v25 =	vor.u32 v18, v25;
	v15 =	vld [tilespmem:s1+$0x40A0]  }
0xbe: {  	v32 =	vnsel vm4, $0x0, v12;
	v25 =	vadd.s32 v2, v25;
	v27 =	vshll.u32 v9, $0x3;
	v18 =	vld [tilespmem:s1+$0x4090]  }
0xbf: {  	v26 =	vadd.f32 v31, v26;
	v29 =	vand.u32 $0x1C00, v27;
	v27 =	vadd.f32 v32, v30;
	[tilespmem:v24+s20+$0x0] =	vst.idx.add.s32.msk vm0, v3  }
0xc0: {  	_ =	sdelay $0x4  }
0xc1: {  	v30 =	vand.u32 $0x7F, v9;
	[tilespmem:v24+s21+$0x0] =	vst.idx.add.f32.msk vm0, v14  }
0xc2: {  	vm0 =	veq.s32 v28, v5;
	v14 =	vld [tilespmem:s1+$0x40B0];
	v28 =	vshrl.u32 v17, $0xA;
	v31 =	vshll.u32 v17, $0x3  }
0xc3: {  	[tilespmem:v20+s20+$0x0] =	vst.idx.add.s32.msk vm2, v3;
	v24 =	vor.u32 v30, v29;
	v29 =	vand.u32 $0x7F, v17;
	v30 =	vshrl.u32 v9, $0xA  }
0xc4: {  	[tilespmem:v20+s21+$0x0] =	vst.idx.add.f32.msk vm2, v16;
	v20 =	vshll.u32 v6, $0x3;
	vm3 =	veq.s32 v30, v5;
	v16 =	vadd.s32 v2, v24  }
0xc5: {  	[tilespmem:v23+s20+$0x0] =	vst.idx.add.s32.msk vm1, v3;
	v24 =	vshrl.u32 v6, $0xA;
	v30 =	vand.u32 $0x7F, v6;
	v20 =	vand.u32 $0x1C00, v20  }
0xc6: {  	v31 =	vand.u32 $0x1C00, v31;
	[tilespmem:v23+s21+$0x0] =	vst.idx.add.f32.msk vm1, v11;
	v11 =	vor.u32 v30, v20;
	vm1 =	veq.s32 v24, v5  }
0xc7: {  	vm2 =	veq.s32 v28, v5;
	v20 =	vor.u32 v29, v31;
	v11 =	vadd.s32 v2, v11  }
0xc8: {  	v23 =	vshll.u32 v22, $0x3;
	v20 =	vadd.s32 v2, v20;
	[tilespmem:v25+s20+$0x0] =	vst.idx.add.s32.msk vm0, v3  }
0xc9: {  	v23 =	vand.u32 $0x1C00, v23;
	v24 =	vshrl.u32 v22, $0xA;
	[tilespmem:v25+s21+$0x0] =	vst.idx.add.f32.msk vm0, v12;
	v12 =	vand.u32 $0x7F, v22  }
0xca: {  	vm0 =	veq.s32 v24, v5;
	v12 =	vor.u32 v12, v23;
	[tilespmem:v16+s20+$0x0] =	vst.idx.add.s32.msk vm3, v3  }
0xcb: {  	v12 =	vadd.s32 v2, v12;
	[tilespmem:v16+s21+$0x0] =	vst.idx.add.f32.msk vm3, v14  }
0xcc: {  	[tilespmem:v11+s20+$0x0] =	vst.idx.add.s32.msk vm1, v3  }
0xcd: {  	[tilespmem:v20+s20+$0x0] =	vst.idx.add.s32.msk vm2, v3  }
0xce: {  	[tilespmem:v20+s21+$0x0] =	vst.idx.add.f32.msk vm2, v18  }
0xcf: {  	[tilespmem:v11+s21+$0x0] =	vst.idx.add.f32.msk vm1, v15  }
0xd0: {  	[tilespmem:v12+s20+$0x0] =	vst.idx.add.s32.msk vm0, v3  }
0xd1: {  	s0 =	simm.s32 $0x0;
	v8 =	vadd.f32 v8, v27;
	[tilespmem:v12+s21+$0x0] =	vst.idx.add.f32.msk vm0, v13  }
0xd2: {  	v11 =	vadd.f32 v21, v26;
	[tilespmem:s18], [sflag:$0x1] =	stream.linear.gather [hbm4b:s8+s0], $0x4000, $0x38;
	[tilespmem:$0x11980] =	vst v63  }
0xd3: {  	v8 =	vadd.f32 v19, v8;
	_ =	swait.ge [sflag:s17], $0x4000  }
0xd4: {  	s23 =	simm.s32 $0x0;
	s29 =	simm.s32 $0x0;
	v10 =	vadd.f32 v10, v11;
	vm0 =	vlt.s32 v22, v4;
	[sflag:s17] =	ssyncset.done $0x0  }
0xd5: {  	s1 =	sand.u32 $0x3000, s23;
	s23 =	sand.u32 $0xC00, s0;
	v7 =	vadd.f32 v7, v8;
	v8 =	vsel vm0, $0x3F800000, v1;
	[sflag:s17] =	ssyncadd.s32 $0xFFFFC000  }
0xd6: {  	vm1 =	vlt.s32 v17, v4;
	v8 =	vadd.f32 v8, v10;
	[tilespmem:s19], [sflag:$0x1] =	stream.linear.gather [hbm4b:s9+s0], $0x4000, $0x38;
	[tilespmem:$0x11980] =	vst v63  }
0xd7: {  	s24 =	sand.u32 $0x380, s29;
	s1 =	sor.u32 s23, s1;
	v12 =	vsel vm1, $0x3F800000, v1;
	_ =	swait.ge [sflag:s17], $0x4000  }
0xd8: {  	s1 =	sor.u32 s24, s1;
	v10 =	vnsel vm0, $0x0, v13;
	vm0 =	vlt.s32 v6, v4;
	v6 =	vadd.f32 v12, v8;
	s0 =	sand.u32 $0x40, s0;
	[sflag:s17] =	ssyncset.done $0x0  }
0xd9: {  	v7 =	vadd.f32 v10, v7;
	v8 =	vsel vm0, $0x3F800000, v1;
	s1 =	sor.u32 s0, s1;
	[sflag:s17] =	ssyncadd.s32 $0xFFFFC000  }
0xda: {  	v10 =	vnsel vm1, $0x0, v18;
	vm1 =	vlt.s32 v9, v4;
	v6 =	vadd.f32 v8, v6;
	v11 =	vld [tilespmem:s1+$0xB0]  }
0xdb: {  	v7 =	vadd.f32 v10, v7;
	v8 =	vsel vm1, $0x3F800000, v1;
	v9 =	vld [tilespmem:s1+$0x90]  }
0xdc: {  	v12 =	vnsel vm0, $0x0, v15;
	v18 =	vadd.f32 v8, v6;
	v6 =	vld [tilespmem:s1+$0xA0]  }
0xdd: {  	v7 =	vadd.f32 v12, v7;
	v17 =	vld [tilespmem:s1+$0x80]  }
0xde: {  	v10 =	vnsel vm1, $0x0, v14  }
0xdf: {  	v26 =	vadd.f32 v10, v7;
	v12 =	vshll.u32 v11, $0x3;
	vm1 =	vlt.s32 v11, v4  }
0xe0: {  	v14 =	vld [tilespmem:s1+$0x4090];
	v16 =	vshrl.u32 v9, $0xA;
	v10 =	vand.u32 $0x7F, v9;
	vm3 =	vlt.s32 v9, v4  }
0xe1: {  	s30 =	simm.s32 $0x40;
	s29 =	simm.s32 $0x200;
	v9 =	vshll.u32 v9, $0x3;
	v22 =	vshrl.u32 v6, $0xA;
	v15 =	vshll.u32 v6, $0x3  }
0xe2: {  	s31 =	sand.u32 $0xC00, s29;
	s0 =	sand.u32 $0x3000, s30;
	s30 =	simm.s32 $0x10;
	v19 =	vand.u32 $0x7F, v6;
	v25 =	vand.u32 $0x7F, v17;
	v27 =	vshll.u32 v17, $0x3  }
0xe3: {  	s23 =	sor.u32 s31, s0;
	s30 =	sand.u32 $0x380, s30;
	s0 =	simm.s32 $0x40;
	v13 =	vld [tilespmem:s1+$0x40B0];
	vm4 =	vlt.s32 v17, v4;
	v8 =	vand.u32 $0x1C00, v12;
	v12 =	vand.u32 $0x7F, v11  }
0xe4: {  	s31 =	sand.u32 $0x40, s0;
	s23 =	sor.u32 s30, s23;
	v28 =	vshrl.u32 v17, $0xA;
	v11 =	vshrl.u32 v11, $0xA;
	v8 =	vor.u32 v12, v8;
	v12 =	vld [tilespmem:s1+$0x40A0]  }
0xe5: {  	v7 =	vnsel vm3, $0x0, v14;
	v9 =	vand.u32 $0x1C00, v9;
	vm0 =	veq.s32 v11, v5;
	v11 =	vld [tilespmem:s1+$0x4080];
	s1 =	sor.u32 s31, s23  }
0xe6: {  	v15 =	vand.u32 $0x1C00, v15;
	v23 =	vadd.s32 v2, v8;
	v8 =	vor.u32 v10, v9;
	v9 =	vld [tilespmem:s1+$0xB0]  }
0xe7: {  	vm2 =	veq.s32 v16, v5;
	v27 =	vand.u32 $0x1C00, v27;
	v24 =	vor.u32 v19, v15;
	v15 =	vld [tilespmem:s1+$0x90]  }
0xe8: {  	v29 =	vsel vm4, $0x3F800000, v1;
	v31 =	vsel vm3, $0x3F800000, v1;
	v10 =	vsel vm1, $0x3F800000, v1;
	v16 =	vld [tilespmem:s1+$0x4080]  }
0xe9: {  	v17 =	vld [tilespmem:s1+$0x40A0];
	v20 =	vadd.s32 v2, v8;
	v8 =	vnsel vm1, $0x0, v13;
	vm1 =	vlt.s32 v6, v4  }
0xea: {  	v21 =	vsel vm1, $0x3F800000, v1;
	v19 =	vnsel vm1, $0x0, v12;
	vm1 =	veq.s32 v22, v5;
	v22 =	vld [tilespmem:s1+$0x80]  }
0xeb: {  	v25 =	vor.u32 v25, v27;
	v30 =	vadd.f32 v29, v18;
	v24 =	vadd.s32 v2, v24;
	v18 =	vld [tilespmem:s1+$0x4090]  }
0xec: {  	v25 =	vadd.s32 v2, v25;
	v6 =	vld [tilespmem:s1+$0xA0];
	v32 =	vnsel vm4, $0x0, v11;
	v27 =	vshll.u32 v9, $0x3  }
0xed: {  	s23 =	simm.s32 $0x4;
	[tilespmem:v23+s20+$0x0] =	vst.idx.add.s32.msk vm0, v3;
	v29 =	vand.u32 $0x1C00, v27;
	v27 =	vadd.f32 v32, v26;
	v26 =	vadd.f32 v31, v30  }
.LBB2_8:
0xee: {  	s23 =	sadd.s32 $0x4, s23;
	v30 =	vand.u32 $0x7F, v9;
	vm5 =	vlt.s32 v9, v4;
	vm4 =	veq.s32 v28, v5;
	[tilespmem:v23+s21+$0x0] =	vst.idx.add.f32.msk vm0, v13  }
0xef: {  	s29 =	sadd.s32 $0x200, s29;
	s30 =	sshll.u32 s23, $0x4;
	p0 =	slt.u32 s23, $0x3FC;
	v13 =	vld [tilespmem:s1+$0x40B0];
	v23 =	vor.u32 v30, v29;
	v27 =	vadd.f32 v7, v27;
	v21 =	vadd.f32 v21, v26;
	v26 =	vmovc v22  }
0xf0: {  	v28 =	vand.u32 $0x7F, v15;
	vm3 =	vlt.s32 v15, v4;
	s31 =	sshll.u32 s23, $0x2;
	v22 =	vshrl.u32 v15, $0xA;
	s1 =	sand.u32 $0x3000, s30;
	s30 =	sand.u32 $0xC00, s29;
	[tilespmem:v24+s20+$0x0] =	vst.idx.add.s32.msk vm1, v3  }
0xf1: {  	v9 =	vshrl.u32 v9, $0xA;
	s0 =	sadd.s32 $0x40, s0;
	s1 =	sor.u32 s30, s1;
	s30 =	sand.u32 $0x380, s31;
	v7 =	vnsel vm3, $0x0, v18;
	[tilespmem:v20+s20+$0x0] =	vst.idx.add.s32.msk vm2, v3;
	v19 =	vadd.f32 v19, v27  }
0xf2: {  	v15 =	vshll.u32 v15, $0x3;
	vm0 =	veq.s32 v9, v5;
	s31 =	sand.u32 $0x40, s0;
	v27 =	vadd.f32 v10, v21;
	s1 =	sor.u32 s30, s1;
	[tilespmem:v20+s21+$0x0] =	vst.idx.add.f32.msk vm2, v14  }
0xf3: {  	v9 =	vand.u32 $0x1C00, v15;
	v23 =	vadd.s32 v2, v23;
	s1 =	sor.u32 s31, s1;
	[tilespmem:v24+s21+$0x0] =	vst.idx.add.f32.msk vm1, v12;
	v30 =	vadd.f32 v8, v19  }
0xf4: {  	v8 =	vor.u32 v28, v9;
	v24 =	vshrl.u32 v6, $0xA;
	v19 =	vshll.u32 v6, $0x3;
	v12 =	vmovc v17;
	[tilespmem:v25+s20+$0x0] =	vst.idx.add.s32.msk vm4, v3  }
0xf5: {  	v10 =	vsel vm5, $0x3F800000, v1;
	v20 =	vadd.s32 v2, v8;
	v8 =	vnsel vm5, $0x0, v13;
	[tilespmem:v25+s21+$0x0] =	vst.idx.add.f32.msk vm4, v11;
	v11 =	vmovc v16  }
0xf6: {  	v15 =	vand.u32 $0x7F, v6;
	v14 =	vmovc v18;
	vm1 =	vlt.s32 v6, v4;
	v16 =	vand.u32 $0x1C00, v19;
	v9 =	vld [tilespmem:s1+$0xB0]  }
0xf7: {  	v21 =	vsel vm1, $0x3F800000, v1;
	v19 =	vnsel vm1, $0x0, v12;
	v16 =	vor.u32 v15, v16;
	v6 =	vld [tilespmem:s1+$0xA0]  }
0xf8: {  	vm2 =	veq.s32 v22, v5;
	vm1 =	veq.s32 v24, v5;
	v24 =	vadd.s32 v2, v16;
	v15 =	vld [tilespmem:s1+$0x90]  }
.Ltmp3:
0xf9: {  	v18 =	vand.u32 $0x7F, v26;
	v17 =	vshll.u32 v26, $0x3;
	vm4 =	vlt.s32 v26, v4;
	v22 =	vld [tilespmem:s1+$0x80];
	(pc) =	sbr.rel @p0 .LBB2_8-.Ltmp3, $4  }
0xfa: {  	v28 =	vshrl.u32 v26, $0xA;
	v25 =	vand.u32 $0x1C00, v17;
	v26 =	vsel vm4, $0x3F800000, v1;
	v16 =	vld [tilespmem:s1+$0x4080]  }
0xfb: {  	v31 =	vsel vm3, $0x3F800000, v1;
	v25 =	vor.u32 v18, v25;
	v26 =	vadd.f32 v26, v27;
	v17 =	vld [tilespmem:s1+$0x40A0]  }
0xfc: {  	v32 =	vnsel vm4, $0x0, v11;
	v25 =	vadd.s32 v2, v25;
	v27 =	vshll.u32 v9, $0x3;
	v18 =	vld [tilespmem:s1+$0x4090]  }
0xfd: {  	v26 =	vadd.f32 v31, v26;
	v29 =	vand.u32 $0x1C00, v27;
	v27 =	vadd.f32 v32, v30;
	[tilespmem:v23+s20+$0x0] =	vst.idx.add.s32.msk vm0, v3  }
0xfe: {  	_ =	sdelay $0x4  }
0xff: {  	[tilespmem:v23+s21+$0x0] =	vst.idx.add.f32.msk vm0, v13  }
0x100: {  	v30 =	vand.u32 $0x7F, v9;
	vm0 =	veq.s32 v28, v5;
	[tilespmem:v24+s20+$0x0] =	vst.idx.add.s32.msk vm1, v3  }
0x101: {  	v23 =	vshrl.u32 v15, $0xA;
	v60 =	vand.u32 $0x7F, v15;
	v61 =	vshrl.u32 v9, $0xA;
	[tilespmem:v20+s20+$0x0] =	vst.idx.add.s32.msk vm2, v3  }
0x102: {  	v62 =	vshll.u32 v15, $0x3;
	v13 =	vor.u32 v30, v29;
	vm3 =	veq.s32 v61, v5;
	[tilespmem:v20+s21+$0x0] =	vst.idx.add.f32.msk vm2, v14  }
0x103: {  	v14 =	vshll.u32 v6, $0x3;
	[tilespmem:v24+s21+$0x0] =	vst.idx.add.f32.msk vm1, v12;
	v12 =	vshrl.u32 v6, $0xA;
	v20 =	vand.u32 $0x7F, v6  }
0x104: {  	v63 =	vand.u32 $0x1C00, v62;
	vm2 =	veq.s32 v23, v5;
	v13 =	vadd.s32 v2, v13  }
0x105: {  	v24 =	vld [tilespmem:s1+$0x40B0];
	v14 =	vand.u32 $0x1C00, v14;
	vm1 =	veq.s32 v12, v5;
	v12 =	vor.u32 v60, v63  }
0x106: {  	v14 =	vor.u32 v20, v14;
	v12 =	vadd.s32 v2, v12  }
0x107: {  	v20 =	vshll.u32 v22, $0x3;
	v14 =	vadd.s32 v2, v14;
	[tilespmem:v25+s20+$0x0] =	vst.idx.add.s32.msk vm0, v3  }
0x108: {  	v23 =	vshrl.u32 v22, $0xA;
	v20 =	vand.u32 $0x1C00, v20;
	[tilespmem:v25+s21+$0x0] =	vst.idx.add.f32.msk vm0, v11;
	v11 =	vand.u32 $0x7F, v22  }
0x109: {  	[tilespmem:v13+s20+$0x0] =	vst.idx.add.s32.msk vm3, v3;
	vm0 =	veq.s32 v23, v5;
	v11 =	vor.u32 v11, v20  }
0x10a: {  	[tilespmem:v13+s21+$0x0] =	vst.idx.add.f32.msk vm3, v24;
	v11 =	vadd.s32 v2, v11  }
0x10b: {  	[tilespmem:v12+s20+$0x0] =	vst.idx.add.s32.msk vm2, v3  }
0x10c: {  	[tilespmem:v14+s20+$0x0] =	vst.idx.add.s32.msk vm1, v3  }
0x10d: {  	[tilespmem:v12+s21+$0x0] =	vst.idx.add.f32.msk vm2, v18  }
0x10e: {  	[tilespmem:v14+s21+$0x0] =	vst.idx.add.f32.msk vm1, v17  }
0x10f: {  	[tilespmem:v11+s20+$0x0] =	vst.idx.add.s32.msk vm0, v3  }
0x110: {  	s29 =	simm.s32 $0x0;
	[tilespmem:v11+s21+$0x0] =	vst.idx.add.f32.msk vm0, v16  }
0x111: {  	[tilespmem:s18], [sflag:$0x1] =	stream.linear.gather [hbm4b:s10+s29], $0x4000, $0x38;
	[tilespmem:$0x11980] =	vst v63  }
0x112: {  	_ =	swait.ge [sflag:s17], $0x4000  }
0x113: {  	s0 =	simm.s32 $0x0;
	s24 =	simm.s32 $0x0;
	v7 =	vadd.f32 v7, v27;
	[sflag:s17] =	ssyncset.done $0x0  }
0x114: {  	s0 =	sand.u32 $0x3000, s0;
	s23 =	sand.u32 $0xC00, s29;
	v11 =	vadd.f32 v21, v26;
	[sflag:s17] =	ssyncadd.s32 $0xFFFFC000  }
0x115: {  	v7 =	vadd.f32 v19, v7;
	[tilespmem:s19], [sflag:$0x1] =	stream.linear.gather [hbm4b:s11+s29], $0x4000, $0x38;
	[tilespmem:$0x11980] =	vst v63  }
0x116: {  	s1 =	sand.u32 $0x380, s24;
	s0 =	sor.u32 s23, s0;
	vm0 =	vlt.s32 v22, v4;
	v10 =	vadd.f32 v10, v11;
	_ =	swait.ge [sflag:s17], $0x4000  }
0x117: {  	s31 =	sand.u32 $0x40, s29;
	s0 =	sor.u32 s1, s0;
	v7 =	vadd.f32 v8, v7;
	v8 =	vsel vm0, $0x3F800000, v1;
	[sflag:s17] =	ssyncset.done $0x0  }
0x118: {  	s0 =	sor.u32 s31, s0;
	v11 =	vnsel vm0, $0x0, v16;
	vm0 =	vlt.s32 v15, v4;
	v8 =	vadd.f32 v8, v10;
	[sflag:s17] =	ssyncadd.s32 $0xFFFFC000  }
0x119: {  	v7 =	vadd.f32 v11, v7;
	v12 =	vsel vm0, $0x3F800000, v1;
	v10 =	vld [tilespmem:s0+$0x80]  }
0x11a: {  	v11 =	vnsel vm0, $0x0, v18;
	vm0 =	vlt.s32 v6, v4;
	v6 =	vadd.f32 v12, v8;
	v13 =	vld [tilespmem:s0+$0xB0]  }
0x11b: {  	v7 =	vadd.f32 v11, v7;
	v12 =	vsel vm0, $0x3F800000, v1;
	v11 =	vld [tilespmem:s0+$0xA0]  }
0x11c: {  	v8 =	vnsel vm0, $0x0, v17;
	v6 =	vadd.f32 v12, v6;
	v12 =	vld [tilespmem:s0+$0x90]  }
0x11d: {  	vm0 =	vlt.s32 v9, v4;
	v7 =	vadd.f32 v8, v7  }
0x11e: {  	v9 =	vnsel vm0, $0x0, v24;
	v14 =	vsel vm0, $0x3F800000, v1;
	v8 =	vld [tilespmem:s0+$0x4080]  }
0x11f: {  	v6 =	vadd.f32 v14, v6;
	v14 =	vadd.f32 v9, v7;
	v9 =	vld [tilespmem:s0+$0x40A0];
	vm2 =	vlt.s32 v10, v4  }
0x120: {  	v15 =	vshll.u32 v10, $0x3;
	v16 =	vshll.u32 v11, $0x3;
	v17 =	vshll.u32 v13, $0x3  }
0x121: {  	vm0 =	vlt.s32 v11, v4;
	v18 =	vand.u32 $0x7F, v13;
	vm4 =	vlt.s32 v12, v4  }
0x122: {  	v7 =	vld [tilespmem:s0+$0x4090];
	vm1 =	vlt.s32 v13, v4;
	v19 =	vand.u32 $0x7F, v10;
	v13 =	vshrl.u32 v13, $0xA  }
0x123: {  	v10 =	vshrl.u32 v10, $0xA;
	v24 =	vshrl.u32 v11, $0xA;
	v15 =	vand.u32 $0x1C00, v15  }
0x124: {  	s30 =	simm.s32 $0x200;
	s23 =	simm.s32 $0x40;
	v17 =	vand.u32 $0x1C00, v17;
	v20 =	vnsel vm2, $0x0, v8;
	v21 =	vnsel vm0, $0x0, v9  }
0x125: {  	s24 =	simm.s32 $0x10;
	s1 =	sand.u32 $0x3000, s23;
	s31 =	sand.u32 $0xC00, s30;
	v22 =	vand.u32 $0x1C00, v16;
	vm3 =	veq.s32 v13, v5;
	v16 =	vsel vm4, $0x3F800000, v1  }
0x126: {  	s24 =	sand.u32 $0x380, s24;
	s1 =	sor.u32 s31, s1;
	v17 =	vor.u32 v18, v17;
	v18 =	vld [tilespmem:s0+$0x40B0];
	v14 =	vadd.f32 v20, v14;
	v20 =	vsel vm2, $0x3F800000, v1;
	s0 =	simm.s32 $0x40  }
0x127: {  	s1 =	sor.u32 s24, s1;
	v23 =	vsel vm1, $0x3F800000, v1;
	v6 =	vadd.f32 v20, v6;
	v20 =	vnsel vm4, $0x0, v7;
	s31 =	sand.u32 $0x40, s0  }
0x128: {  	vm5 =	veq.s32 v24, v5;
	v15 =	vor.u32 v19, v15;
	s1 =	sor.u32 s31, s1;
	v13 =	vadd.f32 v20, v14  }
0x129: {  	v20 =	vadd.s32 v2, v17;
	v14 =	vadd.s32 v2, v15;
	v19 =	vld [tilespmem:s1+$0x80];
	v15 =	vadd.f32 v16, v6  }
0x12a: {  	vm2 =	veq.s32 v10, v5;
	v10 =	vand.u32 $0x7F, v11;
	v16 =	vsel vm0, $0x3F800000, v1;
	v6 =	vld [tilespmem:s1+$0xB0]  }
0x12b: {  	v22 =	vor.u32 v10, v22;
	v10 =	vld [tilespmem:s1+$0x4080];
	v25 =	vadd.f32 v21, v13;
	v13 =	vadd.f32 v16, v15  }
0x12c: {  	v22 =	vadd.s32 v2, v22;
	v21 =	vshll.u32 v12, $0x3;
	v17 =	vnsel vm1, $0x0, v18;
	v16 =	vld [tilespmem:s1+$0xA0]  }
0x12d: {  	v15 =	vld [tilespmem:s1+$0x90];
	v21 =	vand.u32 $0x1C00, v21;
	v17 =	vadd.f32 v17, v25;
	v11 =	vadd.f32 v23, v13  }
0x12e: {  	[tilespmem:v20+s20+$0x0] =	vst.idx.add.s32.msk vm3, v3;
	v13 =	vand.u32 $0x7F, v12;
	v12 =	vshrl.u32 v12, $0xA;
	vm1 =	vlt.s32 v19, v4  }
0x12f: {  	v21 =	vor.u32 v13, v21;
	v13 =	vld [tilespmem:s1+$0x40A0];
	vm4 =	veq.s32 v12, v5;
	v24 =	vshll.u32 v19, $0x3  }
0x130: {  	v12 =	vld [tilespmem:s1+$0x4090];
	v26 =	vshll.u32 v6, $0x3;
	v25 =	vand.u32 $0x7F, v6;
	v21 =	vadd.s32 v2, v21  }
0x131: {  	s23 =	simm.s32 $0x4;
	[tilespmem:v14+s20+$0x0] =	vst.idx.add.s32.msk vm2, v3;
	v24 =	vand.u32 $0x1C00, v24;
	v23 =	vshll.u32 v16, $0x3;
	vm0 =	vlt.s32 v16, v4  }
.LBB2_10:
0x132: {  	s23 =	sadd.s32 $0x4, s23;
	vm7 =	vlt.s32 v15, v4;
	v27 =	vld [tilespmem:s1+$0x40B0];
	v26 =	vand.u32 $0x1C00, v26;
	vm6 =	vlt.s32 v6, v4;
	v28 =	vmovc v15  }
0x133: {  	v15 =	vand.u32 $0x7F, v19;
	s30 =	sadd.s32 $0x200, s30;
	s1 =	sshll.u32 s23, $0x4;
	s31 =	sshll.u32 s23, $0x2;
	v29 =	vnsel vm1, $0x0, v10;
	v25 =	vor.u32 v25, v26;
	[tilespmem:v20+s21+$0x0] =	vst.idx.add.f32.msk vm3, v18  }
0x134: {  	s24 =	sand.u32 $0xC00, s30;
	p0 =	slt.u32 s23, $0x3FC;
	v18 =	vsel vm1, $0x3F800000, v1;
	s1 =	sand.u32 $0x3000, s1;
	v17 =	vadd.f32 v29, v17;
	v26 =	vnsel vm0, $0x0, v13;
	[tilespmem:v22+s20+$0x0] =	vst.idx.add.s32.msk vm5, v3  }
0x135: {  	v6 =	vshrl.u32 v6, $0xA;
	s0 =	sadd.s32 $0x40, s0;
	v11 =	vadd.f32 v18, v11;
	s1 =	sor.u32 s24, s1;
	s24 =	sand.u32 $0x380, s31;
	v18 =	vnsel vm7, $0x0, v12;
	[tilespmem:v22+s21+$0x0] =	vst.idx.add.f32.msk vm5, v9;
	v9 =	vmovc v13  }
0x136: {  	vm3 =	veq.s32 v6, v5;
	s31 =	sand.u32 $0x40, s0;
	v13 =	vor.u32 v15, v24;
	v15 =	vand.u32 $0x1C00, v23;
	s1 =	sor.u32 s24, s1;
	[tilespmem:v21+s20+$0x0] =	vst.idx.add.s32.msk vm4, v3  }
0x137: {  	v6 =	vsel vm7, $0x3F800000, v1;
	v20 =	vadd.s32 v2, v25;
	v17 =	vadd.f32 v18, v17;
	s1 =	sor.u32 s31, s1;
	[tilespmem:v14+s21+$0x0] =	vst.idx.add.f32.msk vm2, v8  }
0x138: {  	v11 =	vadd.f32 v6, v11;
	v14 =	vadd.s32 v2, v13;
	v13 =	vsel vm0, $0x3F800000, v1;
	v8 =	vmovc v10;
	v22 =	vld [tilespmem:s1+$0x80];
	v18 =	vmovc v27  }
0x139: {  	v10 =	vshrl.u32 v19, $0xA;
	v19 =	vsel vm6, $0x3F800000, v1;
	v23 =	vnsel vm6, $0x0, v18;
	[tilespmem:v21+s21+$0x0] =	vst.idx.add.f32.msk vm4, v7;
	v7 =	vmovc v12  }
0x13a: {  	v17 =	vadd.f32 v26, v17;
	v11 =	vadd.f32 v13, v11;
	v12 =	vshrl.u32 v16, $0xA;
	v6 =	vld [tilespmem:s1+$0xB0]  }
0x13b: {  	vm2 =	veq.s32 v10, v5;
	v10 =	vand.u32 $0x7F, v16;
	vm5 =	veq.s32 v12, v5;
	v16 =	vld [tilespmem:s1+$0xA0]  }
0x13c: {  	v13 =	vor.u32 v10, v15;
	v12 =	vshll.u32 v28, $0x3;
	v11 =	vadd.f32 v19, v11;
	[tilespmem:v20+s20+$0x0] =	vst.idx.add.s32.msk vm3, v3  }
.Ltmp4:
0x13d: {  	v21 =	vand.u32 $0x7F, v28;
	v12 =	vand.u32 $0x1C00, v12;
	vm1 =	vlt.s32 v22, v4;
	v15 =	vld [tilespmem:s1+$0x90];
	v19 =	vmovc v22;
	(pc) =	sbr.rel @p0 .LBB2_10-.Ltmp4, $4  }
0x13e: {  	v24 =	vshrl.u32 v28, $0xA;
	v12 =	vor.u32 v21, v12;
	v22 =	vadd.s32 v2, v13;
	v10 =	vld [tilespmem:s1+$0x4080]  }
0x13f: {  	vm4 =	veq.s32 v24, v5;
	v17 =	vadd.f32 v23, v17;
	v21 =	vadd.s32 v2, v12;
	v13 =	vld [tilespmem:s1+$0x40A0]  }
0x140: {  	v24 =	vshll.u32 v19, $0x3;
	v26 =	vshll.u32 v6, $0x3;
	v12 =	vld [tilespmem:s1+$0x4090];
	v23 =	vshll.u32 v16, $0x3  }
0x141: {  	v24 =	vand.u32 $0x1C00, v24;
	v25 =	vand.u32 $0x7F, v6;
	vm0 =	vlt.s32 v16, v4;
	[tilespmem:v14+s20+$0x0] =	vst.idx.add.s32.msk vm2, v3  }
0x142: {  	_ =	sdelay $0x3  }
0x143: {  	v26 =	vand.u32 $0x1C00, v26  }
0x144: {  	v27 =	vand.u32 $0x7F, v19;
	v59 =	vshrl.u32 v6, $0xA;
	[tilespmem:v20+s21+$0x0] =	vst.idx.add.f32.msk vm3, v18;
	v60 =	vand.u32 $0x1C00, v23  }
0x145: {  	v61 =	vshrl.u32 v19, $0xA;
	[tilespmem:v22+s20+$0x0] =	vst.idx.add.s32.msk vm5, v3;
	v25 =	vor.u32 v25, v26;
	vm11 =	veq.s32 v59, v5  }
0x146: {  	v28 =	vld [tilespmem:s1+$0x40B0];
	v24 =	vor.u32 v27, v24;
	vm6 =	veq.s32 v61, v5;
	v62 =	vadd.s32 v2, v25  }
0x147: {  	v63 =	vshrl.u32 v16, $0xA;
	[tilespmem:v21+s20+$0x0] =	vst.idx.add.s32.msk vm4, v3;
	v26 =	vand.u32 $0x7F, v16;
	v25 =	vadd.s32 v2, v24  }
0x148: {  	[tilespmem:v14+s21+$0x0] =	vst.idx.add.f32.msk vm2, v8;
	vm12 =	veq.s32 v63, v5;
	v16 =	vor.u32 v26, v60  }
0x149: {  	[tilespmem:v22+s21+$0x0] =	vst.idx.add.f32.msk vm5, v9;
	v27 =	vshll.u32 v15, $0x3;
	v16 =	vadd.s32 v2, v16  }
0x14a: {  	v29 =	vand.u32 $0x7F, v15;
	v30 =	vshrl.u32 v15, $0xA;
	[tilespmem:v21+s21+$0x0] =	vst.idx.add.f32.msk vm4, v7;
	v8 =	vand.u32 $0x1C00, v27  }
0x14b: {  	vm13 =	veq.s32 v30, v5;
	v7 =	vor.u32 v29, v8;
	[tilespmem:v62+s20+$0x0] =	vst.idx.add.s32.msk vm11, v3  }
0x14c: {  	v5 =	vadd.s32 v2, v7;
	[tilespmem:v25+s20+$0x0] =	vst.idx.add.s32.msk vm6, v3  }
0x14d: {  	[tilespmem:v62+s21+$0x0] =	vst.idx.add.f32.msk vm11, v28  }
0x14e: {  	[tilespmem:v16+s20+$0x0] =	vst.idx.add.s32.msk vm12, v3  }
0x14f: {  	[tilespmem:v25+s21+$0x0] =	vst.idx.add.f32.msk vm6, v10  }
0x150: {  	[tilespmem:v16+s21+$0x0] =	vst.idx.add.f32.msk vm12, v13  }
0x151: {  	s0 =	sand.u32 $0x70, s29;
	s23 =	sand.u32 $0x1C00, s29;
	[tilespmem:v5+s20+$0x0] =	vst.idx.add.s32.msk vm13, v3  }
0x152: {  	s0 =	sor.u32 s0, s23;
	[tilespmem:v5+s21+$0x0] =	vst.idx.add.f32.msk vm13, v12  }
0x153: {  	v5 =	vld [tilespmem:s0+$0xF000]  }
0x154: {  	v7 =	vld [tilespmem:s0+$0xEF80]  }
0x155: {  	v8 =	vld [tilespmem:s0+$0xC900]  }
0x156: {  	v9 =	vld [tilespmem:s0+$0xC880]  }
0x157: {  	v31 =	vld [tilespmem:s0+$0xEF00]  }
0x158: {  	v16 =	vld [tilespmem:s0+$0xC980]  }
0x159: {  	v32 =	vld [tilespmem:s0+$0xEE80]  }
0x15a: {  	v33 =	vld [tilespmem:s0+$0xCA00]  }
0x15b: {  	v34 =	vld [tilespmem:s0+$0xEE00];
	v8 =	vadd.f32 v8, v9  }
0x15c: {  	v20 =	vld [tilespmem:s0+$0xCA80]  }
0x15d: {  	v35 =	vld [tilespmem:s0+$0xED80];
	v8 =	vadd.f32 v16, v8  }
0x15e: {  	v21 =	vld [tilespmem:s0+$0xCB00]  }
0x15f: {  	v36 =	vld [tilespmem:s0+$0xED00];
	v8 =	vadd.f32 v33, v8  }
0x160: {  	s24 =	sor.u32 s29, s29;
	v22 =	vld [tilespmem:s0+$0xCB80]  }
0x161: {  	s1 =	sor.u32 $0x380, s24;
	v37 =	vld [tilespmem:s0+$0xEC80];
	v8 =	vadd.f32 v20, v8  }
0x162: {  	v38 =	vld [tilespmem:s1+$0xC880]  }
0x163: {  	v39 =	vld [tilespmem:s0+$0x8100];
	v8 =	vadd.f32 v21, v8  }
0x164: {  	v40 =	vld [tilespmem:s0+$0x8080]  }
0x165: {  	v41 =	vld [tilespmem:s0+$0x8180];
	v8 =	vadd.f32 v22, v8  }
0x166: {  	v42 =	vld [tilespmem:s0+$0x8200]  }
0x167: {  	v43 =	vld [tilespmem:s0+$0x8280];
	v8 =	vadd.f32 v38, v8  }
0x168: {  	v44 =	vld [tilespmem:s0+$0x8300]  }
0x169: {  	v45 =	vld [tilespmem:s0+$0x8380];
	v21 =	vadd.s32 v40, v39;
	v8 =	vadd.f32 v37, v8  }
0x16a: {  	v47 =	vld [tilespmem:s1+$0x8080];
	v46 =	vadd.s32 v41, v21  }
0x16b: {  	v48 =	vld [tilespmem:s0+$0xA480];
	v20 =	vadd.s32 v42, v46;
	v8 =	vadd.f32 v36, v8  }
0x16c: {  	v50 =	vld [tilespmem:s0+$0xA500];
	v49 =	vadd.s32 v43, v20  }
0x16d: {  	v51 =	vld [tilespmem:s0+$0xA580];
	v19 =	vadd.s32 v44, v49;
	v8 =	vadd.f32 v35, v8  }
0x16e: {  	v53 =	vld [tilespmem:s0+$0xA600];
	v52 =	vadd.s32 v45, v19  }
0x16f: {  	v54 =	vld [tilespmem:s0+$0xA680];
	v16 =	vadd.s32 v47, v52;
	v8 =	vadd.f32 v34, v8  }
0x170: {  	v55 =	vld [tilespmem:s0+$0xA700];
	v16 =	vadd.s32 v48, v16  }
0x171: {  	v56 =	vld [tilespmem:s0+$0xA780];
	v16 =	vadd.s32 v50, v16;
	v8 =	vadd.f32 v32, v8  }
0x172: {  	vm14 =	vlt.s32 v15, v4;
	v57 =	vnsel vm1, $0x0, v10;
	v59 =	vld [tilespmem:s0+$0xA800];
	v58 =	vadd.s32 v51, v16  }
0x173: {  	v60 =	vsel vm1, $0x3F800000, v1;
	v15 =	vadd.s32 v53, v58;
	v8 =	vadd.f32 v31, v8  }
0x174: {  	v11 =	vadd.f32 v60, v11;
	v10 =	vadd.f32 v57, v17;
	v9 =	vadd.s32 v54, v15  }
0x175: {  	v61 =	vnsel vm14, $0x0, v12;
	v9 =	vadd.s32 v55, v9;
	v7 =	vadd.f32 v7, v8  }
0x176: {  	v62 =	vsel vm14, $0x3F800000, v1;
	v9 =	vadd.s32 v56, v9;
	v8 =	vadd.f32 v61, v10  }
0x177: {  	s29 =	simm.s32 $0x11080;
	s0 =	simm.s32 $0x10;
	s1 =	simm.s32 $0x80;
	v9 =	vadd.s32 v59, v9;
	v10 =	vadd.f32 v62, v11;
	v5 =	vadd.f32 v5, v7  }
0x178: {  	s30 =	simm.s32 $0x11480;
	v63 =	vsel vm0, $0x3F800000, v1;
	s23 =	sand.u32 $0x70, s0;
	s24 =	sand.u32 $0x1C00, s1;
	[tilespmem:s29+$0x0] =	vst v9;
	v7 =	vnsel vm0, $0x0, v13  }
0x179: {  	vm15 =	vlt.s32 v6, v4;
	s31 =	sor.u32 s23, s24;
	v4 =	vadd.f32 v63, v10;
	v7 =	vadd.f32 v7, v8;
	[tilespmem:s30+$0x0] =	vst v5  }
0x17a: {  	v8 =	vsel vm15, $0x3F800000, v1;
	v5 =	vnsel vm15, $0x0, v28;
	v6 =	vld [tilespmem:s31+$0xF000]  }
0x17b: {  	s23 =	simm.s32 $0x20;
	v4 =	vadd.f32 v8, v4;
	v5 =	vadd.f32 v5, v7;
	v7 =	vld [tilespmem:s31+$0xEF80]  }
.LBB2_12:
0x17c: {  	p0 =	sne.s32 s23, $0x3F0;
	v8 =	vld [tilespmem:s31+$0xC900]  }
0x17d: {  	v9 =	vld [tilespmem:s31+$0xC880]  }
0x17e: {  	v10 =	vld [tilespmem:s31+$0xEF00]  }
0x17f: {  	v11 =	vld [tilespmem:s31+$0xC980]  }
0x180: {  	v12 =	vld [tilespmem:s31+$0xEE80]  }
0x181: {  	v13 =	vld [tilespmem:s31+$0xCA00]  }
0x182: {  	v8 =	vadd.f32 v8, v9;
	v9 =	vld [tilespmem:s31+$0xEE00]  }
0x183: {  	v14 =	vld [tilespmem:s31+$0xCA80]  }
0x184: {  	v8 =	vadd.f32 v11, v8;
	v11 =	vld [tilespmem:s31+$0xED80]  }
0x185: {  	v15 =	vld [tilespmem:s31+$0xCB00]  }
0x186: {  	v8 =	vadd.f32 v13, v8;
	v13 =	vld [tilespmem:s31+$0xED00]  }
0x187: {  	s24 =	sor.u32 s1, s0;
	s0 =	smov.u32 s23;
	v16 =	vld [tilespmem:s31+$0xCB80]  }
0x188: {  	s24 =	sor.u32 $0x380, s24;
	v8 =	vadd.f32 v14, v8;
	v14 =	vld [tilespmem:s31+$0xEC80]  }
0x189: {  	v17 =	vld [tilespmem:s24+$0xC880]  }
0x18a: {  	v18 =	vld [tilespmem:s31+$0x8100];
	v8 =	vadd.f32 v15, v8  }
0x18b: {  	v15 =	vld [tilespmem:s31+$0x8080]  }
0x18c: {  	v19 =	vld [tilespmem:s31+$0x8180];
	v8 =	vadd.f32 v16, v8  }
0x18d: {  	v16 =	vld [tilespmem:s31+$0x8200]  }
0x18e: {  	v20 =	vld [tilespmem:s31+$0x8280];
	v8 =	vadd.f32 v17, v8  }
0x18f: {  	v17 =	vld [tilespmem:s31+$0x8300]  }
0x190: {  	v15 =	vadd.s32 v15, v18;
	v18 =	vld [tilespmem:s31+$0x8380];
	v8 =	vadd.f32 v14, v8  }
0x191: {  	v14 =	vadd.s32 v19, v15;
	v15 =	vld [tilespmem:s24+$0x8080]  }
0x192: {  	v14 =	vadd.s32 v16, v14;
	v16 =	vld [tilespmem:s31+$0xA480];
	v8 =	vadd.f32 v13, v8  }
0x193: {  	v13 =	vadd.s32 v20, v14;
	v14 =	vld [tilespmem:s31+$0xA500]  }
0x194: {  	v13 =	vadd.s32 v17, v13;
	v17 =	vld [tilespmem:s31+$0xA580];
	v8 =	vadd.f32 v11, v8  }
0x195: {  	v11 =	vadd.s32 v18, v13;
	v13 =	vld [tilespmem:s31+$0xA600]  }
0x196: {  	v11 =	vadd.s32 v15, v11;
	v8 =	vadd.f32 v9, v8;
	v9 =	vld [tilespmem:s31+$0xA680]  }
0x197: {  	v11 =	vadd.s32 v16, v11;
	v15 =	vld [tilespmem:s31+$0xA700]  }
0x198: {  	v11 =	vadd.s32 v14, v11;
	v8 =	vadd.f32 v12, v8;
	v12 =	vld [tilespmem:s31+$0xA780]  }
0x199: {  	v11 =	vadd.s32 v17, v11;
	v14 =	vld [tilespmem:s31+$0xA800]  }
0x19a: {  	v11 =	vadd.s32 v13, v11;
	v8 =	vadd.f32 v10, v8  }
0x19b: {  	v9 =	vadd.s32 v9, v11  }
0x19c: {  	v9 =	vadd.s32 v15, v9;
	v7 =	vadd.f32 v7, v8  }
0x19d: {  	v8 =	vadd.s32 v12, v9  }
.Ltmp5:
0x19e: {  	s1 =	sadd.s32 $0x80, s1;
	s29 =	sadd.s32 $0x10, s29;
	v8 =	vadd.s32 v14, v8;
	v6 =	vadd.f32 v6, v7;
	(pc) =	sbr.rel @p0 .LBB2_12-.Ltmp5, $4  }
0x19f: {  	s30 =	sadd.s32 $0x10, s30;
	s24 =	sand.u32 $0x70, s23;
	s31 =	sand.u32 $0x1C00, s1;
	[tilespmem:s29+$0x0] =	vst v8  }
0x1a0: {  	s31 =	sor.u32 s24, s31;
	[tilespmem:s30+$0x0] =	vst v6  }
0x1a1: {  	v6 =	vld [tilespmem:s31+$0xF000]  }
0x1a2: {  	s23 =	sadd.s32 $0x10, s23;
	v7 =	vld [tilespmem:s31+$0xEF80]  }
0x1a3: {  	v8 =	vld [tilespmem:s31+$0xC900]  }
0x1a4: {  	v9 =	vld [tilespmem:s31+$0xC880]  }
0x1a5: {  	v10 =	vld [tilespmem:s31+$0xEF00]  }
0x1a6: {  	v11 =	vld [tilespmem:s31+$0xC980]  }
0x1a7: {  	v12 =	vld [tilespmem:s31+$0xEE80]  }
0x1a8: {  	v13 =	vld [tilespmem:s31+$0xCA00]  }
0x1a9: {  	v43 =	vld [tilespmem:s31+$0xEE00];
	v8 =	vadd.f32 v8, v9  }
0x1aa: {  	v14 =	vld [tilespmem:s31+$0xCA80]  }
0x1ab: {  	v44 =	vld [tilespmem:s31+$0xED80];
	v8 =	vadd.f32 v11, v8  }
0x1ac: {  	v15 =	vld [tilespmem:s31+$0xCB00]  }
0x1ad: {  	v45 =	vld [tilespmem:s31+$0xED00];
	v8 =	vadd.f32 v13, v8  }
0x1ae: {  	v16 =	vld [tilespmem:s31+$0xCB80];
	s0 =	sor.u32 s1, s0  }
0x1af: {  	v46 =	vld [tilespmem:s31+$0xEC80];
	s0 =	sor.u32 $0x380, s0;
	v8 =	vadd.f32 v14, v8  }
0x1b0: {  	v17 =	vld [tilespmem:s0+$0xC880]  }
0x1b1: {  	v18 =	vld [tilespmem:s31+$0x8100];
	v8 =	vadd.f32 v15, v8  }
0x1b2: {  	v47 =	vld [tilespmem:s31+$0x8080]  }
0x1b3: {  	v19 =	vld [tilespmem:s31+$0x8180];
	v8 =	vadd.f32 v16, v8  }
0x1b4: {  	v48 =	vld [tilespmem:s31+$0x8200]  }
0x1b5: {  	v20 =	vld [tilespmem:s31+$0x8280];
	v8 =	vadd.f32 v17, v8  }
0x1b6: {  	v49 =	vld [tilespmem:s31+$0x8300]  }
0x1b7: {  	v50 =	vld [tilespmem:s31+$0x8380];
	v15 =	vadd.s32 v47, v18;
	v8 =	vadd.f32 v46, v8  }
0x1b8: {  	v52 =	vld [tilespmem:s0+$0x8080];
	v51 =	vadd.s32 v19, v15  }
0x1b9: {  	v53 =	vld [tilespmem:s31+$0xA480];
	v14 =	vadd.s32 v48, v51;
	v8 =	vadd.f32 v45, v8  }
0x1ba: {  	v55 =	vld [tilespmem:s31+$0xA500];
	v54 =	vadd.s32 v20, v14  }
0x1bb: {  	v56 =	vld [tilespmem:s31+$0xA580];
	v13 =	vadd.s32 v49, v54;
	v8 =	vadd.f32 v44, v8  }
0x1bc: {  	v58 =	vld [tilespmem:s31+$0xA600];
	v57 =	vadd.s32 v50, v13  }
0x1bd: {  	v59 =	vld [tilespmem:s31+$0xA680];
	v11 =	vadd.s32 v52, v57;
	v8 =	vadd.f32 v43, v8  }
0x1be: {  	v60 =	vld [tilespmem:s31+$0xA700];
	v11 =	vadd.s32 v53, v11  }
0x1bf: {  	v61 =	vld [tilespmem:s31+$0xA780];
	v11 =	vadd.s32 v55, v11;
	v8 =	vadd.f32 v12, v8  }
0x1c0: {  	v62 =	vld [tilespmem:s31+$0xA800];
	v11 =	vadd.s32 v56, v11  }
0x1c1: {  	v11 =	vadd.s32 v58, v11;
	v8 =	vadd.f32 v10, v8  }
0x1c2: {  	v9 =	vadd.s32 v59, v11  }
0x1c3: {  	v9 =	vadd.s32 v60, v9;
	v7 =	vadd.f32 v7, v8  }
0x1c4: {  	v63 =	vadd.s32 v61, v9  }
0x1c5: {  	s24 =	sadd.s32 $0x10, s29;
	v8 =	vadd.s32 v62, v63;
	v6 =	vadd.f32 v6, v7  }
0x1c6: {  	s29 =	sadd.s32 $0x10, s30;
	[tilespmem:s24+$0x0] =	vst v8  }
0x1c7: {  	[tilespmem:s29+$0x0] =	vst v6  }
0x1c8: {  	[tilespmem:$0x11880] =	vst v5  }
0x1c9: {  	s30 =	simm.s32 $0x11080;
	[tilespmem:$0x11900] =	vst v4  }
0x1ca: {  	[hbm4b:s12+s18] =	stream.strided.scatter [tilespmem:s30], [sflag:$0x1], $0x400, s22, s18, $0x38;
	[tilespmem:$0x11980] =	vst v63  }
0x1cb: {  	_ =	swait.ge [sflag:s17], $0x400  }
0x1cc: {  	[sflag:s17] =	ssyncset.done $0x0  }
0x1cd: {  	s31 =	simm.s32 $0x11480;
	[sflag:s17] =	ssyncadd.s32 $0xFFFFFC00  }
0x1ce: {  	[hbm4b:s13+s18] =	stream.strided.scatter [tilespmem:s31], [sflag:$0x1], $0x400, s22, s18, $0x38;
	[tilespmem:$0x11980] =	vst v63  }
0x1cf: {  	_ =	swait.ge [sflag:s17], $0x400  }
0x1d0: {  	[sflag:s17] =	ssyncset.done $0x0  }
0x1d1: {  	[sflag:s17] =	ssyncadd.s32 $0xFFFFFC00  }
0x1d2: {  	[hbm4b:s14+s2] =	stream.linear.scatter [tilespmem:s25], [sflag:$0x1], $0x80, $0x38;
	[tilespmem:$0x11980] =	vst v63  }
0x1d3: {  	s28 =	sadd.s32 $0x1, s28;
	_ =	swait.ge [sflag:s17], $0x80  }
0x1d4: {  	p0 =	sne.s32 s28, s16;
	[sflag:s17] =	ssyncset.done $0x0  }
.Ltmp6:
0x1d5: {  	[sflag:s17] =	ssyncadd.s32 $0xFFFFFF80;
	(pc) =	sbr.rel @p0 .LBB2_1-.Ltmp6, $4  }
0x1d6: {  	[hbm4b:s15+s2] =	stream.linear.scatter [tilespmem:s26], [sflag:$0x1], $0x80, $0x38;
	[tilespmem:$0x11980] =	vst v63  }
0x1d7: {  	_ =	swait.ge [sflag:s17], $0x80  }
0x1d8: {  	[sflag:s17] =	ssyncset.done $0x0  }
0x1d9: {  	[sflag:s17] =	ssyncadd.s32 $0xFFFFFF80  }
0x1da: {  	_ =	sfence.sel $0x180000  }
0x1db: {  	[bflag:$0x0] =	sbarrier.arrive $0xFFFF  }
0x1dc: {  	_ =	strace $0x9000004D  }
0x1dd: {  	s0 =	stileid.u32;
	[bflag:$0x2] =	sbarrier.arrive $0xFFFF  }
0x1de: {  	p0 =	sne.s32 s0, $0x0;
	s0 =	rddreg [dreg:$0x1]  }
0x1df: {  	s0 =	sadd.s32 @!p0 $0x100000, s0  }
0x1e0: {  	[sflag:s0] =	ssyncadd.tile.s32 @!p0 $0x1;
	_ =	shalt  }
.Lfunc_end2:
_tile_overlayer_lowered:
.L_overlay_start_2:
0x1e1: {  	(tag) =	ssettag $0x2  }
0x1e2: {  	s0 =	rddreg [dreg:$0x0];
	s2 =	stileid.u32  }
0x1e3: {  	s1 =	rddreg [dreg:$0x1];
	p0 =	sne.s32 s2, $0x0  }
0x1e4: {  	s3 =	rddreg [dreg:$0x2];
	[bflag:$0x3] =	sbarrier.arrive $0xFFFF;
	s2 =	simm.s32 @!p0 $0x1C01  }
0x1e5: {  	[timem:s3], [sflag:s2] =	dma.local @!p0 [hbm:s0], s1  }
0x1e6: {  	s0 =	simm.s32 @!p0 $0x1  }
0x1e7: {  	_ =	swait.ge @!p0 [sflag:s0], s1  }
0x1e8: {  	s1 =	ssub.s32 @!p0 $0x0, s1;
	[sflag:s0] =	ssyncset.done @!p0 $0x0  }
0x1e9: {  	[sflag:s0] =	ssyncadd.s32 @!p0 s1  }
0x1ea: {  	[bflag:$0x3] =	sbarrier.arrive $0xFFFF  }
0x1eb: {  	_ =	shalt  }

// kernel: kernel.6.cloned.1.call-start
scs
__scs_entry_jumppad:
0x0: {  	(pc) =	sbr.rel $0x88, $3  }
0x1: {  	(tag) =	ssettag $0x0;
	lr =	simm.s32 $0x1  }
0x2: {  	[smem:$0x3F9F] =	sst lr;
	_ =	strace $0xD0000000  }
0x3: {  	_ = 	snop  }
0x4: {  	_ = 	snop  }
0x5: {  	_ = 	snop  }
0x6: {  	_ = 	snop  }
0x7: {  	_ = 	snop  }
__scs_overlays_trampoline_lowered:
0x8: {  	[smem:$0x3FAE] =	sst s0  }
0x9: {  	[smem:$0x3FAF] =	sst s1  }
0xa: {  	[smem:$0x3FB0] =	sst s2  }
0xb: {  	[smem:$0x3FB1] =	sst s3  }
0xc: {  	[smem:$0x3FB2] =	sst s4  }
0xd: {  	[smem:$0x3FB3] =	sst s5  }
0xe: {  	[smem:$0x3FB4] =	sst s6  }
0xf: {  	[smem:$0x3FB5] =	sst s7  }
0x10: {  	[smem:$0x3FB6] =	sst s8  }
0x11: {  	[smem:$0x3FB7] =	sst s9;
	s0 =	simm.s32 @!p0 $0x0  }
0x12: {  	s1 =	sld [smem:$0x3F9D];
	s0 =	simm.s32 @p0 $0x1  }
0x13: {  	[smem:$0x3FB8] =	sst s0;
	s0 =	simm.s32 @!p1 $0x0  }
0x14: {  	s2 =	sld [smem:$0x3F9C];
	s0 =	simm.s32 @p1 $0x1  }
0x15: {  	[smem:$0x3FB9] =	sst s0;
	s0 =	simm.s32 @!p2 $0x0  }
0x16: {  	s3 =	sld [smem:$0x3FDB];
	s0 =	simm.s32 @p2 $0x1  }
0x17: {  	s4 =	simm.s32 $0x1BF5;
	[smem:$0x3FBB] =	sst s0  }
0x18: {  	s0 =	sld [smem:$0x3F9E];
	_ =	swait.ge [sflag:s4], $0x0  }
0x19: {  	s7 =	sld [smem:$0x3F9F]  }
0x1a: {  	s8 =	sadd.s32 $0xFFFFE003, lr  }
0x1b: {  	s9 =	sadd.s32 $0xFFFFFEF7, lr;
	s5 =	simm.s32 $0xFFFFFFFF;
	p2 =	slt.u32 s8, $0xFFFFF086  }
0x1c: {  	p1 =	slt.u32 s9, $0xF7A;
	s5 =	simm.s32 @!p2 $0x0  }
0x1d: {  	s5 =	simm.s32 @p1 $0x1;
	p0 =	seq.s32 s7, s2  }
0x1e: {  	s7 =	smul.u32 @!p0 $0xF7A, s2;
	p2 =	seq.s32 @!p0 s5, $0x0  }
0x1f: {  	s9 =	smul.u32 $0xF7A, s1;
	s8 =	simm.s32 @!p0 $0x1BF5;
	p2 =	por !p2, p0  }
0x20: {  	[sflag:s8] =	ssyncset.s32 @!p0 $0xFFFFF086;
	s6 =	sadd.s32 @!p0 s3, s7;
	s7 =	simm.s32 @!p0 $0x108  }
0x21: {  	s3 =	sadd.s32 s3, s9;
	s6 =	sadd.s32 @!p0 $0x88, s6;
	s7 =	simm.s32 @p2 $0x1082  }
0x22: {  	[simem:s7], [sflag:s8] =	dma.local @!p0 [hbm:s6], $0xF7A  }
0x23: {  	s9 =	sor.u32 $0xD0000000, s2;
	s6 =	simm.s32 $0x108;
	_ =	swait.ge @!p0 [sflag:s8], $0x0  }
0x24: {  	s3 =	sadd.s32 $0x88, s3;
	s6 =	simm.s32 @!p1 $0x1082;
	[sflag:s4] =	ssyncset.s32 $0xFFFFF086  }
0x25: {  	[simem:s6], [sflag:s4] =	dma.local [hbm:s3], $0xF7A  }
0x26: {  	[smem:$0x3F9F] =	sst s1;
	(tag) =	ssettag s2;
	_ =	strace s9  }
0x27: {  	s1 =	sld [smem:$0x3FAF]  }
0x28: {  	s2 =	sld [smem:$0x3FB0]  }
0x29: {  	s4 =	sld [smem:$0x3FB2]  }
0x2a: {  	p0 =	seq.s32 s5, $0x0;
	s5 =	sld [smem:$0x3FB3]  }
0x2b: {  	s6 =	sld [smem:$0x3FB4]  }
0x2c: {  	s7 =	sld [smem:$0x3FB5]  }
0x2d: {  	s3 =	simm.s32 $0x108;
	s8 =	sld [smem:$0x3FB6]  }
0x2e: {  	s3 =	simm.s32 @!p0 $0x1082;
	s9 =	sld [smem:$0x3FB7]  }
0x2f: {  	lr =	sadd.s32 s0, s3;
	s0 =	sld [smem:$0x3FAE]  }
0x30: {  	s3 =	sld [smem:$0x3FB1]  }
0x31: {  	[smem:$0x3FBA] =	sst s10  }
0x32: {  	s10 =	sld [smem:$0x3FB8];
	_ =	sdelay $0x3  }
0x33: {  	p0 =	seq.s32 s10, $0x1;
	s10 =	sld [smem:$0x3FBA];
	_ =	sdelay $0x3  }
0x34: {  	[smem:$0x3FBA] =	sst s10  }
0x35: {  	s10 =	sld [smem:$0x3FB9];
	_ =	sdelay $0x3  }
0x36: {  	p1 =	seq.s32 s10, $0x1;
	s10 =	sld [smem:$0x3FBA];
	_ =	sdelay $0x3  }
0x37: {  	[smem:$0x3FBA] =	sst s10  }
0x38: {  	s10 =	sld [smem:$0x3FBB]  }
0x39: {  	_ = 	snop;
	(pc) =	sbr.ind lr, $3  }
0x3a: {  	_ = 	snop  }
0x3b: {  	_ = 	snop  }
0x3c: {  	p2 =	seq.s32 s10, $0x1;
	s10 =	sld [smem:$0x3FBA]  }
0x3d: {  	_ =	shalt  }
0x3e: {  	_ =	shalt  }
0x3f: {  	_ =	shalt  }
0x40: {  	_ =	shalt  }
0x41: {  	_ =	shalt  }
0x42: {  	_ =	shalt  }
0x43: {  	_ =	shalt  }
0x44: {  	_ =	shalt  }
0x45: {  	_ =	shalt  }
0x46: {  	_ =	shalt  }
0x47: {  	_ =	shalt  }
0x48: {  	_ =	shalt  }
0x49: {  	_ =	shalt  }
0x4a: {  	_ =	shalt  }
0x4b: {  	_ =	shalt  }
0x4c: {  	_ =	shalt  }
0x4d: {  	_ =	shalt  }
0x4e: {  	_ =	shalt  }
0x4f: {  	_ =	shalt  }
0x50: {  	_ =	shalt  }
0x51: {  	_ =	shalt  }
0x52: {  	_ =	shalt  }
0x53: {  	_ =	shalt  }
0x54: {  	_ =	shalt  }
0x55: {  	_ =	shalt  }
0x56: {  	_ =	shalt  }
0x57: {  	_ =	shalt  }
0x58: {  	_ =	shalt  }
0x59: {  	_ =	shalt  }
0x5a: {  	_ =	shalt  }
0x5b: {  	_ =	shalt  }
0x5c: {  	_ =	shalt  }
0x5d: {  	_ =	shalt  }
0x5e: {  	_ =	shalt  }
0x5f: {  	_ =	shalt  }
0x60: {  	_ =	shalt  }
0x61: {  	_ =	shalt  }
0x62: {  	_ =	shalt  }
0x63: {  	_ =	shalt  }
0x64: {  	_ =	shalt  }
0x65: {  	_ =	shalt  }
0x66: {  	_ =	shalt  }
0x67: {  	_ =	shalt  }
0x68: {  	_ =	shalt  }
0x69: {  	_ =	shalt  }
0x6a: {  	_ =	shalt  }
0x6b: {  	_ =	shalt  }
0x6c: {  	_ =	shalt  }
0x6d: {  	_ =	shalt  }
0x6e: {  	_ =	shalt  }
0x6f: {  	_ =	shalt  }
0x70: {  	_ =	shalt  }
0x71: {  	_ =	shalt  }
0x72: {  	_ =	shalt  }
0x73: {  	_ =	shalt  }
0x74: {  	_ =	shalt  }
0x75: {  	_ =	shalt  }
0x76: {  	_ =	shalt  }
0x77: {  	_ =	shalt  }
0x78: {  	_ =	shalt  }
0x79: {  	_ =	shalt  }
0x7a: {  	_ =	shalt  }
0x7b: {  	_ =	shalt  }
0x7c: {  	_ =	shalt  }
0x7d: {  	_ =	shalt  }
0x7e: {  	_ =	shalt  }
0x7f: {  	_ =	shalt  }
0x80: {  	_ =	shalt  }
0x81: {  	_ =	shalt  }
0x82: {  	_ =	shalt  }
0x83: {  	_ =	shalt  }
0x84: {  	_ =	shalt  }
0x85: {  	_ =	shalt  }
0x86: {  	_ =	shalt  }
0x87: {  	_ =	shalt  }
.Lfunc_end0:
.L_simem_size_0:
called_computation_lowered:
.L_overlay_start_0:
0x88: {  	s2 =	sld [smem:$0x3FD9]  }
0x89: {  	s3 =	sld [smem:$0x3FFE];
	_ =	sdelay $0x1  }
0x8a: {  	s1 =	srdreg.scid  }
0x8b: {  	s0 =	sand.u32 $0x1, s1  }
0x8c: {  	s17 =	sshll.u32 s0, $0xA;
	s2 =	sadd.s32 s3, s2  }
0x8d: {  	s2 =	sadd.s32 s2, s17  }
0x8e: {  	[smem:$0x3FC6] =	sst s2  }
0x8f: {  	_ = 	snop  }
0x90: {  	s2 =	sld [smem:$0x3FD0];
	(tm) =	ssettm $0x1  }
0x91: {  	s18 =	sld [smem:$0x3FFB];
	_ =	sdelay $0x3  }
0x92: {  	_ =	strace s18  }
0x93: {  	s3 =	sld [smem:$0x3FFC];
	_ =	sdelay $0x3  }
0x94: {  	_ =	strace s3  }
0x95: {  	s3 =	sld [smem:$0x3FFD];
	_ =	sdelay $0x3  }
0x96: {  	_ =	strace s3  }
0x97: {  	_ =	strace $0x8FFFFFFF  }
0x98: {  	s19 =	sld [smem:$0x3FDB];
	_ =	sdelay $0x1  }
0x99: {  	s4 =	simm.s32 $_scs_section_size  }
0x9a: {  	s5 =	simm.s32 $_size__tile_overlayer_lowered;
	s6 =	simm.s32 $_tile_overlayer_lowered  }
0x9b: {  	s22 =	simm.s32 $0x1BFF;
	s21 =	sshll.u32 s6, $0x1;
	s3 =	sadd.s32 s4, s19  }
0x9c: {  	s7 =	simm.s32 $0x0;
	s20 =	sshll.u32 s5, $0x1;
	s5 =	sadd.s32 s21, s3  }
0x9d: {  	[timem:s7], [sflag:s22] =	dma.local [hbm:s5], s20  }
0x9e: {  	_ =	swait.ge [sflag:s22], s20  }
0x9f: {  	s4 =	ssub.s32 $0x0, s20;
	[sflag:s22] =	ssyncset.done $0x0  }
0xa0: {  	[sflag:s22] =	ssyncadd.s32 s4;
	_ =	sdelay $0x1  }
0xa1: {  	s23 =	simm.s32 $0x1B8B  }
0xa2: {  	_ =	swait.ge [sflag:s23], $0x1  }
0xa3: {  	[sflag:s23] =	ssyncset.done $0x0  }
0xa4: {  	s25 =	simm.s32 $0x1B8E;
	s24 =	sld [smem:$0x3FFE];
	[sflag:s23] =	ssyncadd.s32 $0xFFFFFFFF  }
0xa5: {  	s26 =	simm.s32 $execute0_lowered;
	[smem:$0x3FD2] =	sst s25  }
0xa6: {  	s5 =	sshll.u32 s26, $0x1;
	_ =	strace $0x80000046;
	[dreg:$0x1] =	wrdreg $0xFFFFFFFF  }
0xa7: {  	s28 =	simm.s32 $_size_execute0_lowered;
	s3 =	sadd.s32 s3, s5;
	[dreg:$0x0] =	wrdreg $0x0  }
0xa8: {  	s5 =	sshll.u32 s28, $0x1;
	[dreg:$0x2] =	wrdreg s3  }
0xa9: {  	[dreg:$0x3] =	wrdreg s5  }
0xaa: {  	[dreg:$0x4] =	wrdreg $0xC0  }
0xab: {  	_ =	task [dreg:s7], $0x5FFFF  }
0xac: {  	[dreg:$0x1] =	wrdreg $0xFFFFFFFF  }
0xad: {  	[dreg:$0x0] =	wrdreg $0x60  }
0xae: {  	[dreg:$0x2] =	wrdreg s24  }
0xaf: {  	[dreg:$0x3] =	wrdreg s2  }
0xb0: {  	[dreg:$0x4] =	wrdreg $0x9  }
0xb1: {  	_ =	task.clear_ibuf [dreg:s7], $0x5FFFF;
	_ =	strace $0x90000046  }
0xb2: {  	s29 =	simm.s32 $0x9;
	_ =	strace $0x80000048  }
0xb3: {  	_ =	swait.ge [sflag:s29], $0x1  }
0xb4: {  	[sflag:s29] =	ssyncadd.s32 $0xFFFFFFFF  }
0xb5: {  	_ =	strace $0x90000048  }
0xb6: {  	_ =	sfence  }
0xb7: {  	s30 =	sld [smem:$0x0];
	_ =	sdelay $0x2  }
0xb8: {  	s31 =	sshll.u32 s1, $0xD;
	s1 =	sshrl.u32 s1, $0x2  }
0xb9: {  	s3 =	sand.u32 $0x4000, s31;
	s1 =	sadd.s32 s1, s30  }
0xba: {  	s0 =	sor.u32 s3, s0;
	s1 =	sshll.u32 s1, $0x11  }
0xbb: {  	s0 =	sor.u32 s1, s0  }
0xbc: {  	s0 =	sadd.s32 $0x8F2B, s0  }
0xbd: {  	[sflag:s0] =	ssyncadd.remote.s32 $0x1  }
0xbe: {  	_ =	sfence.sel $0xFFFF  }
0xbf: {  	[dreg:$0x0] =	wrdreg $0xFFFFFFFF;
	(pc) =	sbr.abs _section_cstart, $3  }
0xc0: {  	[dreg:$0x1] =	wrdreg $0xFFFFFFFF  }
0xc1: {  	_ =	task.clear_ibuf [dreg:s7], $0x2FFFF;
	_ =	strace $0x9FFFFFFF  }
0xc2: {  	(tm) =	ssettm $0x7FFFFFFF  }
0xc3: {  	_ =	shalt  }
tec
execute0_lowered:
.L_overlay_start_1:
0x0: {  	(tag) =	ssettag $0x1  }
0x1: {  	v0 =	vimm.s32 $0x4780;
	vm0 =	vcmask $0x300  }
0x2: {  	vm14 =	vcmask $0x704;
	v0 =	vsel vm0, $0x0, v0  }
0x3: {  	vm15 =	vcmask $0xB08;
	v0 =	vsel vm14, $0x80, v0  }
0x4: {  	vm4 =	vcmask $0xF0C;
	v0 =	vsel vm15, $0x100, v0  }
0x5: {  	s4 =	rddreg [dreg:$0x0];
	vm5 =	vcmask $0x1310;
	v0 =	vsel vm4, $0x180, v0  }
0x6: {  	s1 =	rddreg [dreg:$0x1];
	vm6 =	vcmask $0x1714;
	v0 =	vsel vm5, $0x200, v0  }
0x7: {  	s0 =	rddreg [dreg:$0x2];
	vm7 =	vcmask $0x1B18;
	v0 =	vsel vm6, $0x280, v0  }
0x8: {  	s3 =	simm.s32 $0x0;
	s2 =	stileid.u32;
	s5 =	srdreg.scid;
	vm8 =	vcmask $0x1F1C;
	v0 =	vsel vm7, $0x300, v0  }
0x9: {  	vm9 =	vcmask $0x2320;
	s10 =	simm.s32 $0x400;
	s11 =	simm.s32 $0x18880;
	s12 =	simm.s32 $0x0;
	v0 =	vsel vm8, $0x380, v0  }
0xa: {  	vm10 =	vcmask $0x2724;
	[smem:$0x7FF] =	sst s3;
	s5 =	sand.u32 $0x1, s5;
	s6 =	sshll.u32 s2, $0x1;
	v0 =	vsel vm9, $0x4400, v0  }
0xb: {  	vm11 =	vcmask $0x2B28;
	s7 =	sshll.u32 s2, $0x9;
	_ =	strace $0x80000047;
	s6 =	sor.u32 s5, s6;
	v0 =	vsel vm10, $0x4480, v0  }
0xc: {  	vm12 =	vcmask $0x2F2C;
	s7 =	sand.u32 $0x1800, s7;
	s5 =	ssub.s32 $0x2, s5;
	s8 =	sshll.u32 s6, $0x4;
	v0 =	vsel vm11, $0x4500, v0  }
0xd: {  	vm13 =	vcmask $0x3330;
	s7 =	sadd.s32 s7, s4;
	s9 =	sshrl.u32 s5, $0x1;
	s30 =	sshll.u32 s6, $0xD;
	v0 =	vsel vm12, $0x4580, v0  }
0xe: {  	vm14 =	vcmask $0x3734;
	s8 =	sand.u32 $0x70, s8;
	s9 =	ssub.s32 s5, s9;
	s4 =	sadd.s32 s4, s30;
	v0 =	vsel vm13, $0x4600, v0  }
0xf: {  	vm15 =	vcmask $0x3B38;
	s31 =	sadd.s32 s8, s7;
	s6 =	smax.u32 s9, $0x1;
	s7 =	simm.s32 $0x80;
	v1 =	vsel vm14, $0x4680, v0  }
0x10: {  	v2 =	vimm.s32 $0x1;
	s8 =	simm.s32 $0x1;
	s9 =	simm.s32 $0x10080;
	s5 =	sadd.s32 $0x80000, s31;
	v0 =	vimm.s32 $0x0;
	v1 =	vsel vm15, $0x4700, v1  }
.LBB2_1:
0x11: {  	[tilespmem:s7], [sflag:$0x1] =	stream.linear.gather [hbm4b:s4+s3], $0x10000, $0x38;
	[tilespmem:$0x19080] =	vst v63  }
0x12: {  	_ =	swait.ge [sflag:s8], $0x10000  }
0x13: {  	[sflag:s8] =	ssyncset.done $0x0  }
0x14: {  	[sflag:s8] =	ssyncadd.s32 $0xFFFF0000  }
0x15: {  	[tilespmem:s3], [sflag:$0x1] =	stream.linear.gather [hbm4b:s1+s3], $0x80, $0x38;
	[tilespmem:$0x19080] =	vst v63  }
0x16: {  	_ =	swait.ge [sflag:s8], $0x80  }
0x17: {  	s13 =	sand.u32 $0x70, s3;
	s14 =	sand.u32 $0x3C00, s3;
	[sflag:s8] =	ssyncset.done $0x0  }
0x18: {  	s14 =	sor.u32 s13, s14;
	[sflag:s8] =	ssyncadd.s32 $0xFFFFFF80  }
0x19: {  	[tilespmem:s14+$0x10100] =	vst v0  }
0x1a: {  	[tilespmem:s14+$0x10180] =	vst v0  }
0x1b: {  	s17 =	sand.u32 $0x7, s3;
	[tilespmem:s14+$0x10200] =	vst v0  }
0x1c: {  	s15 =	simm.s32 $0x10;
	s16 =	simm.s32 $0x0;
	s13 =	simm.s32 $0x0;
	[tilespmem:s14+$0x10280] =	vst v0  }
.LBB2_2:
0x1d: {  	p0 =	sne.s32 s15, $0x7F0;
	s17 =	sshll.u32 s17, $0x4;
	[tilespmem:s14+$0x10300] =	vst v0  }
0x1e: {  	s17 =	sadd.s32 s17, s13;
	[tilespmem:s14+$0x10380] =	vst v0  }
0x1f: {  	[tilespmem:s14+$0x10080] =	vst v0;
	s17 =	sor.u32 $0x380, s17  }
0x20: {  	[tilespmem:s17+$0x10080] =	vst v0  }
0x21: {  	[tilespmem:s14+$0x14480] =	vst v0  }
0x22: {  	[tilespmem:s14+$0x14500] =	vst v0  }
0x23: {  	[tilespmem:s14+$0x14580] =	vst v0  }
0x24: {  	[tilespmem:s14+$0x14600] =	vst v0  }
0x25: {  	[tilespmem:s14+$0x14680] =	vst v0  }
0x26: {  	s13 =	sadd.s32 $0x80, s13;
	[tilespmem:s14+$0x14700] =	vst v0  }
0x27: {  	s18 =	sand.u32 $0x3C00, s13;
	s17 =	sand.u32 $0x70, s15;
	[tilespmem:s14+$0x14780] =	vst v0  }
.Ltmp0:
0x28: {  	[tilespmem:s14+$0x14800] =	vst v0;
	s14 =	sor.u32 s17, s18;
	(pc) =	sbr.rel @p0 .LBB2_2-.Ltmp0, $4  }
0x29: {  	[tilespmem:s14+$0x10100] =	vst v0  }
0x2a: {  	[tilespmem:s14+$0x10180] =	vst v0  }
0x2b: {  	s16 =	sadd.s32 $0x1, s16;
	[tilespmem:s14+$0x10200] =	vst v0  }
0x2c: {  	s15 =	sadd.s32 $0x10, s15;
	s17 =	sand.u32 $0x7, s16;
	[tilespmem:s14+$0x10280] =	vst v0  }
0x2d: {  	s15 =	sshll.u32 s17, $0x4;
	[tilespmem:s14+$0x10300] =	vst v0  }
0x2e: {  	[tilespmem:s14+$0x10380] =	vst v0;
	s13 =	sadd.s32 s15, s13  }
0x2f: {  	[tilespmem:s14+$0x10080] =	vst v0;
	s13 =	sor.u32 $0x380, s13  }
0x30: {  	[tilespmem:s13+$0x10080] =	vst v0  }
0x31: {  	[tilespmem:s14+$0x14480] =	vst v0  }
0x32: {  	[tilespmem:s14+$0x14500] =	vst v0  }
0x33: {  	[tilespmem:s14+$0x14580] =	vst v0  }
0x34: {  	[tilespmem:s14+$0x14600] =	vst v0  }
0x35: {  	s25 =	simm.s32 $0x0;
	s13 =	simm.s32 $0x0;
	[tilespmem:s14+$0x14680] =	vst v0  }
0x36: {  	s26 =	simm.s32 $0x0;
	s15 =	sand.u32 $0xF000, s25;
	[tilespmem:s14+$0x14700] =	vst v0;
	s16 =	sand.u32 $0xC00, s13  }
0x37: {  	s17 =	sand.u32 $0x380, s26;
	[tilespmem:s14+$0x14780] =	vst v0;
	s15 =	sor.u32 s16, s15  }
0x38: {  	[tilespmem:s14+$0x14800] =	vst v0;
	s28 =	sor.u32 s15, s17  }
0x39: {  	v3 =	vld [tilespmem:s28+$0xF0]  }
0x3a: {  	v4 =	vld [tilespmem:s28+$0x80]  }
0x3b: {  	v5 =	vld [tilespmem:s28+$0x90]  }
0x3c: {  	v7 =	vld [tilespmem:s28+$0xB0]  }
0x3d: {  	v8 =	vld [tilespmem:s28+$0xC0]  }
0x3e: {  	v11 =	vld [tilespmem:s28+$0xD0]  }
0x3f: {  	v13 =	vld [tilespmem:s28+$0xE0];
	v9 =	vshrl.u32 v3, $0x15;
	v3 =	vshrl.u32 v3, $0x12  }
0x40: {  	v10 =	vshrl.u32 v4, $0x15;
	v4 =	vshrl.u32 v4, $0x12;
	v12 =	vshrl.u32 v5, $0x15  }
0x41: {  	v5 =	vshrl.u32 v5, $0x12;
	v14 =	vshrl.u32 v7, $0x15;
	v7 =	vshrl.u32 v7, $0x12  }
0x42: {  	v15 =	vshrl.u32 v8, $0x15;
	v9 =	vand.u32 $0x7F, v9;
	v3 =	vand.u32 $0x3C00, v3  }
0x43: {  	v6 =	vld [tilespmem:s28+$0xA0];
	v8 =	vshrl.u32 v8, $0x12;
	v16 =	vshrl.u32 v11, $0x15;
	v3 =	vor.u32 v9, v3  }
0x44: {  	s29 =	simm.s32 $0x80;
	s14 =	simm.s32 $0x400;
	v11 =	vshrl.u32 v11, $0x12;
	v17 =	vshrl.u32 v13, $0x15;
	v3 =	vadd.s32 v1, v3  }
0x45: {  	s31 =	simm.s32 $0x20;
	s30 =	sand.u32 $0xC00, s14;
	s15 =	sand.u32 $0xF000, s29;
	v13 =	vshrl.u32 v13, $0x12;
	v10 =	vand.u32 $0x7F, v10;
	v4 =	vand.u32 $0x3C00, v4  }
0x46: {  	s17 =	sand.u32 $0x380, s31;
	s15 =	sor.u32 s30, s15;
	v12 =	vand.u32 $0x7F, v12;
	v5 =	vand.u32 $0x3C00, v5;
	v14 =	vand.u32 $0x7F, v14  }
0x47: {  	s15 =	sor.u32 s15, s17;
	v7 =	vand.u32 $0x3C00, v7;
	v15 =	vand.u32 $0x7F, v15;
	v11 =	vand.u32 $0x3C00, v11  }
0x48: {  	v9 =	vshrl.u32 v6, $0x15;
	v4 =	vor.u32 v10, v4;
	v10 =	vand.u32 $0x7F, v17;
	v17 =	vld [tilespmem:s15+$0x80]  }
0x49: {  	v13 =	vand.u32 $0x3C00, v13;
	v6 =	vshrl.u32 v6, $0x12;
	v9 =	vand.u32 $0x7F, v9;
	[tilespmem:v3+s9+$0x0] =	vst.idx.add.s32.msk $0xffff, v2  }
0x4a: {  	v6 =	vand.u32 $0x3C00, v6;
	v3 =	vand.u32 $0x3C00, v8;
	v8 =	vand.u32 $0x7F, v16;
	v16 =	vld [tilespmem:s15+$0xF0]  }
0x4b: {  	v21 =	vld [tilespmem:s15+$0xC0];
	v7 =	vor.u32 v14, v7;
	v14 =	vadd.s32 v1, v4;
	v6 =	vor.u32 v9, v6  }
0x4c: {  	v5 =	vor.u32 v12, v5;
	v10 =	vor.u32 v10, v13;
	v9 =	vld [tilespmem:s15+$0x90];
	v20 =	vadd.s32 v1, v6  }
0x4d: {  	v18 =	vld [tilespmem:s15+$0xB0];
	v6 =	vadd.s32 v1, v7;
	v22 =	vshrl.u32 v17, $0x15;
	v19 =	vshrl.u32 v17, $0x12  }
0x4e: {  	v3 =	vor.u32 v15, v3;
	v8 =	vor.u32 v8, v11;
	v11 =	vld [tilespmem:s15+$0xA0];
	v15 =	vadd.s32 v1, v5  }
0x4f: {  	v12 =	vld [tilespmem:s15+$0xD0];
	v4 =	vadd.s32 v1, v8;
	v7 =	vshrl.u32 v16, $0x15;
	v8 =	vshrl.u32 v16, $0x12  }
0x50: {  	[tilespmem:v14+s9+$0x0] =	vst.idx.add.s32.msk $0xffff, v2;
	v14 =	vshrl.u32 v21, $0x12;
	v7 =	vand.u32 $0x7F, v7;
	v8 =	vand.u32 $0x3C00, v8  }
0x51: {  	v13 =	vld [tilespmem:s15+$0xE0];
	v17 =	vshrl.u32 v9, $0x15;
	v5 =	vadd.s32 v1, v3;
	v7 =	vor.u32 v7, v8  }
0x52: {  	v3 =	vadd.s32 v1, v10;
	v10 =	vshrl.u32 v18, $0x15;
	v7 =	vadd.s32 v1, v7  }
0x53: {  	v16 =	vshrl.u32 v11, $0x12;
	[tilespmem:v15+s9+$0x0] =	vst.idx.add.s32.msk $0xffff, v2;
	v15 =	vand.u32 $0x7F, v22;
	v8 =	vshrl.u32 v9, $0x12  }
0x54: {  	s15 =	simm.s32 $0x8;
	[tilespmem:v20+s9+$0x0] =	vst.idx.add.s32.msk $0xffff, v2;
	v9 =	vshrl.u32 v11, $0x15;
	v11 =	vshrl.u32 v18, $0x12;
	v18 =	vshrl.u32 v21, $0x15  }
.LBB2_4:
0x55: {  	s15 =	sadd.s32 $0x8, s15;
	v19 =	vand.u32 $0x3C00, v19;
	v20 =	vshrl.u32 v12, $0x15;
	v12 =	vshrl.u32 v12, $0x12;
	[tilespmem:v6+s9+$0x0] =	vst.idx.add.s32.msk $0xffff, v2  }
0x56: {  	v6 =	vand.u32 $0x7F, v17;
	s14 =	sadd.s32 $0x400, s14;
	s16 =	sshll.u32 s15, $0x4;
	p0 =	slt.u32 s15, $0xFF8;
	v17 =	vshrl.u32 v13, $0x15;
	v13 =	vshrl.u32 v13, $0x12;
	[tilespmem:v5+s9+$0x0] =	vst.idx.add.s32.msk $0xffff, v2  }
0x57: {  	s17 =	sand.u32 $0xC00, s14;
	s18 =	sshll.u32 s15, $0x2;
	v5 =	vand.u32 $0x3C00, v8;
	v8 =	vand.u32 $0x7F, v9;
	v9 =	vand.u32 $0x3C00, v16;
	s16 =	sand.u32 $0xF000, s16;
	[tilespmem:v7+s9+$0x0] =	vst.idx.add.s32.msk $0xffff, v2  }
0x58: {  	s18 =	sand.u32 $0x380, s18;
	v7 =	vand.u32 $0x7F, v10;
	v10 =	vand.u32 $0x3C00, v11;
	v11 =	vand.u32 $0x7F, v18;
	s16 =	sor.u32 s17, s16;
	[tilespmem:v4+s9+$0x0] =	vst.idx.add.s32.msk $0xffff, v2  }
0x59: {  	v12 =	vand.u32 $0x3C00, v12;
	v4 =	vand.u32 $0x3C00, v14;
	v14 =	vand.u32 $0x7F, v20;
	s16 =	sor.u32 s16, s18;
	[tilespmem:v3+s9+$0x0] =	vst.idx.add.s32.msk $0xffff, v2  }
0x5a: {  	v15 =	vor.u32 v15, v19;
	v16 =	vand.u32 $0x7F, v17;
	v13 =	vand.u32 $0x3C00, v13;
	v3 =	vld [tilespmem:s16+$0xF0]  }
0x5b: {  	v5 =	vor.u32 v6, v5;
	v6 =	vor.u32 v8, v9;
	v7 =	vor.u32 v7, v10;
	v17 =	vld [tilespmem:s16+$0x80]  }
0x5c: {  	v10 =	vor.u32 v16, v13;
	v4 =	vor.u32 v11, v4;
	v9 =	vor.u32 v14, v12;
	v8 =	vld [tilespmem:s16+$0x90]  }
0x5d: {  	v20 =	vadd.s32 v1, v6;
	v14 =	vadd.s32 v1, v15;
	v15 =	vadd.s32 v1, v5;
	v11 =	vld [tilespmem:s16+$0xA0]  }
0x5e: {  	v6 =	vadd.s32 v1, v7;
	v5 =	vadd.s32 v1, v4;
	v4 =	vadd.s32 v1, v9;
	v18 =	vld [tilespmem:s16+$0xB0]  }
0x5f: {  	v21 =	vld [tilespmem:s16+$0xC0];
	v7 =	vshrl.u32 v3, $0x15;
	v9 =	vshrl.u32 v3, $0x12;
	v3 =	vadd.s32 v1, v10  }
.Ltmp1:
0x60: {  	v22 =	vshrl.u32 v17, $0x15;
	v12 =	vld [tilespmem:s16+$0xD0];
	v7 =	vand.u32 $0x7F, v7;
	v9 =	vand.u32 $0x3C00, v9;
	(pc) =	sbr.rel @p0 .LBB2_4-.Ltmp1, $4  }
0x61: {  	v19 =	vshrl.u32 v17, $0x12;
	v17 =	vshrl.u32 v8, $0x15;
	v13 =	vld [tilespmem:s16+$0xE0];
	v7 =	vor.u32 v7, v9  }
0x62: {  	v8 =	vshrl.u32 v8, $0x12;
	v9 =	vshrl.u32 v11, $0x15;
	v7 =	vadd.s32 v1, v7;
	[tilespmem:v14+s9+$0x0] =	vst.idx.add.s32.msk $0xffff, v2  }
0x63: {  	v16 =	vshrl.u32 v11, $0x12;
	v10 =	vshrl.u32 v18, $0x15;
	v11 =	vshrl.u32 v18, $0x12;
	[tilespmem:v15+s9+$0x0] =	vst.idx.add.s32.msk $0xffff, v2  }
0x64: {  	v15 =	vand.u32 $0x7F, v22;
	v18 =	vshrl.u32 v21, $0x15;
	v14 =	vshrl.u32 v21, $0x12;
	[tilespmem:v20+s9+$0x0] =	vst.idx.add.s32.msk $0xffff, v2  }
0x65: {  	v19 =	vand.u32 $0x3C00, v19  }
0x66: {  	v20 =	vshrl.u32 v12, $0x15;
	v43 =	vshrl.u32 v12, $0x12;
	v17 =	vand.u32 $0x7F, v17  }
0x67: {  	v8 =	vand.u32 $0x3C00, v8;
	v9 =	vand.u32 $0x7F, v9;
	v16 =	vand.u32 $0x3C00, v16  }
0x68: {  	v10 =	vand.u32 $0x7F, v10;
	v11 =	vand.u32 $0x3C00, v11;
	v18 =	vand.u32 $0x7F, v18  }
0x69: {  	v46 =	vand.u32 $0x3C00, v14;
	v15 =	vor.u32 v15, v19;
	v44 =	vshrl.u32 v13, $0x15  }
0x6a: {  	[tilespmem:v6+s9+$0x0] =	vst.idx.add.s32.msk $0xffff, v2;
	v45 =	vshrl.u32 v13, $0x12;
	v8 =	vor.u32 v17, v8;
	v47 =	vadd.s32 v1, v15  }
0x6b: {  	[tilespmem:v5+s9+$0x0] =	vst.idx.add.s32.msk $0xffff, v2;
	v48 =	vand.u32 $0x7F, v20;
	v9 =	vor.u32 v9, v16;
	v8 =	vadd.s32 v1, v8  }
0x6c: {  	[tilespmem:v7+s9+$0x0] =	vst.idx.add.s32.msk $0xffff, v2;
	v49 =	vand.u32 $0x3C00, v43;
	v10 =	vor.u32 v10, v11;
	v9 =	vadd.s32 v1, v9  }
0x6d: {  	[tilespmem:v4+s9+$0x0] =	vst.idx.add.s32.msk $0xffff, v2;
	v6 =	vor.u32 v18, v46;
	v50 =	vand.u32 $0x7F, v44;
	v10 =	vadd.s32 v1, v10  }
0x6e: {  	[tilespmem:v3+s9+$0x0] =	vst.idx.add.s32.msk $0xffff, v2;
	v3 =	vand.u32 $0x3C00, v45;
	v5 =	vor.u32 v48, v49;
	v6 =	vadd.s32 v1, v6  }
0x6f: {  	v3 =	vor.u32 v50, v3;
	v51 =	vadd.s32 v1, v5;
	[tilespmem:v47+s9+$0x0] =	vst.idx.add.s32.msk $0xffff, v2  }
0x70: {  	v3 =	vadd.s32 v1, v3;
	[tilespmem:v8+s9+$0x0] =	vst.idx.add.s32.msk $0xffff, v2  }
0x71: {  	[tilespmem:v9+s9+$0x0] =	vst.idx.add.s32.msk $0xffff, v2  }
0x72: {  	[tilespmem:v10+s9+$0x0] =	vst.idx.add.s32.msk $0xffff, v2  }
0x73: {  	[tilespmem:v6+s9+$0x0] =	vst.idx.add.s32.msk $0xffff, v2  }
0x74: {  	s14 =	sand.u32 $0x70, s13;
	s30 =	sand.u32 $0x3C00, s13;
	[tilespmem:v51+s9+$0x0] =	vst.idx.add.s32.msk $0xffff, v2  }
0x75: {  	s13 =	sor.u32 s14, s30;
	[tilespmem:v3+s9+$0x0] =	vst.idx.add.s32.msk $0xffff, v2  }
0x76: {  	v3 =	vld [tilespmem:s13+$0x10100]  }
0x77: {  	v4 =	vld [tilespmem:s13+$0x10080]  }
0x78: {  	v52 =	vld [tilespmem:s13+$0x10180]  }
0x79: {  	v6 =	vld [tilespmem:s13+$0x10200]  }
0x7a: {  	v53 =	vld [tilespmem:s13+$0x10280]  }
0x7b: {  	v8 =	vld [tilespmem:s13+$0x10300]  }
0x7c: {  	v54 =	vld [tilespmem:s13+$0x10380];
	v3 =	vadd.s32 v4, v3  }
0x7d: {  	v55 =	vld [tilespmem:s13+$0x10400];
	v3 =	vadd.s32 v52, v3  }
0x7e: {  	v56 =	vld [tilespmem:s13+$0x14480];
	v3 =	vadd.s32 v6, v3  }
0x7f: {  	v57 =	vld [tilespmem:s13+$0x14500];
	v3 =	vadd.s32 v53, v3  }
0x80: {  	v58 =	vld [tilespmem:s13+$0x14580];
	v3 =	vadd.s32 v8, v3  }
0x81: {  	v59 =	vld [tilespmem:s13+$0x14600];
	v3 =	vadd.s32 v54, v3  }
0x82: {  	v60 =	vld [tilespmem:s13+$0x14680];
	v3 =	vadd.s32 v55, v3  }
0x83: {  	v61 =	vld [tilespmem:s13+$0x14700];
	v3 =	vadd.s32 v56, v3  }
0x84: {  	v62 =	vld [tilespmem:s13+$0x14780];
	v3 =	vadd.s32 v57, v3  }
0x85: {  	v63 =	vld [tilespmem:s13+$0x14800];
	v3 =	vadd.s32 v58, v3  }
0x86: {  	v3 =	vadd.s32 v59, v3  }
0x87: {  	v3 =	vadd.s32 v60, v3  }
0x88: {  	v3 =	vadd.s32 v61, v3  }
0x89: {  	s31 =	simm.s32 $0x10;
	s15 =	simm.s32 $0x80;
	v3 =	vadd.s32 v62, v3  }
0x8a: {  	s14 =	sand.u32 $0x70, s31;
	s16 =	sand.u32 $0x3C00, s15;
	s13 =	simm.s32 $0x18880;
	v3 =	vadd.s32 v63, v3  }
0x8b: {  	s14 =	sor.u32 s14, s16;
	s16 =	simm.s32 $0x20;
	[tilespmem:s13+$0x0] =	vst v3  }
.LBB2_6:
0x8c: {  	p0 =	sne.s32 s16, $0x7F0;
	v3 =	vld [tilespmem:s14+$0x10100]  }
0x8d: {  	v4 =	vld [tilespmem:s14+$0x10080]  }
0x8e: {  	v5 =	vld [tilespmem:s14+$0x10180]  }
0x8f: {  	v6 =	vld [tilespmem:s14+$0x10200]  }
0x90: {  	v7 =	vld [tilespmem:s14+$0x10280]  }
0x91: {  	v8 =	vld [tilespmem:s14+$0x10300]  }
0x92: {  	v3 =	vadd.s32 v4, v3;
	v4 =	vld [tilespmem:s14+$0x10380]  }
0x93: {  	v3 =	vadd.s32 v5, v3;
	v5 =	vld [tilespmem:s14+$0x10400]  }
0x94: {  	v3 =	vadd.s32 v6, v3;
	v6 =	vld [tilespmem:s14+$0x14480]  }
0x95: {  	v3 =	vadd.s32 v7, v3;
	v7 =	vld [tilespmem:s14+$0x14500]  }
0x96: {  	v3 =	vadd.s32 v8, v3;
	v8 =	vld [tilespmem:s14+$0x14580]  }
0x97: {  	v3 =	vadd.s32 v4, v3;
	v4 =	vld [tilespmem:s14+$0x14600]  }
0x98: {  	v3 =	vadd.s32 v5, v3;
	v5 =	vld [tilespmem:s14+$0x14680]  }
0x99: {  	v3 =	vadd.s32 v6, v3;
	v6 =	vld [tilespmem:s14+$0x14700]  }
0x9a: {  	v3 =	vadd.s32 v7, v3;
	v7 =	vld [tilespmem:s14+$0x14780]  }
0x9b: {  	v3 =	vadd.s32 v8, v3;
	v8 =	vld [tilespmem:s14+$0x14800]  }
0x9c: {  	v3 =	vadd.s32 v4, v3  }
.Ltmp2:
0x9d: {  	v3 =	vadd.s32 v5, v3;
	(pc) =	sbr.rel @p0 .LBB2_6-.Ltmp2, $4  }
0x9e: {  	v3 =	vadd.s32 v6, v3  }
0x9f: {  	s15 =	sadd.s32 $0x80, s15;
	v3 =	vadd.s32 v7, v3  }
0xa0: {  	s13 =	sadd.s32 $0x10, s13;
	s17 =	sand.u32 $0x3C00, s15;
	s14 =	sand.u32 $0x70, s16;
	v3 =	vadd.s32 v8, v3  }
0xa1: {  	s16 =	sadd.s32 $0x10, s16;
	s14 =	sor.u32 s14, s17;
	[tilespmem:s13+$0x0] =	vst v3  }
0xa2: {  	v3 =	vld [tilespmem:s14+$0x10100]  }
0xa3: {  	v4 =	vld [tilespmem:s14+$0x10080]  }
0xa4: {  	v5 =	vld [tilespmem:s14+$0x10180]  }
0xa5: {  	v6 =	vld [tilespmem:s14+$0x10200]  }
0xa6: {  	v7 =	vld [tilespmem:s14+$0x10280]  }
0xa7: {  	v8 =	vld [tilespmem:s14+$0x10300]  }
0xa8: {  	v54 =	vld [tilespmem:s14+$0x10380];
	v3 =	vadd.s32 v4, v3  }
0xa9: {  	v55 =	vld [tilespmem:s14+$0x10400];
	v3 =	vadd.s32 v5, v3  }
0xaa: {  	v56 =	vld [tilespmem:s14+$0x14480];
	v3 =	vadd.s32 v6, v3  }
0xab: {  	v57 =	vld [tilespmem:s14+$0x14500];
	v3 =	vadd.s32 v7, v3  }
0xac: {  	v58 =	vld [tilespmem:s14+$0x14580];
	v3 =	vadd.s32 v8, v3  }
0xad: {  	v59 =	vld [tilespmem:s14+$0x14600];
	v3 =	vadd.s32 v54, v3  }
0xae: {  	v60 =	vld [tilespmem:s14+$0x14680];
	v3 =	vadd.s32 v55, v3  }
0xaf: {  	v61 =	vld [tilespmem:s14+$0x14700];
	v3 =	vadd.s32 v56, v3  }
0xb0: {  	v62 =	vld [tilespmem:s14+$0x14780];
	v3 =	vadd.s32 v57, v3  }
0xb1: {  	v63 =	vld [tilespmem:s14+$0x14800];
	v3 =	vadd.s32 v58, v3  }
0xb2: {  	v3 =	vadd.s32 v59, v3  }
0xb3: {  	v3 =	vadd.s32 v60, v3  }
0xb4: {  	v3 =	vadd.s32 v61, v3  }
0xb5: {  	s12 =	sadd.s32 $0x1, s12;
	v3 =	vadd.s32 v62, v3  }
0xb6: {  	s13 =	sadd.s32 $0x10, s13;
	p0 =	sne.s32 s12, s6;
	v3 =	vadd.s32 v63, v3  }
.Ltmp3:
0xb7: {  	[tilespmem:s13+$0x0] =	vst v3;
	(pc) =	sbr.rel @p0 .LBB2_1-.Ltmp3, $4  }
0xb8: {  	[hbm4b:s5+s7] =	stream.strided.scatter [tilespmem:s11], [sflag:$0x1], $0x800, s10, s7, $0x38;
	[tilespmem:$0x19080] =	vst v63  }
0xb9: {  	_ =	swait.ge [sflag:s8], $0x800  }
0xba: {  	[sflag:s8] =	ssyncset.done $0x0  }
0xbb: {  	[sflag:s8] =	ssyncadd.s32 $0xFFFFF800  }
0xbc: {  	_ =	sfence.sel $0x180000  }
0xbd: {  	[bflag:$0x0] =	sbarrier.arrive $0xFFFF  }
0xbe: {  	p0 =	sne.s32 s2, $0x0;
	_ =	strace $0x90000047  }
0xbf: {  	s0 =	sadd.s32 @!p0 $0x100000, s0;
	[bflag:$0x2] =	sbarrier.arrive $0xFFFF  }
0xc0: {  	[sflag:s0] =	ssyncadd.tile.s32 @!p0 $0x1;
	_ =	shalt  }
.Lfunc_end2:
_tile_overlayer_lowered:
.L_overlay_start_2:
0xc1: {  	(tag) =	ssettag $0x2  }
0xc2: {  	s0 =	rddreg [dreg:$0x0];
	s2 =	stileid.u32  }
0xc3: {  	s1 =	rddreg [dreg:$0x1];
	p0 =	sne.s32 s2, $0x0  }
0xc4: {  	s3 =	rddreg [dreg:$0x2];
	[bflag:$0x3] =	sbarrier.arrive $0xFFFF;
	s2 =	simm.s32 @!p0 $0x1C01  }
0xc5: {  	[timem:s3], [sflag:s2] =	dma.local @!p0 [hbm:s0], s1  }
0xc6: {  	s0 =	simm.s32 @!p0 $0x1  }
0xc7: {  	_ =	swait.ge @!p0 [sflag:s0], s1  }
0xc8: {  	s1 =	ssub.s32 @!p0 $0x0, s1;
	[sflag:s0] =	ssyncset.done @!p0 $0x0  }
0xc9: {  	[sflag:s0] =	ssyncadd.s32 @!p0 s1  }
0xca: {  	[bflag:$0x3] =	sbarrier.arrive $0xFFFF  }
0xcb: {  	_ =	shalt  }

// kernel: kernel.9.cloned.1.call-start
scs
__scs_entry_jumppad:
0x0: {  	(pc) =	sbr.rel $0x88, $3  }
0x1: {  	(tag) =	ssettag $0x0;
	lr =	simm.s32 $0x1  }
0x2: {  	[smem:$0x3F9F] =	sst lr;
	_ =	strace $0xD0000000  }
0x3: {  	_ = 	snop  }
0x4: {  	_ = 	snop  }
0x5: {  	_ = 	snop  }
0x6: {  	_ = 	snop  }
0x7: {  	_ = 	snop  }
__scs_overlays_trampoline_lowered:
0x8: {  	[smem:$0x3FAE] =	sst s0  }
0x9: {  	[smem:$0x3FAF] =	sst s1  }
0xa: {  	[smem:$0x3FB0] =	sst s2  }
0xb: {  	[smem:$0x3FB1] =	sst s3  }
0xc: {  	[smem:$0x3FB2] =	sst s4  }
0xd: {  	[smem:$0x3FB3] =	sst s5  }
0xe: {  	[smem:$0x3FB4] =	sst s6  }
0xf: {  	[smem:$0x3FB5] =	sst s7  }
0x10: {  	[smem:$0x3FB6] =	sst s8  }
0x11: {  	[smem:$0x3FB7] =	sst s9;
	s0 =	simm.s32 @!p0 $0x0  }
0x12: {  	s1 =	sld [smem:$0x3F9D];
	s0 =	simm.s32 @p0 $0x1  }
0x13: {  	[smem:$0x3FB8] =	sst s0;
	s0 =	simm.s32 @!p1 $0x0  }
0x14: {  	s2 =	sld [smem:$0x3F9C];
	s0 =	simm.s32 @p1 $0x1  }
0x15: {  	[smem:$0x3FB9] =	sst s0;
	s0 =	simm.s32 @!p2 $0x0  }
0x16: {  	s3 =	sld [smem:$0x3FDB];
	s0 =	simm.s32 @p2 $0x1  }
0x17: {  	s4 =	simm.s32 $0x1BF5;
	[smem:$0x3FBB] =	sst s0  }
0x18: {  	s0 =	sld [smem:$0x3F9E];
	_ =	swait.ge [sflag:s4], $0x0  }
0x19: {  	s7 =	sld [smem:$0x3F9F]  }
0x1a: {  	s8 =	sadd.s32 $0xFFFFE003, lr  }
0x1b: {  	s9 =	sadd.s32 $0xFFFFFEF7, lr;
	s5 =	simm.s32 $0xFFFFFFFF;
	p2 =	slt.u32 s8, $0xFFFFF086  }
0x1c: {  	p1 =	slt.u32 s9, $0xF7A;
	s5 =	simm.s32 @!p2 $0x0  }
0x1d: {  	s5 =	simm.s32 @p1 $0x1;
	p0 =	seq.s32 s7, s2  }
0x1e: {  	s7 =	smul.u32 @!p0 $0xF7A, s2;
	p2 =	seq.s32 @!p0 s5, $0x0  }
0x1f: {  	s9 =	smul.u32 $0xF7A, s1;
	s8 =	simm.s32 @!p0 $0x1BF5;
	p2 =	por !p2, p0  }
0x20: {  	[sflag:s8] =	ssyncset.s32 @!p0 $0xFFFFF086;
	s6 =	sadd.s32 @!p0 s3, s7;
	s7 =	simm.s32 @!p0 $0x108  }
0x21: {  	s3 =	sadd.s32 s3, s9;
	s6 =	sadd.s32 @!p0 $0x88, s6;
	s7 =	simm.s32 @p2 $0x1082  }
0x22: {  	[simem:s7], [sflag:s8] =	dma.local @!p0 [hbm:s6], $0xF7A  }
0x23: {  	s9 =	sor.u32 $0xD0000000, s2;
	s6 =	simm.s32 $0x108;
	_ =	swait.ge @!p0 [sflag:s8], $0x0  }
0x24: {  	s3 =	sadd.s32 $0x88, s3;
	s6 =	simm.s32 @!p1 $0x1082;
	[sflag:s4] =	ssyncset.s32 $0xFFFFF086  }
0x25: {  	[simem:s6], [sflag:s4] =	dma.local [hbm:s3], $0xF7A  }
0x26: {  	[smem:$0x3F9F] =	sst s1;
	(tag) =	ssettag s2;
	_ =	strace s9  }
0x27: {  	s1 =	sld [smem:$0x3FAF]  }
0x28: {  	s2 =	sld [smem:$0x3FB0]  }
0x29: {  	s4 =	sld [smem:$0x3FB2]  }
0x2a: {  	p0 =	seq.s32 s5, $0x0;
	s5 =	sld [smem:$0x3FB3]  }
0x2b: {  	s6 =	sld [smem:$0x3FB4]  }
0x2c: {  	s7 =	sld [smem:$0x3FB5]  }
0x2d: {  	s3 =	simm.s32 $0x108;
	s8 =	sld [smem:$0x3FB6]  }
0x2e: {  	s3 =	simm.s32 @!p0 $0x1082;
	s9 =	sld [smem:$0x3FB7]  }
0x2f: {  	lr =	sadd.s32 s0, s3;
	s0 =	sld [smem:$0x3FAE]  }
0x30: {  	s3 =	sld [smem:$0x3FB1]  }
0x31: {  	[smem:$0x3FBA] =	sst s10  }
0x32: {  	s10 =	sld [smem:$0x3FB8];
	_ =	sdelay $0x3  }
0x33: {  	p0 =	seq.s32 s10, $0x1;
	s10 =	sld [smem:$0x3FBA];
	_ =	sdelay $0x3  }
0x34: {  	[smem:$0x3FBA] =	sst s10  }
0x35: {  	s10 =	sld [smem:$0x3FB9];
	_ =	sdelay $0x3  }
0x36: {  	p1 =	seq.s32 s10, $0x1;
	s10 =	sld [smem:$0x3FBA];
	_ =	sdelay $0x3  }
0x37: {  	[smem:$0x3FBA] =	sst s10  }
0x38: {  	s10 =	sld [smem:$0x3FBB]  }
0x39: {  	_ = 	snop;
	(pc) =	sbr.ind lr, $3  }
0x3a: {  	_ = 	snop  }
0x3b: {  	_ = 	snop  }
0x3c: {  	p2 =	seq.s32 s10, $0x1;
	s10 =	sld [smem:$0x3FBA]  }
0x3d: {  	_ =	shalt  }
0x3e: {  	_ =	shalt  }
0x3f: {  	_ =	shalt  }
0x40: {  	_ =	shalt  }
0x41: {  	_ =	shalt  }
0x42: {  	_ =	shalt  }
0x43: {  	_ =	shalt  }
0x44: {  	_ =	shalt  }
0x45: {  	_ =	shalt  }
0x46: {  	_ =	shalt  }
0x47: {  	_ =	shalt  }
0x48: {  	_ =	shalt  }
0x49: {  	_ =	shalt  }
0x4a: {  	_ =	shalt  }
0x4b: {  	_ =	shalt  }
0x4c: {  	_ =	shalt  }
0x4d: {  	_ =	shalt  }
0x4e: {  	_ =	shalt  }
0x4f: {  	_ =	shalt  }
0x50: {  	_ =	shalt  }
0x51: {  	_ =	shalt  }
0x52: {  	_ =	shalt  }
0x53: {  	_ =	shalt  }
0x54: {  	_ =	shalt  }
0x55: {  	_ =	shalt  }
0x56: {  	_ =	shalt  }
0x57: {  	_ =	shalt  }
0x58: {  	_ =	shalt  }
0x59: {  	_ =	shalt  }
0x5a: {  	_ =	shalt  }
0x5b: {  	_ =	shalt  }
0x5c: {  	_ =	shalt  }
0x5d: {  	_ =	shalt  }
0x5e: {  	_ =	shalt  }
0x5f: {  	_ =	shalt  }
0x60: {  	_ =	shalt  }
0x61: {  	_ =	shalt  }
0x62: {  	_ =	shalt  }
0x63: {  	_ =	shalt  }
0x64: {  	_ =	shalt  }
0x65: {  	_ =	shalt  }
0x66: {  	_ =	shalt  }
0x67: {  	_ =	shalt  }
0x68: {  	_ =	shalt  }
0x69: {  	_ =	shalt  }
0x6a: {  	_ =	shalt  }
0x6b: {  	_ =	shalt  }
0x6c: {  	_ =	shalt  }
0x6d: {  	_ =	shalt  }
0x6e: {  	_ =	shalt  }
0x6f: {  	_ =	shalt  }
0x70: {  	_ =	shalt  }
0x71: {  	_ =	shalt  }
0x72: {  	_ =	shalt  }
0x73: {  	_ =	shalt  }
0x74: {  	_ =	shalt  }
0x75: {  	_ =	shalt  }
0x76: {  	_ =	shalt  }
0x77: {  	_ =	shalt  }
0x78: {  	_ =	shalt  }
0x79: {  	_ =	shalt  }
0x7a: {  	_ =	shalt  }
0x7b: {  	_ =	shalt  }
0x7c: {  	_ =	shalt  }
0x7d: {  	_ =	shalt  }
0x7e: {  	_ =	shalt  }
0x7f: {  	_ =	shalt  }
0x80: {  	_ =	shalt  }
0x81: {  	_ =	shalt  }
0x82: {  	_ =	shalt  }
0x83: {  	_ =	shalt  }
0x84: {  	_ =	shalt  }
0x85: {  	_ =	shalt  }
0x86: {  	_ =	shalt  }
0x87: {  	_ =	shalt  }
.Lfunc_end0:
.L_simem_size_0:
called_computation.1_lowered:
.L_overlay_start_0:
0x88: {  	s2 =	sld [smem:$0x3FD9]  }
0x89: {  	s3 =	sld [smem:$0x3FFE];
	_ =	sdelay $0x1  }
0x8a: {  	s1 =	srdreg.scid  }
0x8b: {  	s0 =	sand.u32 $0x1, s1  }
0x8c: {  	s16 =	sshll.u32 s0, $0xA;
	s2 =	sadd.s32 s3, s2  }
0x8d: {  	s2 =	sadd.s32 s2, s16  }
0x8e: {  	[smem:$0x3FC6] =	sst s2  }
0x8f: {  	_ = 	snop  }
0x90: {  	(tm) =	ssettm $0x1  }
0x91: {  	s17 =	sld [smem:$0x3FFB];
	_ =	sdelay $0x3  }
0x92: {  	_ =	strace s17  }
0x93: {  	s2 =	sld [smem:$0x3FFC];
	_ =	sdelay $0x3  }
0x94: {  	_ =	strace s2  }
0x95: {  	s2 =	sld [smem:$0x3FFD];
	_ =	sdelay $0x3  }
0x96: {  	_ =	strace s2  }
0x97: {  	_ =	strace $0x8FFFFFFF  }
0x98: {  	s18 =	sld [smem:$0x3FDB];
	_ =	sdelay $0x1  }
0x99: {  	s19 =	simm.s32 $_scs_section_size  }
0x9a: {  	s4 =	simm.s32 $_size__tile_overlayer_lowered;
	s5 =	simm.s32 $_tile_overlayer_lowered  }
0x9b: {  	s22 =	simm.s32 $0x1BFF;
	s21 =	sshll.u32 s5, $0x1;
	s2 =	sadd.s32 s19, s18  }
0x9c: {  	s6 =	simm.s32 $0x0;
	s20 =	sshll.u32 s4, $0x1;
	s4 =	sadd.s32 s21, s2  }
0x9d: {  	[timem:s6], [sflag:s22] =	dma.local [hbm:s4], s20  }
0x9e: {  	_ =	swait.ge [sflag:s22], s20  }
0x9f: {  	s3 =	ssub.s32 $0x0, s20;
	[sflag:s22] =	ssyncset.done $0x0  }
0xa0: {  	[sflag:s22] =	ssyncadd.s32 s3;
	_ =	sdelay $0x1  }
0xa1: {  	s23 =	simm.s32 $0x1B8B  }
0xa2: {  	_ =	swait.ge [sflag:s23], $0x1  }
0xa3: {  	[sflag:s23] =	ssyncset.done $0x0  }
0xa4: {  	s25 =	simm.s32 $0x1B8E;
	s24 =	sld [smem:$0x3FFE];
	[sflag:s23] =	ssyncadd.s32 $0xFFFFFFFF  }
0xa5: {  	s26 =	simm.s32 $execute0_lowered;
	[smem:$0x3FD2] =	sst s25  }
0xa6: {  	s4 =	sshll.u32 s26, $0x1;
	_ =	strace $0x80000049;
	[dreg:$0x1] =	wrdreg $0xFFFFFFFF  }
0xa7: {  	s28 =	simm.s32 $_size_execute0_lowered;
	s2 =	sadd.s32 s2, s4;
	[dreg:$0x0] =	wrdreg $0x0  }
0xa8: {  	s4 =	sshll.u32 s28, $0x1;
	[dreg:$0x2] =	wrdreg s2  }
0xa9: {  	[dreg:$0x3] =	wrdreg s4  }
0xaa: {  	[dreg:$0x4] =	wrdreg $0xC0  }
0xab: {  	_ =	task [dreg:s6], $0x5FFFF  }
0xac: {  	[dreg:$0x1] =	wrdreg $0xFFFFFFFF  }
0xad: {  	[dreg:$0x0] =	wrdreg $0x60  }
0xae: {  	[dreg:$0x2] =	wrdreg s24  }
0xaf: {  	[dreg:$0x3] =	wrdreg $0x9  }
0xb0: {  	_ =	task.clear_ibuf [dreg:s6], $0x4FFFF;
	_ =	strace $0x90000049  }
0xb1: {  	s29 =	simm.s32 $0x9;
	_ =	strace $0x8000004B  }
0xb2: {  	_ =	swait.ge [sflag:s29], $0x1  }
0xb3: {  	[sflag:s29] =	ssyncadd.s32 $0xFFFFFFFF  }
0xb4: {  	_ =	strace $0x9000004B  }
0xb5: {  	_ =	sfence  }
0xb6: {  	s30 =	sld [smem:$0x0];
	_ =	sdelay $0x2  }
0xb7: {  	s31 =	sshll.u32 s1, $0xD;
	s1 =	sshrl.u32 s1, $0x2  }
0xb8: {  	s3 =	sand.u32 $0x4000, s31;
	s1 =	sadd.s32 s1, s30  }
0xb9: {  	s0 =	sor.u32 s3, s0;
	s1 =	sshll.u32 s1, $0x11  }
0xba: {  	s0 =	sor.u32 s1, s0  }
0xbb: {  	s0 =	sadd.s32 $0x8F2B, s0  }
0xbc: {  	[sflag:s0] =	ssyncadd.remote.s32 $0x1  }
0xbd: {  	_ =	sfence.sel $0xFFFF  }
0xbe: {  	[dreg:$0x0] =	wrdreg $0xFFFFFFFF;
	(pc) =	sbr.abs _section_cstart, $3  }
0xbf: {  	[dreg:$0x1] =	wrdreg $0xFFFFFFFF  }
0xc0: {  	_ =	task.clear_ibuf [dreg:s6], $0x2FFFF;
	_ =	strace $0x9FFFFFFF  }
0xc1: {  	(tm) =	ssettm $0x7FFFFFFF  }
tec
execute0_lowered:
.L_overlay_start_1:
0x0: {  	(tag) =	ssettag $0x1  }
0x1: {  	v0 =	vimm.s32 $0x4780;
	vm0 =	vcmask $0x300  }
0x2: {  	vm14 =	vcmask $0x704;
	v0 =	vsel vm0, $0x0, v0  }
0x3: {  	vm15 =	vcmask $0xB08;
	v0 =	vsel vm14, $0x80, v0  }
0x4: {  	vm4 =	vcmask $0xF0C;
	v0 =	vsel vm15, $0x100, v0  }
0x5: {  	vm5 =	vcmask $0x1310;
	v0 =	vsel vm4, $0x180, v0  }
0x6: {  	s4 =	rddreg [dreg:$0x0];
	vm6 =	vcmask $0x1714;
	v0 =	vsel vm5, $0x200, v0  }
0x7: {  	s0 =	rddreg [dreg:$0x1];
	s1 =	simm.s32 $0x0;
	vm7 =	vcmask $0x1B18;
	v0 =	vsel vm6, $0x280, v0  }
0x8: {  	s2 =	stileid.u32;
	s3 =	srdreg.scid;
	vm8 =	vcmask $0x1F1C;
	s10 =	simm.s32 $0x400;
	v0 =	vsel vm7, $0x300, v0  }
0x9: {  	vm9 =	vcmask $0x2320;
	s11 =	simm.s32 $0x18880;
	s12 =	simm.s32 $0x0;
	[smem:$0x7FF] =	sst s1;
	v0 =	vsel vm8, $0x380, v0  }
0xa: {  	vm10 =	vcmask $0x2724;
	s5 =	sand.u32 $0x1, s3;
	s6 =	sshll.u32 s2, $0x1;
	s3 =	sadd.s32 $0x80000, s4;
	v0 =	vsel vm9, $0x4400, v0  }
0xb: {  	vm11 =	vcmask $0x2B28;
	s7 =	sshll.u32 s2, $0x9;
	_ =	strace $0x8000004A;
	s6 =	sor.u32 s5, s6;
	v0 =	vsel vm10, $0x4480, v0  }
0xc: {  	vm12 =	vcmask $0x2F2C;
	s7 =	sand.u32 $0x1800, s7;
	s5 =	ssub.s32 $0x2, s5;
	s8 =	sshll.u32 s6, $0x4;
	v0 =	vsel vm11, $0x4500, v0  }
0xd: {  	vm13 =	vcmask $0x3330;
	s7 =	sadd.s32 s7, s4;
	s9 =	sshrl.u32 s5, $0x1;
	s30 =	sshll.u32 s6, $0xD;
	v0 =	vsel vm12, $0x4580, v0  }
0xe: {  	vm14 =	vcmask $0x3734;
	s8 =	sand.u32 $0x70, s8;
	s9 =	ssub.s32 s5, s9;
	s4 =	sadd.s32 s4, s30;
	v0 =	vsel vm13, $0x4600, v0  }
0xf: {  	vm15 =	vcmask $0x3B38;
	s31 =	sadd.s32 s8, s7;
	s6 =	smax.u32 s9, $0x1;
	s7 =	simm.s32 $0x80;
	v1 =	vsel vm14, $0x4680, v0  }
0x10: {  	v2 =	vimm.s32 $0x1;
	s8 =	simm.s32 $0x1;
	s9 =	simm.s32 $0x10080;
	s5 =	sadd.s32 $0x80200, s31;
	v0 =	vimm.s32 $0x0;
	v1 =	vsel vm15, $0x4700, v1  }
.LBB2_1:
0x11: {  	[tilespmem:s7], [sflag:$0x1] =	stream.linear.gather [hbm4b:s4+s1], $0x10000, $0x38;
	[tilespmem:$0x19080] =	vst v63  }
0x12: {  	_ =	swait.ge [sflag:s8], $0x10000  }
0x13: {  	[sflag:s8] =	ssyncset.done $0x0  }
0x14: {  	[sflag:s8] =	ssyncadd.s32 $0xFFFF0000  }
0x15: {  	[tilespmem:s1], [sflag:$0x1] =	stream.linear.gather [hbm4b:s3+s1], $0x80, $0x38;
	[tilespmem:$0x19080] =	vst v63  }
0x16: {  	_ =	swait.ge [sflag:s8], $0x80  }
0x17: {  	s13 =	sand.u32 $0x70, s1;
	s14 =	sand.u32 $0x3C00, s1;
	[sflag:s8] =	ssyncset.done $0x0  }
0x18: {  	s14 =	sor.u32 s13, s14;
	[sflag:s8] =	ssyncadd.s32 $0xFFFFFF80  }
0x19: {  	[tilespmem:s14+$0x10100] =	vst v0  }
0x1a: {  	[tilespmem:s14+$0x10180] =	vst v0  }
0x1b: {  	s17 =	sand.u32 $0x7, s1;
	[tilespmem:s14+$0x10200] =	vst v0  }
0x1c: {  	s15 =	simm.s32 $0x10;
	s16 =	simm.s32 $0x0;
	s13 =	simm.s32 $0x0;
	[tilespmem:s14+$0x10280] =	vst v0  }
.LBB2_2:
0x1d: {  	p0 =	sne.s32 s15, $0x7F0;
	s17 =	sshll.u32 s17, $0x4;
	[tilespmem:s14+$0x10300] =	vst v0  }
0x1e: {  	s17 =	sadd.s32 s17, s13;
	[tilespmem:s14+$0x10380] =	vst v0  }
0x1f: {  	[tilespmem:s14+$0x10080] =	vst v0;
	s17 =	sor.u32 $0x380, s17  }
0x20: {  	[tilespmem:s17+$0x10080] =	vst v0  }
0x21: {  	[tilespmem:s14+$0x14480] =	vst v0  }
0x22: {  	[tilespmem:s14+$0x14500] =	vst v0  }
0x23: {  	[tilespmem:s14+$0x14580] =	vst v0  }
0x24: {  	[tilespmem:s14+$0x14600] =	vst v0  }
0x25: {  	[tilespmem:s14+$0x14680] =	vst v0  }
0x26: {  	s13 =	sadd.s32 $0x80, s13;
	[tilespmem:s14+$0x14700] =	vst v0  }
0x27: {  	s18 =	sand.u32 $0x3C00, s13;
	s17 =	sand.u32 $0x70, s15;
	[tilespmem:s14+$0x14780] =	vst v0  }
.Ltmp0:
0x28: {  	[tilespmem:s14+$0x14800] =	vst v0;
	s14 =	sor.u32 s17, s18;
	(pc) =	sbr.rel @p0 .LBB2_2-.Ltmp0, $4  }
0x29: {  	[tilespmem:s14+$0x10100] =	vst v0  }
0x2a: {  	[tilespmem:s14+$0x10180] =	vst v0  }
0x2b: {  	s16 =	sadd.s32 $0x1, s16;
	[tilespmem:s14+$0x10200] =	vst v0  }
0x2c: {  	s15 =	sadd.s32 $0x10, s15;
	s17 =	sand.u32 $0x7, s16;
	[tilespmem:s14+$0x10280] =	vst v0  }
0x2d: {  	s15 =	sshll.u32 s17, $0x4;
	[tilespmem:s14+$0x10300] =	vst v0  }
0x2e: {  	[tilespmem:s14+$0x10380] =	vst v0;
	s13 =	sadd.s32 s15, s13  }
0x2f: {  	[tilespmem:s14+$0x10080] =	vst v0;
	s13 =	sor.u32 $0x380, s13  }
0x30: {  	[tilespmem:s13+$0x10080] =	vst v0  }
0x31: {  	[tilespmem:s14+$0x14480] =	vst v0  }
0x32: {  	[tilespmem:s14+$0x14500] =	vst v0  }
0x33: {  	[tilespmem:s14+$0x14580] =	vst v0  }
0x34: {  	[tilespmem:s14+$0x14600] =	vst v0  }
0x35: {  	s29 =	simm.s32 $0x0;
	s13 =	simm.s32 $0x0;
	[tilespmem:s14+$0x14680] =	vst v0  }
0x36: {  	s30 =	simm.s32 $0x0;
	s15 =	sand.u32 $0xF000, s29;
	[tilespmem:s14+$0x14700] =	vst v0;
	s16 =	sand.u32 $0xC00, s13  }
0x37: {  	s31 =	sand.u32 $0x380, s30;
	[tilespmem:s14+$0x14780] =	vst v0;
	s15 =	sor.u32 s16, s15  }
0x38: {  	[tilespmem:s14+$0x14800] =	vst v0;
	s14 =	sor.u32 s15, s31  }
0x39: {  	v10 =	vld [tilespmem:s14+$0xF0]  }
0x3a: {  	v5 =	vld [tilespmem:s14+$0x80]  }
0x3b: {  	v4 =	vld [tilespmem:s14+$0x90]  }
0x3c: {  	v6 =	vld [tilespmem:s14+$0xA0]  }
0x3d: {  	v8 =	vld [tilespmem:s14+$0xB0]  }
0x3e: {  	v7 =	vld [tilespmem:s14+$0xC0]  }
0x3f: {  	v3 =	vld [tilespmem:$0x0]  }
0x40: {  	v9 =	vld [tilespmem:s14+$0xD0];
	v11 =	vshrl.u32 v10, $0xA;
	v12 =	vshrl.u32 v10, $0x7  }
0x41: {  	v13 =	vshrl.u32 v10, $0x15;
	v14 =	vshrl.u32 v5, $0xA;
	v15 =	vshrl.u32 v4, $0xA  }
0x42: {  	v16 =	vshrl.u32 v4, $0x7;
	v17 =	vshrl.u32 v6, $0xA;
	v18 =	vshrl.u32 v6, $0x7  }
0x43: {  	v20 =	vshrl.u32 v8, $0xA;
	v21 =	vshrl.u32 v8, $0x7;
	v22 =	vshrl.u32 v7, $0xA  }
0x44: {  	v23 =	vshrl.u32 v7, $0x7;
	v11 =	vand.u32 $0x7F, v11;
	v12 =	vand.u32 $0x3C00, v12  }
0x45: {  	v10 =	vld [tilespmem:s14+$0xE0];
	v25 =	vshrl.u32 v9, $0xA;
	vm0 =	veq.s32 v13, v3;
	v11 =	vor.u32 v11, v12  }
0x46: {  	v26 =	vshrl.u32 v9, $0x7;
	v13 =	vshrl.u32 v5, $0x7;
	v19 =	vadd.s32 v1, v11  }
0x47: {  	v16 =	vand.u32 $0x3C00, v16;
	v24 =	vand.u32 $0x3C00, v23;
	v13 =	vand.u32 $0x3C00, v13  }
0x48: {  	v11 =	vand.u32 $0x7F, v14;
	v14 =	vand.u32 $0x7F, v15;
	v15 =	vand.u32 $0x7F, v17  }
0x49: {  	v17 =	vand.u32 $0x3C00, v18;
	v18 =	vand.u32 $0x7F, v20;
	v20 =	vand.u32 $0x3C00, v21  }
0x4a: {  	v21 =	vand.u32 $0x7F, v22;
	v22 =	vand.u32 $0x3C00, v26;
	v27 =	vshrl.u32 v10, $0xA  }
0x4b: {  	s16 =	simm.s32 $0x0;
	s15 =	simm.s32 $0x0;
	v12 =	vshrl.u32 v10, $0x7;
	v23 =	vand.u32 $0x7F, v27;
	[tilespmem:v19+s9+$0x0] =	vst.idx.add.s32.msk vm0, v2;
	v19 =	vand.u32 $0x7F, v25  }
.LBB2_4:
0x4c: {  	s15 =	sadd.s32 $0x8, s15;
	v11 =	vor.u32 v11, v13;
	v13 =	vor.u32 v14, v16;
	v12 =	vand.u32 $0x3C00, v12  }
0x4d: {  	v14 =	vor.u32 v15, v17;
	v15 =	vor.u32 v18, v20;
	v16 =	vor.u32 v21, v24;
	s16 =	sadd.s32 $0x400, s16;
	s14 =	sshll.u32 s15, $0x4;
	p0 =	slt.u32 s15, $0xFF8  }
0x4e: {  	v17 =	vshrl.u32 v5, $0x15;
	v18 =	vor.u32 v19, v22;
	s17 =	sand.u32 $0xC00, s16;
	s18 =	sshll.u32 s15, $0x2;
	v12 =	vor.u32 v23, v12;
	s14 =	sand.u32 $0xF000, s14  }
0x4f: {  	v19 =	vshrl.u32 v4, $0x15;
	v20 =	vshrl.u32 v6, $0x15;
	v8 =	vshrl.u32 v8, $0x15;
	s18 =	sand.u32 $0x380, s18;
	s14 =	sor.u32 s17, s14  }
0x50: {  	v7 =	vshrl.u32 v7, $0x15;
	v9 =	vshrl.u32 v9, $0x15;
	v10 =	vshrl.u32 v10, $0x15;
	s14 =	sor.u32 s14, s18  }
0x51: {  	v11 =	vadd.s32 v1, v11;
	v13 =	vadd.s32 v1, v13;
	v14 =	vadd.s32 v1, v14;
	v21 =	vld [tilespmem:s14+$0xF0]  }
0x52: {  	v15 =	vadd.s32 v1, v15;
	v16 =	vadd.s32 v1, v16;
	v22 =	vadd.s32 v1, v18;
	v5 =	vld [tilespmem:s14+$0x80]  }
0x53: {  	vm6 =	veq.s32 v17, v3;
	vm5 =	veq.s32 v19, v3;
	v19 =	vadd.s32 v1, v12;
	v4 =	vld [tilespmem:s14+$0x90]  }
0x54: {  	vm4 =	veq.s32 v20, v3;
	vm3 =	veq.s32 v8, v3;
	vm2 =	veq.s32 v7, v3;
	v6 =	vld [tilespmem:s14+$0xA0]  }
0x55: {  	vm1 =	veq.s32 v9, v3;
	vm0 =	veq.s32 v10, v3;
	v8 =	vld [tilespmem:s14+$0xB0]  }
0x56: {  	v7 =	vld [tilespmem:s14+$0xC0];
	v10 =	vshrl.u32 v21, $0xA;
	v12 =	vshrl.u32 v21, $0x7  }
0x57: {  	v17 =	vshrl.u32 v21, $0x15;
	v9 =	vld [tilespmem:s14+$0xD0];
	v18 =	vand.u32 $0x7F, v10;
	v12 =	vand.u32 $0x3C00, v12  }
0x58: {  	v20 =	vshrl.u32 v5, $0xA;
	vm7 =	veq.s32 v17, v3;
	v10 =	vld [tilespmem:s14+$0xE0];
	v12 =	vor.u32 v18, v12  }
0x59: {  	v17 =	vshrl.u32 v5, $0x7;
	v18 =	vshrl.u32 v4, $0xA;
	v21 =	vadd.s32 v1, v12;
	[tilespmem:v11+s9+$0x0] =	vst.idx.add.s32.msk vm6, v2  }
0x5a: {  	v23 =	vshrl.u32 v4, $0x7;
	v24 =	vshrl.u32 v6, $0xA;
	v25 =	vshrl.u32 v6, $0x7;
	[tilespmem:v13+s9+$0x0] =	vst.idx.add.s32.msk vm5, v2  }
0x5b: {  	v26 =	vshrl.u32 v8, $0xA;
	v27 =	vshrl.u32 v8, $0x7;
	v28 =	vshrl.u32 v7, $0xA;
	[tilespmem:v14+s9+$0x0] =	vst.idx.add.s32.msk vm4, v2  }
0x5c: {  	v29 =	vshrl.u32 v7, $0x7;
	v30 =	vshrl.u32 v9, $0xA;
	v31 =	vshrl.u32 v9, $0x7;
	[tilespmem:v15+s9+$0x0] =	vst.idx.add.s32.msk vm3, v2  }
.Ltmp1:
0x5d: {  	v11 =	vand.u32 $0x7F, v20;
	v32 =	vshrl.u32 v10, $0xA;
	v12 =	vshrl.u32 v10, $0x7;
	[tilespmem:v16+s9+$0x0] =	vst.idx.add.s32.msk vm2, v2;
	(pc) =	sbr.rel @p0 .LBB2_4-.Ltmp1, $4  }
0x5e: {  	s14 =	simm.s32 $0x18880;
	v13 =	vand.u32 $0x3C00, v17;
	v14 =	vand.u32 $0x7F, v18;
	v16 =	vand.u32 $0x3C00, v23;
	[tilespmem:v21+s9+$0x0] =	vst.idx.add.s32.msk vm7, v2  }
0x5f: {  	v17 =	vand.u32 $0x3C00, v25;
	v18 =	vand.u32 $0x7F, v26;
	v15 =	vand.u32 $0x7F, v24;
	[tilespmem:v22+s9+$0x0] =	vst.idx.add.s32.msk vm1, v2  }
0x60: {  	v20 =	vand.u32 $0x3C00, v27;
	v24 =	vand.u32 $0x3C00, v29;
	v21 =	vand.u32 $0x7F, v28;
	[tilespmem:v19+s9+$0x0] =	vst.idx.add.s32.msk vm0, v2  }
0x61: {  	v23 =	vand.u32 $0x7F, v32;
	v22 =	vand.u32 $0x3C00, v31;
	v19 =	vand.u32 $0x7F, v30  }
0x62: {  	v11 =	vor.u32 v11, v13;
	v37 =	vor.u32 v14, v16  }
0x63: {  	v12 =	vand.u32 $0x3C00, v12;
	v38 =	vor.u32 v15, v17;
	v39 =	vor.u32 v18, v20  }
0x64: {  	v40 =	vor.u32 v21, v24;
	v5 =	vshrl.u32 v5, $0x15;
	v41 =	vor.u32 v19, v22  }
0x65: {  	v4 =	vshrl.u32 v4, $0x15;
	v42 =	vshrl.u32 v6, $0x15;
	vm0 =	veq.s32 v5, v3  }
0x66: {  	v44 =	vshrl.u32 v8, $0x15;
	v43 =	vadd.s32 v1, v11;
	vm1 =	veq.s32 v4, v3  }
0x67: {  	v46 =	vshrl.u32 v7, $0x15;
	v45 =	vadd.s32 v1, v37;
	vm2 =	veq.s32 v42, v3  }
0x68: {  	v48 =	vshrl.u32 v9, $0x15;
	v47 =	vadd.s32 v1, v38;
	vm3 =	veq.s32 v44, v3  }
0x69: {  	v50 =	vshrl.u32 v10, $0x15;
	v49 =	vadd.s32 v1, v39;
	vm4 =	veq.s32 v46, v3  }
0x6a: {  	v12 =	vor.u32 v23, v12;
	v51 =	vadd.s32 v1, v40;
	vm5 =	veq.s32 v48, v3  }
0x6b: {  	v52 =	vadd.s32 v1, v41;
	vm6 =	veq.s32 v50, v3;
	[tilespmem:v43+s9+$0x0] =	vst.idx.add.s32.msk vm0, v2  }
0x6c: {  	v3 =	vadd.s32 v1, v12;
	[tilespmem:v45+s9+$0x0] =	vst.idx.add.s32.msk vm1, v2  }
0x6d: {  	[tilespmem:v47+s9+$0x0] =	vst.idx.add.s32.msk vm2, v2  }
0x6e: {  	[tilespmem:v49+s9+$0x0] =	vst.idx.add.s32.msk vm3, v2  }
0x6f: {  	[tilespmem:v51+s9+$0x0] =	vst.idx.add.s32.msk vm4, v2  }
0x70: {  	s15 =	sand.u32 $0x70, s13;
	s30 =	sand.u32 $0x3C00, s13;
	[tilespmem:v52+s9+$0x0] =	vst.idx.add.s32.msk vm5, v2  }
0x71: {  	s13 =	sor.u32 s15, s30;
	[tilespmem:v3+s9+$0x0] =	vst.idx.add.s32.msk vm6, v2  }
0x72: {  	v3 =	vld [tilespmem:s13+$0x10100]  }
0x73: {  	v4 =	vld [tilespmem:s13+$0x10080]  }
0x74: {  	v53 =	vld [tilespmem:s13+$0x10180]  }
0x75: {  	v6 =	vld [tilespmem:s13+$0x10200]  }
0x76: {  	v7 =	vld [tilespmem:s13+$0x10280]  }
0x77: {  	v8 =	vld [tilespmem:s13+$0x10300]  }
0x78: {  	v54 =	vld [tilespmem:s13+$0x10380];
	v3 =	vadd.s32 v4, v3  }
0x79: {  	v55 =	vld [tilespmem:s13+$0x10400];
	v3 =	vadd.s32 v53, v3  }
0x7a: {  	v56 =	vld [tilespmem:s13+$0x14480];
	v3 =	vadd.s32 v6, v3  }
0x7b: {  	v57 =	vld [tilespmem:s13+$0x14500];
	v3 =	vadd.s32 v7, v3  }
0x7c: {  	v58 =	vld [tilespmem:s13+$0x14580];
	v3 =	vadd.s32 v8, v3  }
0x7d: {  	v59 =	vld [tilespmem:s13+$0x14600];
	v3 =	vadd.s32 v54, v3  }
0x7e: {  	v60 =	vld [tilespmem:s13+$0x14680];
	v3 =	vadd.s32 v55, v3  }
0x7f: {  	v61 =	vld [tilespmem:s13+$0x14700];
	v3 =	vadd.s32 v56, v3  }
0x80: {  	v62 =	vld [tilespmem:s13+$0x14780];
	v3 =	vadd.s32 v57, v3  }
0x81: {  	v63 =	vld [tilespmem:s13+$0x14800];
	v3 =	vadd.s32 v58, v3  }
0x82: {  	v3 =	vadd.s32 v59, v3  }
0x83: {  	v3 =	vadd.s32 v60, v3  }
0x84: {  	v3 =	vadd.s32 v61, v3  }
0x85: {  	s31 =	simm.s32 $0x10;
	s15 =	simm.s32 $0x80;
	v3 =	vadd.s32 v62, v3  }
0x86: {  	s16 =	sand.u32 $0x3C00, s15;
	s13 =	sand.u32 $0x70, s31;
	v3 =	vadd.s32 v63, v3  }
0x87: {  	s13 =	sor.u32 s13, s16;
	s16 =	simm.s32 $0x20;
	[tilespmem:s14+$0x0] =	vst v3  }
.LBB2_6:
0x88: {  	p0 =	sne.s32 s16, $0x7F0;
	v3 =	vld [tilespmem:s13+$0x10100]  }
0x89: {  	v4 =	vld [tilespmem:s13+$0x10080]  }
0x8a: {  	v5 =	vld [tilespmem:s13+$0x10180]  }
0x8b: {  	v6 =	vld [tilespmem:s13+$0x10200]  }
0x8c: {  	v7 =	vld [tilespmem:s13+$0x10280]  }
0x8d: {  	v8 =	vld [tilespmem:s13+$0x10300]  }
0x8e: {  	v3 =	vadd.s32 v4, v3;
	v4 =	vld [tilespmem:s13+$0x10380]  }
0x8f: {  	v3 =	vadd.s32 v5, v3;
	v5 =	vld [tilespmem:s13+$0x10400]  }
0x90: {  	v3 =	vadd.s32 v6, v3;
	v6 =	vld [tilespmem:s13+$0x14480]  }
0x91: {  	v3 =	vadd.s32 v7, v3;
	v7 =	vld [tilespmem:s13+$0x14500]  }
0x92: {  	v3 =	vadd.s32 v8, v3;
	v8 =	vld [tilespmem:s13+$0x14580]  }
0x93: {  	v3 =	vadd.s32 v4, v3;
	v4 =	vld [tilespmem:s13+$0x14600]  }
0x94: {  	v3 =	vadd.s32 v5, v3;
	v5 =	vld [tilespmem:s13+$0x14680]  }
0x95: {  	v3 =	vadd.s32 v6, v3;
	v6 =	vld [tilespmem:s13+$0x14700]  }
0x96: {  	v3 =	vadd.s32 v7, v3;
	v7 =	vld [tilespmem:s13+$0x14780]  }
0x97: {  	v3 =	vadd.s32 v8, v3;
	v8 =	vld [tilespmem:s13+$0x14800]  }
0x98: {  	v3 =	vadd.s32 v4, v3  }
.Ltmp2:
0x99: {  	v3 =	vadd.s32 v5, v3;
	(pc) =	sbr.rel @p0 .LBB2_6-.Ltmp2, $4  }
0x9a: {  	v3 =	vadd.s32 v6, v3  }
0x9b: {  	s15 =	sadd.s32 $0x80, s15;
	v3 =	vadd.s32 v7, v3  }
0x9c: {  	s14 =	sadd.s32 $0x10, s14;
	s17 =	sand.u32 $0x3C00, s15;
	s13 =	sand.u32 $0x70, s16;
	v3 =	vadd.s32 v8, v3  }
0x9d: {  	s16 =	sadd.s32 $0x10, s16;
	s13 =	sor.u32 s13, s17;
	[tilespmem:s14+$0x0] =	vst v3  }
0x9e: {  	v3 =	vld [tilespmem:s13+$0x10100]  }
0x9f: {  	v4 =	vld [tilespmem:s13+$0x10080]  }
0xa0: {  	v5 =	vld [tilespmem:s13+$0x10180]  }
0xa1: {  	v6 =	vld [tilespmem:s13+$0x10200]  }
0xa2: {  	v7 =	vld [tilespmem:s13+$0x10280]  }
0xa3: {  	v8 =	vld [tilespmem:s13+$0x10300]  }
0xa4: {  	v54 =	vld [tilespmem:s13+$0x10380];
	v3 =	vadd.s32 v4, v3  }
0xa5: {  	v55 =	vld [tilespmem:s13+$0x10400];
	v3 =	vadd.s32 v5, v3  }
0xa6: {  	v56 =	vld [tilespmem:s13+$0x14480];
	v3 =	vadd.s32 v6, v3  }
0xa7: {  	v57 =	vld [tilespmem:s13+$0x14500];
	v3 =	vadd.s32 v7, v3  }
0xa8: {  	v58 =	vld [tilespmem:s13+$0x14580];
	v3 =	vadd.s32 v8, v3  }
0xa9: {  	v59 =	vld [tilespmem:s13+$0x14600];
	v3 =	vadd.s32 v54, v3  }
0xaa: {  	v60 =	vld [tilespmem:s13+$0x14680];
	v3 =	vadd.s32 v55, v3  }
0xab: {  	v61 =	vld [tilespmem:s13+$0x14700];
	v3 =	vadd.s32 v56, v3  }
0xac: {  	v62 =	vld [tilespmem:s13+$0x14780];
	v3 =	vadd.s32 v57, v3  }
0xad: {  	v63 =	vld [tilespmem:s13+$0x14800];
	v3 =	vadd.s32 v58, v3  }
0xae: {  	v3 =	vadd.s32 v59, v3  }
0xaf: {  	v3 =	vadd.s32 v60, v3  }
0xb0: {  	v3 =	vadd.s32 v61, v3  }
0xb1: {  	s12 =	sadd.s32 $0x1, s12;
	v3 =	vadd.s32 v62, v3  }
0xb2: {  	s31 =	sadd.s32 $0x10, s14;
	p0 =	sne.s32 s12, s6;
	v3 =	vadd.s32 v63, v3  }
.Ltmp3:
0xb3: {  	[tilespmem:s31+$0x0] =	vst v3;
	(pc) =	sbr.rel @p0 .LBB2_1-.Ltmp3, $4  }
0xb4: {  	[hbm4b:s5+s7] =	stream.strided.scatter [tilespmem:s11], [sflag:$0x1], $0x800, s10, s7, $0x38;
	[tilespmem:$0x19080] =	vst v63  }
0xb5: {  	_ =	swait.ge [sflag:s8], $0x800  }
0xb6: {  	[sflag:s8] =	ssyncset.done $0x0  }
0xb7: {  	[sflag:s8] =	ssyncadd.s32 $0xFFFFF800  }
0xb8: {  	_ =	sfence.sel $0x180000  }
0xb9: {  	[bflag:$0x0] =	sbarrier.arrive $0xFFFF  }
0xba: {  	p0 =	sne.s32 s2, $0x0;
	_ =	strace $0x9000004A  }
0xbb: {  	s0 =	sadd.s32 @!p0 $0x100000, s0;
	[bflag:$0x2] =	sbarrier.arrive $0xFFFF  }
0xbc: {  	[sflag:s0] =	ssyncadd.tile.s32 @!p0 $0x1;
	_ =	shalt  }
.Lfunc_end2:
_tile_overlayer_lowered:
.L_overlay_start_2:
0xbd: {  	(tag) =	ssettag $0x2  }
0xbe: {  	s0 =	rddreg [dreg:$0x0];
	s2 =	stileid.u32  }
0xbf: {  	s1 =	rddreg [dreg:$0x1];
	p0 =	sne.s32 s2, $0x0  }
0xc0: {  	s3 =	rddreg [dreg:$0x2];
	[bflag:$0x3] =	sbarrier.arrive $0xFFFF;
	s2 =	simm.s32 @!p0 $0x1C01  }
0xc1: {  	[timem:s3], [sflag:s2] =	dma.local @!p0 [hbm:s0], s1  }
0xc2: {  	s0 =	simm.s32 @!p0 $0x1  }
0xc3: {  	_ =	swait.ge @!p0 [sflag:s0], s1  }
0xc4: {  	s1 =	ssub.s32 @!p0 $0x0, s1;
	[sflag:s0] =	ssyncset.done @!p0 $0x0  }
0xc5: {  	[sflag:s0] =	ssyncadd.s32 @!p0 s1  }
0xc6: {  	[bflag:$0x3] =	sbarrier.arrive $0xFFFF  }
0xc7: {  	_ =	shalt  }

</sc_bundles>
